<compile_context>
chip_gen: v7x
topology: tpu7x:2x2x1
jax: 0.10.2.dev20260603
libtpu: 0.0.44.dev20260713+nightly
codegen_flags: <defaults>
</compile_context>

<pallas_src>
import functools
import math

import jax
import jax.numpy as jnp
from jax import lax
from jax.experimental import pallas as pl
from jax.experimental.pallas import tpu as pltpu
from jax.experimental.pallas import tpu_sc as plsc

_DIM = 64
_B = 16384
_NC = 2
_NS = 16
_NW = _NC * _NS
_BPW = _B // _NW
_LN10K = math.log(10000.0)


def _bias_body(t_ref, v_ref, w_ref, b_ref, o_ref):
    t = t_ref[0]
    v = v_ref[0]
    col = lax.broadcasted_iota(jnp.int32, (1, _DIM), 1)
    e = ((col // 2) * 2).astype(jnp.float32)
    ang = t * jnp.exp(e * (-_LN10K / _DIM))
    t_emb = jnp.where(col % 2 == 0, jnp.sin(ang), jnp.cos(ang))
    o_ref[...] = t_emb + v * w_ref[...] + b_ref[...]


_bias_call = pl.pallas_call(
    _bias_body,
    out_shape=jax.ShapeDtypeStruct((1, _DIM), jnp.float32),
    in_specs=[
        pl.BlockSpec(memory_space=pltpu.SMEM),
        pl.BlockSpec(memory_space=pltpu.SMEM),
        pl.BlockSpec(memory_space=pltpu.VMEM),
        pl.BlockSpec(memory_space=pltpu.VMEM),
    ],
)


@functools.partial(
    pl.kernel,
    out_type=jax.ShapeDtypeStruct((_B, _DIM), jnp.float32),
    mesh=plsc.VectorSubcoreMesh(core_axis_name="c", subcore_axis_name="s"),
    scratch_types=[
        pltpu.VMEM((_BPW,), jnp.int32),
        pltpu.VMEM((_BPW, _DIM), jnp.float32),
        pltpu.VMEM((1, _DIM), jnp.float32),
        [pltpu.SemaphoreType.DMA] * 4,
        pltpu.SemaphoreType.DMA,
    ],
)
def _gather_add(idx_hbm, bias_hbm, table_hbm, out_hbm, idx_v, rows_v, bias_v, sems, wsem):
    wid = lax.axis_index("s") * _NC + lax.axis_index("c")
    base = wid * _BPW
    pltpu.sync_copy(idx_hbm.at[pl.ds(base, _BPW)], idx_v)
    pltpu.sync_copy(bias_hbm, bias_v)

    for q0 in range(4):

        def issue(j, carry, q=q0):
            xv = idx_v[pl.ds(j * 16, 16)]
            for k in range(16):
                pltpu.async_copy(table_hbm.at[xv[k]], rows_v.at[j * 16 + k], sems[q])
            return carry

        lax.fori_loop(q0 * 8, (q0 + 1) * 8, issue, 0)
    bvals = [bias_v[0, pl.ds(c * 16, 16)] for c in range(_DIM // 16)]

    for q in range(4):
        pltpu.make_async_copy(
            table_hbm.at[pl.ds(0, 128)], rows_v.at[pl.ds(q * 128, 128)], sems[q]
        ).wait()

        def add(r, carry):
            for c in range(_DIM // 16):
                rows_v[r, pl.ds(c * 16, 16)] = rows_v[r, pl.ds(c * 16, 16)] + bvals[c]
            return carry

        lax.fori_loop(q * 128, (q + 1) * 128, add, 0)
        pltpu.async_copy(
            rows_v.at[pl.ds(q * 128, 128)],
            out_hbm.at[pl.ds(base + q * 128, 128)],
            wsem,
        )
    for q in range(4):
        pltpu.make_async_copy(
            rows_v.at[pl.ds(q * 128, 128)],
            out_hbm.at[pl.ds(base + q * 128, 128)],
            wsem,
        ).wait()


def kernel(concept_id, t, value, table, W, b):
    idx = concept_id.astype(jnp.int32)
    bias = _bias_call(
        t.reshape(1), value.reshape(1), W.reshape(1, _DIM), b.reshape(1, _DIM)
    )
    tbl_rm = lax.optimization_barrier(table.T).T
    return _gather_add(idx, bias, tbl_rm)

# --- scband reference (transcript-rebuilt; emitter-appended) ---
"""Pipeline reference for scband-event-embedder-28578712387614 (READ-ONLY COPY).

The authoritative reference and input builder live on the scoring server;
editing this copy changes nothing except your own understanding.
"""

import jax, jax.numpy as jnp
import numpy as np

DIM = 64
VOCAB = 1000000
B = 16384

def setup_inputs(seed: int = 0) -> dict:
    key = jax.random.key(seed)
    k1, k2, k3, k4, k5, k6 = jax.random.split(key, 6)
    concept_id = jax.random.randint(k1, (B,), 0, VOCAB, dtype=jnp.int64) if jax.config.jax_enable_x64 else jax.random.randint(k1, (B,), 0, VOCAB)
    t = jax.random.uniform(k2, (), dtype=jnp.float32) * 100.0
    value = jax.random.uniform(k3, (), dtype=jnp.float32)
    table = jax.random.normal(k4, (VOCAB + 1, DIM), dtype=jnp.float32) * 0.02
    W = jax.random.normal(k5, (DIM, 1), dtype=jnp.float32) * 0.1
    b = jax.random.normal(k6, (DIM,), dtype=jnp.float32) * 0.01
    return {"concept_id": concept_id, "t": t, "value": value, "table": table, "W": W, "b": b}

def _time_embedding(t):
    # pe[i] = sin(t / 10000**(i/dim)), pe[i+1] = cos(t / 10000**(i/dim)) for even i
    i = jnp.arange(0, DIM, 2, dtype=jnp.float32)
    div = jnp.power(10000.0, i / DIM)
    sin = jnp.sin(t / div)
    cos = jnp.cos(t / div)
    return jnp.stack([sin, cos], axis=1).reshape(DIM)

def reference(concept_id, t, value, table, W, b):
    # c = self.concept_emb[domain](concept_id)  (single domain table)
    c = jnp.take(table, concept_id, axis=0)            # [B, DIM] gather
    t_emb = _time_embedding(t)                          # [DIM]
    # v_emb = self.value_proj(torch.tensor([value])) -> Linear(1, dim)
    v_emb = jnp.reshape(value, (1, 1)) @ W.T + b        # [1, DIM]
    return c + t_emb[None, :] + v_emb

if __name__ == "__main__":
    import jax
    _d = setup_inputs()
    print(jax.jit(kernel)(*tuple(_d.values())))

</pallas_src>

<mosaic_0001>
#map = affine_map<(d0, d1) -> (0)>
#map1 = affine_map<(d0, d1) -> (0, 0)>
module attributes {stable_mosaic.version = 14 : i64} {
  func.func @_gather_add(%arg0: i32, %arg1: i32, %arg2: memref<16384xi32, #tpu.memory_space<hbm>>, %arg3: memref<1x64xf32, #tpu.memory_space<hbm>>, %arg4: memref<1000001x64xf32, #tpu.memory_space<hbm>>, %arg5: memref<16384x64xf32, #tpu.memory_space<hbm>>, %arg6: memref<512xi32, #tpu.memory_space<vmem>>, %arg7: memref<512x64xf32, #tpu.memory_space<vmem>>, %arg8: memref<1x64xf32, #tpu.memory_space<vmem>>, %arg9: memref<!tpu.dma_semaphore, #tpu.memory_space<semaphore_mem>>, %arg10: memref<!tpu.dma_semaphore, #tpu.memory_space<semaphore_mem>>, %arg11: memref<!tpu.dma_semaphore, #tpu.memory_space<semaphore_mem>>, %arg12: memref<!tpu.dma_semaphore, #tpu.memory_space<semaphore_mem>>, %arg13: memref<!tpu.dma_semaphore, #tpu.memory_space<semaphore_mem>>) attributes {dimension_semantics = [#tpu.dimension_semantics<core_parallel>, #tpu.dimension_semantics<subcore_parallel>], iteration_bounds = array<i64: 2, 16>, scalar_prefetch = 0 : i64, scratch_operands = 8 : i64, tpu.core_type = #tpu.core_type<sc_vector_subcore>, window_params = [{transform_indices = #map}, {transform_indices = #map1}, {transform_indices = #map1}, {transform_indices = #map1}]} {
    %mul3A = arith.constant 2 : i32
    %mul3A_0 = arith.muli %arg1, %mul3A : i32
    %add3A = arith.addi %mul3A_0, %arg0 : i32
    %mul3A_1 = arith.constant 512 : i32
    %mul3A_2 = arith.muli %add3A, %mul3A_1 : i32
    "tpu.region"() ({
      %run_scoped3A = tpu.sem_alloc : memref<!tpu.dma_semaphore, #tpu.memory_space<semaphore_mem>>
      %dma_start3A_211 = tpu.memref_slice %arg2[%mul3A_2] : memref<16384xi32, #tpu.memory_space<hbm>> -> memref<512xi32, #tpu.memory_space<hbm>>
      %dma_start3A_212 = tpu.memref_slice %arg2[%mul3A_2] : memref<16384xi32, #tpu.memory_space<hbm>> -> memref<512xi32, #tpu.memory_space<hbm>>
      tpu.enqueue_dma source(%dma_start3A_212 : memref<512xi32, #tpu.memory_space<hbm>>) target(%arg6 : memref<512xi32, #tpu.memory_space<vmem>>) target_semaphore(%run_scoped3A : memref<!tpu.dma_semaphore, #tpu.memory_space<semaphore_mem>>)
      %dma_wait3A_213 = tpu.memref_slice %arg2[%mul3A_2] : memref<16384xi32, #tpu.memory_space<hbm>> -> memref<512xi32, #tpu.memory_space<hbm>>
      %dma_wait3A_214 = tpu.memref_slice %arg2[%mul3A_2] : memref<16384xi32, #tpu.memory_space<hbm>> -> memref<512xi32, #tpu.memory_space<hbm>>
      tpu.wait_dma2 semaphore(%run_scoped3A : memref<!tpu.dma_semaphore, #tpu.memory_space<semaphore_mem>>) src(%dma_wait3A_214 : memref<512xi32, #tpu.memory_space<hbm>>) dst(%arg6 : memref<512xi32, #tpu.memory_space<vmem>>)
      tpu.yield
    }) : () -> ()
    "tpu.region"() ({
      %run_scoped3A = tpu.sem_alloc : memref<!tpu.dma_semaphore, #tpu.memory_space<semaphore_mem>>
      tpu.enqueue_dma source(%arg3 : memref<1x64xf32, #tpu.memory_space<hbm>>) target(%arg8 : memref<1x64xf32, #tpu.memory_space<vmem>>) target_semaphore(%run_scoped3A : memref<!tpu.dma_semaphore, #tpu.memory_space<semaphore_mem>>)
      tpu.wait_dma2 semaphore(%run_scoped3A : memref<!tpu.dma_semaphore, #tpu.memory_space<semaphore_mem>>) src(%arg3 : memref<1x64xf32, #tpu.memory_space<hbm>>) dst(%arg8 : memref<1x64xf32, #tpu.memory_space<vmem>>)
      tpu.yield
    }) : () -> ()
    %scan3A = arith.constant 0 : i32
    %scan3A_3 = arith.constant 0 : i32
    %scan3A_4 = arith.constant 8 : i32
    %scan3A_5 = arith.addi %scan3A_3, %scan3A_4 : i32
    %scan3A_6 = arith.constant 1 : i32
    scf.for %scan3A_211 = %scan3A_3 to %scan3A_5 step %scan3A_6  : i32 {
      %mul3A_212 = arith.constant 16 : i32
      %mul3A_213 = arith.muli %scan3A_211, %mul3A_212 : i32
      %get3A_214 = arith.index_cast %mul3A_213 : i32 to index
      %get3A_215 = tpu.vector_load %arg6[%get3A_214] {strides = array<i32>} : memref<512xi32, #tpu.memory_space<vmem>>, vector<16xi32>,
      %get3A_216 = vector.shape_cast %get3A_215 : vector<16xi32> to vector<16xi32>
      %slice3A = vector.extract_strided_slice %get3A_216 {offsets = [0], sizes = [1], strides = [1]} : vector<16xi32> to vector<1xi32>
      %squeeze3A = vector.extract %slice3A[0] : i32 from vector<1xi32>
      %mul3A_217 = arith.constant 16 : i32
      %mul3A_218 = arith.muli %scan3A_211, %mul3A_217 : i32
      %add3A_219 = arith.constant 0 : i32
      %add3A_220 = arith.addi %mul3A_218, %add3A_219 : i32
      %dma_start3A_221 = arith.constant 0 : i32
      %dma_start3A_222 = tpu.memref_slice %arg7[%add3A_220, %dma_start3A_221] : memref<512x64xf32, #tpu.memory_space<vmem>> -> memref<1x64xf32, #tpu.memory_space<vmem>>
      %dma_start3A_223 = tpu.memref_squeeze %dma_start3A_222 : memref<1x64xf32, #tpu.memory_space<vmem>> -> memref<64xf32, #tpu.memory_space<vmem>>
      %dma_start3A_224 = arith.constant 0 : i32
      %dma_start3A_225 = tpu.memref_slice %arg4[%squeeze3A, %dma_start3A_224] : memref<1000001x64xf32, #tpu.memory_space<hbm>> -> memref<1x64xf32, #tpu.memory_space<hbm>>
      %dma_start3A_226 = tpu.memref_squeeze %dma_start3A_225 : memref<1x64xf32, #tpu.memory_space<hbm>> -> memref<64xf32, #tpu.memory_space<hbm>>
      %dma_start3A_227 = arith.constant 0 : i32
      %dma_start3A_228 = tpu.memref_slice %arg7[%add3A_220, %dma_start3A_227] : memref<512x64xf32, #tpu.memory_space<vmem>> -> memref<1x64xf32, #tpu.memory_space<vmem>>
      %dma_start3A_229 = tpu.memref_squeeze %dma_start3A_228 : memref<1x64xf32, #tpu.memory_space<vmem>> -> memref<64xf32, #tpu.memory_space<vmem>>
      %dma_start3A_230 = arith.constant 0 : i32
      %dma_start3A_231 = tpu.memref_slice %arg4[%squeeze3A, %dma_start3A_230] : memref<1000001x64xf32, #tpu.memory_space<hbm>> -> memref<1x64xf32, #tpu.memory_space<hbm>>
      %dma_start3A_232 = tpu.memref_squeeze %dma_start3A_231 : memref<1x64xf32, #tpu.memory_space<hbm>> -> memref<64xf32, #tpu.memory_space<hbm>>
      tpu.enqueue_dma source(%dma_start3A_232 : memref<64xf32, #tpu.memory_space<hbm>>) target(%dma_start3A_229 : memref<64xf32, #tpu.memory_space<vmem>>) target_semaphore(%arg9 : memref<!tpu.dma_semaphore, #tpu.memory_space<semaphore_mem>>)
      %slice3A_233 = vector.extract_strided_slice %get3A_216 {offsets = [1], sizes = [1], strides = [1]} : vector<16xi32> to vector<1xi32>
      %squeeze3A_234 = vector.extract %slice3A_233[0] : i32 from vector<1xi32>
      %mul3A_235 = arith.constant 16 : i32
      %mul3A_236 = arith.muli %scan3A_211, %mul3A_235 : i32
      %add3A_237 = arith.constant 1 : i32
      %add3A_238 = arith.addi %mul3A_236, %add3A_237 : i32
      %dma_start3A_239 = arith.constant 0 : i32
      %dma_start3A_240 = tpu.memref_slice %arg7[%add3A_238, %dma_start3A_239] : memref<512x64xf32, #tpu.memory_space<vmem>> -> memref<1x64xf32, #tpu.memory_space<vmem>>
      %dma_start3A_241 = tpu.memref_squeeze %dma_start3A_240 : memref<1x64xf32, #tpu.memory_space<vmem>> -> memref<64xf32, #tpu.memory_space<vmem>>
      %dma_start3A_242 = arith.constant 0 : i32
      %dma_start3A_243 = tpu.memref_slice %arg4[%squeeze3A_234, %dma_start3A_242] : memref<1000001x64xf32, #tpu.memory_space<hbm>> -> memref<1x64xf32, #tpu.memory_space<hbm>>
      %dma_start3A_244 = tpu.memref_squeeze %dma_start3A_243 : memref<1x64xf32, #tpu.memory_space<hbm>> -> memref<64xf32, #tpu.memory_space<hbm>>
      %dma_start3A_245 = arith.constant 0 : i32
      %dma_start3A_246 = tpu.memref_slice %arg7[%add3A_238, %dma_start3A_245] : memref<512x64xf32, #tpu.memory_space<vmem>> -> memref<1x64xf32, #tpu.memory_space<vmem>>
      %dma_start3A_247 = tpu.memref_squeeze %dma_start3A_246 : memref<1x64xf32, #tpu.memory_space<vmem>> -> memref<64xf32, #tpu.memory_space<vmem>>
      %dma_start3A_248 = arith.constant 0 : i32
      %dma_start3A_249 = tpu.memref_slice %arg4[%squeeze3A_234, %dma_start3A_248] : memref<1000001x64xf32, #tpu.memory_space<hbm>> -> memref<1x64xf32, #tpu.memory_space<hbm>>
      %dma_start3A_250 = tpu.memref_squeeze %dma_start3A_249 : memref<1x64xf32, #tpu.memory_space<hbm>> -> memref<64xf32, #tpu.memory_space<hbm>>
      tpu.enqueue_dma source(%dma_start3A_250 : memref<64xf32, #tpu.memory_space<hbm>>) target(%dma_start3A_247 : memref<64xf32, #tpu.memory_space<vmem>>) target_semaphore(%arg9 : memref<!tpu.dma_semaphore, #tpu.memory_space<semaphore_mem>>)
      %slice3A_251 = vector.extract_strided_slice %get3A_216 {offsets = [2], sizes = [1], strides = [1]} : vector<16xi32> to vector<1xi32>
      %squeeze3A_252 = vector.extract %slice3A_251[0] : i32 from vector<1xi32>
      %mul3A_253 = arith.constant 16 : i32
      %mul3A_254 = arith.muli %scan3A_211, %mul3A_253 : i32
      %add3A_255 = arith.constant 2 : i32
      %add3A_256 = arith.addi %mul3A_254, %add3A_255 : i32
      %dma_start3A_257 = arith.constant 0 : i32
      %dma_start3A_258 = tpu.memref_slice %arg7[%add3A_256, %dma_start3A_257] : memref<512x64xf32, #tpu.memory_space<vmem>> -> memref<1x64xf32, #tpu.memory_space<vmem>>
      %dma_start3A_259 = tpu.memref_squeeze %dma_start3A_258 : memref<1x64xf32, #tpu.memory_space<vmem>> -> memref<64xf32, #tpu.memory_space<vmem>>
      %dma_start3A_260 = arith.constant 0 : i32
      %dma_start3A_261 = tpu.memref_slice %arg4[%squeeze3A_252, %dma_start3A_260] : memref<1000001x64xf32, #tpu.memory_space<hbm>> -> memref<1x64xf32, #tpu.memory_space<hbm>>
      %dma_start3A_262 = tpu.memref_squeeze %dma_start3A_261 : memref<1x64xf32, #tpu.memory_space<hbm>> -> memref<64xf32, #tpu.memory_space<hbm>>
      %dma_start3A_263 = arith.constant 0 : i32
      %dma_start3A_264 = tpu.memref_slice %arg7[%add3A_256, %dma_start3A_263] : memref<512x64xf32, #tpu.memory_space<vmem>> -> memref<1x64xf32, #tpu.memory_space<vmem>>
      %dma_start3A_265 = tpu.memref_squeeze %dma_start3A_264 : memref<1x64xf32, #tpu.memory_space<vmem>> -> memref<64xf32, #tpu.memory_space<vmem>>
      %dma_start3A_266 = arith.constant 0 : i32
      %dma_start3A_267 = tpu.memref_slice %arg4[%squeeze3A_252, %dma_start3A_266] : memref<1000001x64xf32, #tpu.memory_space<hbm>> -> memref<1x64xf32, #tpu.memory_space<hbm>>
      %dma_start3A_268 = tpu.memref_squeeze %dma_start3A_267 : memref<1x64xf32, #tpu.memory_space<hbm>> -> memref<64xf32, #tpu.memory_space<hbm>>
      tpu.enqueue_dma source(%dma_start3A_268 : memref<64xf32, #tpu.memory_space<hbm>>) target(%dma_start3A_265 : memref<64xf32, #tpu.memory_space<vmem>>) target_semaphore(%arg9 : memref<!tpu.dma_semaphore, #tpu.memory_space<semaphore_mem>>)
      %slice3A_269 = vector.extract_strided_slice %get3A_216 {offsets = [3], sizes = [1], strides = [1]} : vector<16xi32> to vector<1xi32>
      %squeeze3A_270 = vector.extract %slice3A_269[0] : i32 from vector<1xi32>
      %mul3A_271 = arith.constant 16 : i32
      %mul3A_272 = arith.muli %scan3A_211, %mul3A_271 : i32
      %add3A_273 = arith.constant 3 : i32
      %add3A_274 = arith.addi %mul3A_272, %add3A_273 : i32
      %dma_start3A_275 = arith.constant 0 : i32
      %dma_start3A_276 = tpu.memref_slice %arg7[%add3A_274, %dma_start3A_275] : memref<512x64xf32, #tpu.memory_space<vmem>> -> memref<1x64xf32, #tpu.memory_space<vmem>>
      %dma_start3A_277 = tpu.memref_squeeze %dma_start3A_276 : memref<1x64xf32, #tpu.memory_space<vmem>> -> memref<64xf32, #tpu.memory_space<vmem>>
      %dma_start3A_278 = arith.constant 0 : i32
      %dma_start3A_279 = tpu.memref_slice %arg4[%squeeze3A_270, %dma_start3A_278] : memref<1000001x64xf32, #tpu.memory_space<hbm>> -> memref<1x64xf32, #tpu.memory_space<hbm>>
      %dma_start3A_280 = tpu.memref_squeeze %dma_start3A_279 : memref<1x64xf32, #tpu.memory_space<hbm>> -> memref<64xf32, #tpu.memory_space<hbm>>
      %dma_start3A_281 = arith.constant 0 : i32
      %dma_start3A_282 = tpu.memref_slice %arg7[%add3A_274, %dma_start3A_281] : memref<512x64xf32, #tpu.memory_space<vmem>> -> memref<1x64xf32, #tpu.memory_space<vmem>>
      %dma_start3A_283 = tpu.memref_squeeze %dma_start3A_282 : memref<1x64xf32, #tpu.memory_space<vmem>> -> memref<64xf32, #tpu.memory_space<vmem>>
      %dma_start3A_284 = arith.constant 0 : i32
      %dma_start3A_285 = tpu.memref_slice %arg4[%squeeze3A_270, %dma_start3A_284] : memref<1000001x64xf32, #tpu.memory_space<hbm>> -> memref<1x64xf32, #tpu.memory_space<hbm>>
      %dma_start3A_286 = tpu.memref_squeeze %dma_start3A_285 : memref<1x64xf32, #tpu.memory_space<hbm>> -> memref<64xf32, #tpu.memory_space<hbm>>
      tpu.enqueue_dma source(%dma_start3A_286 : memref<64xf32, #tpu.memory_space<hbm>>) target(%dma_start3A_283 : memref<64xf32, #tpu.memory_space<vmem>>) target_semaphore(%arg9 : memref<!tpu.dma_semaphore, #tpu.memory_space<semaphore_mem>>)
      %slice3A_287 = vector.extract_strided_slice %get3A_216 {offsets = [4], sizes = [1], strides = [1]} : vector<16xi32> to vector<1xi32>
      %squeeze3A_288 = vector.extract %slice3A_287[0] : i32 from vector<1xi32>
      %mul3A_289 = arith.constant 16 : i32
      %mul3A_290 = arith.muli %scan3A_211, %mul3A_289 : i32
      %add3A_291 = arith.constant 4 : i32
      %add3A_292 = arith.addi %mul3A_290, %add3A_291 : i32
      %dma_start3A_293 = arith.constant 0 : i32
      %dma_start3A_294 = tpu.memref_slice %arg7[%add3A_292, %dma_start3A_293] : memref<512x64xf32, #tpu.memory_space<vmem>> -> memref<1x64xf32, #tpu.memory_space<vmem>>
      %dma_start3A_295 = tpu.memref_squeeze %dma_start3A_294 : memref<1x64xf32, #tpu.memory_space<vmem>> -> memref<64xf32, #tpu.memory_space<vmem>>
      %dma_start3A_296 = arith.constant 0 : i32
      %dma_start3A_297 = tpu.memref_slice %arg4[%squeeze3A_288, %dma_start3A_296] : memref<1000001x64xf32, #tpu.memory_space<hbm>> -> memref<1x64xf32, #tpu.memory_space<hbm>>
      %dma_start3A_298 = tpu.memref_squeeze %dma_start3A_297 : memref<1x64xf32, #tpu.memory_space<hbm>> -> memref<64xf32, #tpu.memory_space<hbm>>
      %dma_start3A_299 = arith.constant 0 : i32
      %dma_start3A_300 = tpu.memref_slice %arg7[%add3A_292, %dma_start3A_299] : memref<512x64xf32, #tpu.memory_space<vmem>> -> memref<1x64xf32, #tpu.memory_space<vmem>>
      %dma_start3A_301 = tpu.memref_squeeze %dma_start3A_300 : memref<1x64xf32, #tpu.memory_space<vmem>> -> memref<64xf32, #tpu.memory_space<vmem>>
      %dma_start3A_302 = arith.constant 0 : i32
      %dma_start3A_303 = tpu.memref_slice %arg4[%squeeze3A_288, %dma_start3A_302] : memref<1000001x64xf32, #tpu.memory_space<hbm>> -> memref<1x64xf32, #tpu.memory_space<hbm>>
      %dma_start3A_304 = tpu.memref_squeeze %dma_start3A_303 : memref<1x64xf32, #tpu.memory_space<hbm>> -> memref<64xf32, #tpu.memory_space<hbm>>
      tpu.enqueue_dma source(%dma_start3A_304 : memref<64xf32, #tpu.memory_space<hbm>>) target(%dma_start3A_301 : memref<64xf32, #tpu.memory_space<vmem>>) target_semaphore(%arg9 : memref<!tpu.dma_semaphore, #tpu.memory_space<semaphore_mem>>)
      %slice3A_305 = vector.extract_strided_slice %get3A_216 {offsets = [5], sizes = [1], strides = [1]} : vector<16xi32> to vector<1xi32>
      %squeeze3A_306 = vector.extract %slice3A_305[0] : i32 from vector<1xi32>
      %mul3A_307 = arith.constant 16 : i32
      %mul3A_308 = arith.muli %scan3A_211, %mul3A_307 : i32
      %add3A_309 = arith.constant 5 : i32
      %add3A_310 = arith.addi %mul3A_308, %add3A_309 : i32
      %dma_start3A_311 = arith.constant 0 : i32
      %dma_start3A_312 = tpu.memref_slice %arg7[%add3A_310, %dma_start3A_311] : memref<512x64xf32, #tpu.memory_space<vmem>> -> memref<1x64xf32, #tpu.memory_space<vmem>>
      %dma_start3A_313 = tpu.memref_squeeze %dma_start3A_312 : memref<1x64xf32, #tpu.memory_space<vmem>> -> memref<64xf32, #tpu.memory_space<vmem>>
      %dma_start3A_314 = arith.constant 0 : i32
      %dma_start3A_315 = tpu.memref_slice %arg4[%squeeze3A_306, %dma_start3A_314] : memref<1000001x64xf32, #tpu.memory_space<hbm>> -> memref<1x64xf32, #tpu.memory_space<hbm>>
      %dma_start3A_316 = tpu.memref_squeeze %dma_start3A_315 : memref<1x64xf32, #tpu.memory_space<hbm>> -> memref<64xf32, #tpu.memory_space<hbm>>
      %dma_start3A_317 = arith.constant 0 : i32
      %dma_start3A_318 = tpu.memref_slice %arg7[%add3A_310, %dma_start3A_317] : memref<512x64xf32, #tpu.memory_space<vmem>> -> memref<1x64xf32, #tpu.memory_space<vmem>>
      %dma_start3A_319 = tpu.memref_squeeze %dma_start3A_318 : memref<1x64xf32, #tpu.memory_space<vmem>> -> memref<64xf32, #tpu.memory_space<vmem>>
      %dma_start3A_320 = arith.constant 0 : i32
      %dma_start3A_321 = tpu.memref_slice %arg4[%squeeze3A_306, %dma_start3A_320] : memref<1000001x64xf32, #tpu.memory_space<hbm>> -> memref<1x64xf32, #tpu.memory_space<hbm>>
      %dma_start3A_322 = tpu.memref_squeeze %dma_start3A_321 : memref<1x64xf32, #tpu.memory_space<hbm>> -> memref<64xf32, #tpu.memory_space<hbm>>
      tpu.enqueue_dma source(%dma_start3A_322 : memref<64xf32, #tpu.memory_space<hbm>>) target(%dma_start3A_319 : memref<64xf32, #tpu.memory_space<vmem>>) target_semaphore(%arg9 : memref<!tpu.dma_semaphore, #tpu.memory_space<semaphore_mem>>)
      %slice3A_323 = vector.extract_strided_slice %get3A_216 {offsets = [6], sizes = [1], strides = [1]} : vector<16xi32> to vector<1xi32>
      %squeeze3A_324 = vector.extract %slice3A_323[0] : i32 from vector<1xi32>
      %mul3A_325 = arith.constant 16 : i32
      %mul3A_326 = arith.muli %scan3A_211, %mul3A_325 : i32
      %add3A_327 = arith.constant 6 : i32
      %add3A_328 = arith.addi %mul3A_326, %add3A_327 : i32
      %dma_start3A_329 = arith.constant 0 : i32
      %dma_start3A_330 = tpu.memref_slice %arg7[%add3A_328, %dma_start3A_329] : memref<512x64xf32, #tpu.memory_space<vmem>> -> memref<1x64xf32, #tpu.memory_space<vmem>>
      %dma_start3A_331 = tpu.memref_squeeze %dma_start3A_330 : memref<1x64xf32, #tpu.memory_space<vmem>> -> memref<64xf32, #tpu.memory_space<vmem>>
      %dma_start3A_332 = arith.constant 0 : i32
      %dma_start3A_333 = tpu.memref_slice %arg4[%squeeze3A_324, %dma_start3A_332] : memref<1000001x64xf32, #tpu.memory_space<hbm>> -> memref<1x64xf32, #tpu.memory_space<hbm>>
      %dma_start3A_334 = tpu.memref_squeeze %dma_start3A_333 : memref<1x64xf32, #tpu.memory_space<hbm>> -> memref<64xf32, #tpu.memory_space<hbm>>
      %dma_start3A_335 = arith.constant 0 : i32
      %dma_start3A_336 = tpu.memref_slice %arg7[%add3A_328, %dma_start3A_335] : memref<512x64xf32, #tpu.memory_space<vmem>> -> memref<1x64xf32, #tpu.memory_space<vmem>>
      %dma_start3A_337 = tpu.memref_squeeze %dma_start3A_336 : memref<1x64xf32, #tpu.memory_space<vmem>> -> memref<64xf32, #tpu.memory_space<vmem>>
      %dma_start3A_338 = arith.constant 0 : i32
      %dma_start3A_339 = tpu.memref_slice %arg4[%squeeze3A_324, %dma_start3A_338] : memref<1000001x64xf32, #tpu.memory_space<hbm>> -> memref<1x64xf32, #tpu.memory_space<hbm>>
      %dma_start3A_340 = tpu.memref_squeeze %dma_start3A_339 : memref<1x64xf32, #tpu.memory_space<hbm>> -> memref<64xf32, #tpu.memory_space<hbm>>
      tpu.enqueue_dma source(%dma_start3A_340 : memref<64xf32, #tpu.memory_space<hbm>>) target(%dma_start3A_337 : memref<64xf32, #tpu.memory_space<vmem>>) target_semaphore(%arg9 : memref<!tpu.dma_semaphore, #tpu.memory_space<semaphore_mem>>)
      %slice3A_341 = vector.extract_strided_slice %get3A_216 {offsets = [7], sizes = [1], strides = [1]} : vector<16xi32> to vector<1xi32>
      %squeeze3A_342 = vector.extract %slice3A_341[0] : i32 from vector<1xi32>
      %mul3A_343 = arith.constant 16 : i32
      %mul3A_344 = arith.muli %scan3A_211, %mul3A_343 : i32
      %add3A_345 = arith.constant 7 : i32
      %add3A_346 = arith.addi %mul3A_344, %add3A_345 : i32
      %dma_start3A_347 = arith.constant 0 : i32
      %dma_start3A_348 = tpu.memref_slice %arg7[%add3A_346, %dma_start3A_347] : memref<512x64xf32, #tpu.memory_space<vmem>> -> memref<1x64xf32, #tpu.memory_space<vmem>>
      %dma_start3A_349 = tpu.memref_squeeze %dma_start3A_348 : memref<1x64xf32, #tpu.memory_space<vmem>> -> memref<64xf32, #tpu.memory_space<vmem>>
      %dma_start3A_350 = arith.constant 0 : i32
      %dma_start3A_351 = tpu.memref_slice %arg4[%squeeze3A_342, %dma_start3A_350] : memref<1000001x64xf32, #tpu.memory_space<hbm>> -> memref<1x64xf32, #tpu.memory_space<hbm>>
      %dma_start3A_352 = tpu.memref_squeeze %dma_start3A_351 : memref<1x64xf32, #tpu.memory_space<hbm>> -> memref<64xf32, #tpu.memory_space<hbm>>
      %dma_start3A_353 = arith.constant 0 : i32
      %dma_start3A_354 = tpu.memref_slice %arg7[%add3A_346, %dma_start3A_353] : memref<512x64xf32, #tpu.memory_space<vmem>> -> memref<1x64xf32, #tpu.memory_space<vmem>>
      %dma_start3A_355 = tpu.memref_squeeze %dma_start3A_354 : memref<1x64xf32, #tpu.memory_space<vmem>> -> memref<64xf32, #tpu.memory_space<vmem>>
      %dma_start3A_356 = arith.constant 0 : i32
      %dma_start3A_357 = tpu.memref_slice %arg4[%squeeze3A_342, %dma_start3A_356] : memref<1000001x64xf32, #tpu.memory_space<hbm>> -> memref<1x64xf32, #tpu.memory_space<hbm>>
      %dma_start3A_358 = tpu.memref_squeeze %dma_start3A_357 : memref<1x64xf32, #tpu.memory_space<hbm>> -> memref<64xf32, #tpu.memory_space<hbm>>
      tpu.enqueue_dma source(%dma_start3A_358 : memref<64xf32, #tpu.memory_space<hbm>>) target(%dma_start3A_355 : memref<64xf32, #tpu.memory_space<vmem>>) target_semaphore(%arg9 : memref<!tpu.dma_semaphore, #tpu.memory_space<semaphore_mem>>)
      %slice3A_359 = vector.extract_strided_slice %get3A_216 {offsets = [8], sizes = [1], strides = [1]} : vector<16xi32> to vector<1xi32>
      %squeeze3A_360 = vector.extract %slice3A_359[0] : i32 from vector<1xi32>
      %mul3A_361 = arith.constant 16 : i32
      %mul3A_362 = arith.muli %scan3A_211, %mul3A_361 : i32
      %add3A_363 = arith.constant 8 : i32
      %add3A_364 = arith.addi %mul3A_362, %add3A_363 : i32
      %dma_start3A_365 = arith.constant 0 : i32
      %dma_start3A_366 = tpu.memref_slice %arg7[%add3A_364, %dma_start3A_365] : memref<512x64xf32, #tpu.memory_space<vmem>> -> memref<1x64xf32, #tpu.memory_space<vmem>>
      %dma_start3A_367 = tpu.memref_squeeze %dma_start3A_366 : memref<1x64xf32, #tpu.memory_space<vmem>> -> memref<64xf32, #tpu.memory_space<vmem>>
      %dma_start3A_368 = arith.constant 0 : i32
      %dma_start3A_369 = tpu.memref_slice %arg4[%squeeze3A_360, %dma_start3A_368] : memref<1000001x64xf32, #tpu.memory_space<hbm>> -> memref<1x64xf32, #tpu.memory_space<hbm>>
      %dma_start3A_370 = tpu.memref_squeeze %dma_start3A_369 : memref<1x64xf32, #tpu.memory_space<hbm>> -> memref<64xf32, #tpu.memory_space<hbm>>
      %dma_start3A_371 = arith.constant 0 : i32
      %dma_start3A_372 = tpu.memref_slice %arg7[%add3A_364, %dma_start3A_371] : memref<512x64xf32, #tpu.memory_space<vmem>> -> memref<1x64xf32, #tpu.memory_space<vmem>>
      %dma_start3A_373 = tpu.memref_squeeze %dma_start3A_372 : memref<1x64xf32, #tpu.memory_space<vmem>> -> memref<64xf32, #tpu.memory_space<vmem>>
      %dma_start3A_374 = arith.constant 0 : i32
      %dma_start3A_375 = tpu.memref_slice %arg4[%squeeze3A_360, %dma_start3A_374] : memref<1000001x64xf32, #tpu.memory_space<hbm>> -> memref<1x64xf32, #tpu.memory_space<hbm>>
      %dma_start3A_376 = tpu.memref_squeeze %dma_start3A_375 : memref<1x64xf32, #tpu.memory_space<hbm>> -> memref<64xf32, #tpu.memory_space<hbm>>
      tpu.enqueue_dma source(%dma_start3A_376 : memref<64xf32, #tpu.memory_space<hbm>>) target(%dma_start3A_373 : memref<64xf32, #tpu.memory_space<vmem>>) target_semaphore(%arg9 : memref<!tpu.dma_semaphore, #tpu.memory_space<semaphore_mem>>)
      %slice3A_377 = vector.extract_strided_slice %get3A_216 {offsets = [9], sizes = [1], strides = [1]} : vector<16xi32> to vector<1xi32>
      %squeeze3A_378 = vector.extract %slice3A_377[0] : i32 from vector<1xi32>
      %mul3A_379 = arith.constant 16 : i32
      %mul3A_380 = arith.muli %scan3A_211, %mul3A_379 : i32
      %add3A_381 = arith.constant 9 : i32
      %add3A_382 = arith.addi %mul3A_380, %add3A_381 : i32
      %dma_start3A_383 = arith.constant 0 : i32
      %dma_start3A_384 = tpu.memref_slice %arg7[%add3A_382, %dma_start3A_383] : memref<512x64xf32, #tpu.memory_space<vmem>> -> memref<1x64xf32, #tpu.memory_space<vmem>>
      %dma_start3A_385 = tpu.memref_squeeze %dma_start3A_384 : memref<1x64xf32, #tpu.memory_space<vmem>> -> memref<64xf32, #tpu.memory_space<vmem>>
      %dma_start3A_386 = arith.constant 0 : i32
      %dma_start3A_387 = tpu.memref_slice %arg4[%squeeze3A_378, %dma_start3A_386] : memref<1000001x64xf32, #tpu.memory_space<hbm>> -> memref<1x64xf32, #tpu.memory_space<hbm>>
      %dma_start3A_388 = tpu.memref_squeeze %dma_start3A_387 : memref<1x64xf32, #tpu.memory_space<hbm>> -> memref<64xf32, #tpu.memory_space<hbm>>
      %dma_start3A_389 = arith.constant 0 : i32
      %dma_start3A_390 = tpu.memref_slice %arg7[%add3A_382, %dma_start3A_389] : memref<512x64xf32, #tpu.memory_space<vmem>> -> memref<1x64xf32, #tpu.memory_space<vmem>>
      %dma_start3A_391 = tpu.memref_squeeze %dma_start3A_390 : memref<1x64xf32, #tpu.memory_space<vmem>> -> memref<64xf32, #tpu.memory_space<vmem>>
      %dma_start3A_392 = arith.constant 0 : i32
      %dma_start3A_393 = tpu.memref_slice %arg4[%squeeze3A_378, %dma_start3A_392] : memref<1000001x64xf32, #tpu.memory_space<hbm>> -> memref<1x64xf32, #tpu.memory_space<hbm>>
      %dma_start3A_394 = tpu.memref_squeeze %dma_start3A_393 : memref<1x64xf32, #tpu.memory_space<hbm>> -> memref<64xf32, #tpu.memory_space<hbm>>
      tpu.enqueue_dma source(%dma_start3A_394 : memref<64xf32, #tpu.memory_space<hbm>>) target(%dma_start3A_391 : memref<64xf32, #tpu.memory_space<vmem>>) target_semaphore(%arg9 : memref<!tpu.dma_semaphore, #tpu.memory_space<semaphore_mem>>)
      %slice3A_395 = vector.extract_strided_slice %get3A_216 {offsets = [10], sizes = [1], strides = [1]} : vector<16xi32> to vector<1xi32>
      %squeeze3A_396 = vector.extract %slice3A_395[0] : i32 from vector<1xi32>
      %mul3A_397 = arith.constant 16 : i32
      %mul3A_398 = arith.muli %scan3A_211, %mul3A_397 : i32
      %add3A_399 = arith.constant 10 : i32
      %add3A_400 = arith.addi %mul3A_398, %add3A_399 : i32
      %dma_start3A_401 = arith.constant 0 : i32
      %dma_start3A_402 = tpu.memref_slice %arg7[%add3A_400, %dma_start3A_401] : memref<512x64xf32, #tpu.memory_space<vmem>> -> memref<1x64xf32, #tpu.memory_space<vmem>>
      %dma_start3A_403 = tpu.memref_squeeze %dma_start3A_402 : memref<1x64xf32, #tpu.memory_space<vmem>> -> memref<64xf32, #tpu.memory_space<vmem>>
      %dma_start3A_404 = arith.constant 0 : i32
      %dma_start3A_405 = tpu.memref_slice %arg4[%squeeze3A_396, %dma_start3A_404] : memref<1000001x64xf32, #tpu.memory_space<hbm>> -> memref<1x64xf32, #tpu.memory_space<hbm>>
      %dma_start3A_406 = tpu.memref_squeeze %dma_start3A_405 : memref<1x64xf32, #tpu.memory_space<hbm>> -> memref<64xf32, #tpu.memory_space<hbm>>
      %dma_start3A_407 = arith.constant 0 : i32
      %dma_start3A_408 = tpu.memref_slice %arg7[%add3A_400, %dma_start3A_407] : memref<512x64xf32, #tpu.memory_space<vmem>> -> memref<1x64xf32, #tpu.memory_space<vmem>>
      %dma_start3A_409 = tpu.memref_squeeze %dma_start3A_408 : memref<1x64xf32, #tpu.memory_space<vmem>> -> memref<64xf32, #tpu.memory_space<vmem>>
      %dma_start3A_410 = arith.constant 0 : i32
      %dma_start3A_411 = tpu.memref_slice %arg4[%squeeze3A_396, %dma_start3A_410] : memref<1000001x64xf32, #tpu.memory_space<hbm>> -> memref<1x64xf32, #tpu.memory_space<hbm>>
      %dma_start3A_412 = tpu.memref_squeeze %dma_start3A_411 : memref<1x64xf32, #tpu.memory_space<hbm>> -> memref<64xf32, #tpu.memory_space<hbm>>
      tpu.enqueue_dma source(%dma_start3A_412 : memref<64xf32, #tpu.memory_space<hbm>>) target(%dma_start3A_409 : memref<64xf32, #tpu.memory_space<vmem>>) target_semaphore(%arg9 : memref<!tpu.dma_semaphore, #tpu.memory_space<semaphore_mem>>)
      %slice3A_413 = vector.extract_strided_slice %get3A_216 {offsets = [11], sizes = [1], strides = [1]} : vector<16xi32> to vector<1xi32>
      %squeeze3A_414 = vector.extract %slice3A_413[0] : i32 from vector<1xi32>
      %mul3A_415 = arith.constant 16 : i32
      %mul3A_416 = arith.muli %scan3A_211, %mul3A_415 : i32
      %add3A_417 = arith.constant 11 : i32
      %add3A_418 = arith.addi %mul3A_416, %add3A_417 : i32
      %dma_start3A_419 = arith.constant 0 : i32
      %dma_start3A_420 = tpu.memref_slice %arg7[%add3A_418, %dma_start3A_419] : memref<512x64xf32, #tpu.memory_space<vmem>> -> memref<1x64xf32, #tpu.memory_space<vmem>>
      %dma_start3A_421 = tpu.memref_squeeze %dma_start3A_420 : memref<1x64xf32, #tpu.memory_space<vmem>> -> memref<64xf32, #tpu.memory_space<vmem>>
      %dma_start3A_422 = arith.constant 0 : i32
      %dma_start3A_423 = tpu.memref_slice %arg4[%squeeze3A_414, %dma_start3A_422] : memref<1000001x64xf32, #tpu.memory_space<hbm>> -> memref<1x64xf32, #tpu.memory_space<hbm>>
      %dma_start3A_424 = tpu.memref_squeeze %dma_start3A_423 : memref<1x64xf32, #tpu.memory_space<hbm>> -> memref<64xf32, #tpu.memory_space<hbm>>
      %dma_start3A_425 = arith.constant 0 : i32
      %dma_start3A_426 = tpu.memref_slice %arg7[%add3A_418, %dma_start3A_425] : memref<512x64xf32, #tpu.memory_space<vmem>> -> memref<1x64xf32, #tpu.memory_space<vmem>>
      %dma_start3A_427 = tpu.memref_squeeze %dma_start3A_426 : memref<1x64xf32, #tpu.memory_space<vmem>> -> memref<64xf32, #tpu.memory_space<vmem>>
      %dma_start3A_428 = arith.constant 0 : i32
      %dma_start3A_429 = tpu.memref_slice %arg4[%squeeze3A_414, %dma_start3A_428] : memref<1000001x64xf32, #tpu.memory_space<hbm>> -> memref<1x64xf32, #tpu.memory_space<hbm>>
      %dma_start3A_430 = tpu.memref_squeeze %dma_start3A_429 : memref<1x64xf32, #tpu.memory_space<hbm>> -> memref<64xf32, #tpu.memory_space<hbm>>
      tpu.enqueue_dma source(%dma_start3A_430 : memref<64xf32, #tpu.memory_space<hbm>>) target(%dma_start3A_427 : memref<64xf32, #tpu.memory_space<vmem>>) target_semaphore(%arg9 : memref<!tpu.dma_semaphore, #tpu.memory_space<semaphore_mem>>)
      %slice3A_431 = vector.extract_strided_slice %get3A_216 {offsets = [12], sizes = [1], strides = [1]} : vector<16xi32> to vector<1xi32>
      %squeeze3A_432 = vector.extract %slice3A_431[0] : i32 from vector<1xi32>
      %mul3A_433 = arith.constant 16 : i32
      %mul3A_434 = arith.muli %scan3A_211, %mul3A_433 : i32
      %add3A_435 = arith.constant 12 : i32
      %add3A_436 = arith.addi %mul3A_434, %add3A_435 : i32
      %dma_start3A_437 = arith.constant 0 : i32
      %dma_start3A_438 = tpu.memref_slice %arg7[%add3A_436, %dma_start3A_437] : memref<512x64xf32, #tpu.memory_space<vmem>> -> memref<1x64xf32, #tpu.memory_space<vmem>>
      %dma_start3A_439 = tpu.memref_squeeze %dma_start3A_438 : memref<1x64xf32, #tpu.memory_space<vmem>> -> memref<64xf32, #tpu.memory_space<vmem>>
      %dma_start3A_440 = arith.constant 0 : i32
      %dma_start3A_441 = tpu.memref_slice %arg4[%squeeze3A_432, %dma_start3A_440] : memref<1000001x64xf32, #tpu.memory_space<hbm>> -> memref<1x64xf32, #tpu.memory_space<hbm>>
      %dma_start3A_442 = tpu.memref_squeeze %dma_start3A_441 : memref<1x64xf32, #tpu.memory_space<hbm>> -> memref<64xf32, #tpu.memory_space<hbm>>
      %dma_start3A_443 = arith.constant 0 : i32
      %dma_start3A_444 = tpu.memref_slice %arg7[%add3A_436, %dma_start3A_443] : memref<512x64xf32, #tpu.memory_space<vmem>> -> memref<1x64xf32, #tpu.memory_space<vmem>>
      %dma_start3A_445 = tpu.memref_squeeze %dma_start3A_444 : memref<1x64xf32, #tpu.memory_space<vmem>> -> memref<64xf32, #tpu.memory_space<vmem>>
      %dma_start3A_446 = arith.constant 0 : i32
      %dma_start3A_447 = tpu.memref_slice %arg4[%squeeze3A_432, %dma_start3A_446] : memref<1000001x64xf32, #tpu.memory_space<hbm>> -> memref<1x64xf32, #tpu.memory_space<hbm>>
      %dma_start3A_448 = tpu.memref_squeeze %dma_start3A_447 : memref<1x64xf32, #tpu.memory_space<hbm>> -> memref<64xf32, #tpu.memory_space<hbm>>
      tpu.enqueue_dma source(%dma_start3A_448 : memref<64xf32, #tpu.memory_space<hbm>>) target(%dma_start3A_445 : memref<64xf32, #tpu.memory_space<vmem>>) target_semaphore(%arg9 : memref<!tpu.dma_semaphore, #tpu.memory_space<semaphore_mem>>)
      %slice3A_449 = vector.extract_strided_slice %get3A_216 {offsets = [13], sizes = [1], strides = [1]} : vector<16xi32> to vector<1xi32>
      %squeeze3A_450 = vector.extract %slice3A_449[0] : i32 from vector<1xi32>
      %mul3A_451 = arith.constant 16 : i32
      %mul3A_452 = arith.muli %scan3A_211, %mul3A_451 : i32
      %add3A_453 = arith.constant 13 : i32
      %add3A_454 = arith.addi %mul3A_452, %add3A_453 : i32
      %dma_start3A_455 = arith.constant 0 : i32
      %dma_start3A_456 = tpu.memref_slice %arg7[%add3A_454, %dma_start3A_455] : memref<512x64xf32, #tpu.memory_space<vmem>> -> memref<1x64xf32, #tpu.memory_space<vmem>>
      %dma_start3A_457 = tpu.memref_squeeze %dma_start3A_456 : memref<1x64xf32, #tpu.memory_space<vmem>> -> memref<64xf32, #tpu.memory_space<vmem>>
      %dma_start3A_458 = arith.constant 0 : i32
      %dma_start3A_459 = tpu.memref_slice %arg4[%squeeze3A_450, %dma_start3A_458] : memref<1000001x64xf32, #tpu.memory_space<hbm>> -> memref<1x64xf32, #tpu.memory_space<hbm>>
      %dma_start3A_460 = tpu.memref_squeeze %dma_start3A_459 : memref<1x64xf32, #tpu.memory_space<hbm>> -> memref<64xf32, #tpu.memory_space<hbm>>
      %dma_start3A_461 = arith.constant 0 : i32
      %dma_start3A_462 = tpu.memref_slice %arg7[%add3A_454, %dma_start3A_461] : memref<512x64xf32, #tpu.memory_space<vmem>> -> memref<1x64xf32, #tpu.memory_space<vmem>>
      %dma_start3A_463 = tpu.memref_squeeze %dma_start3A_462 : memref<1x64xf32, #tpu.memory_space<vmem>> -> memref<64xf32, #tpu.memory_space<vmem>>
      %dma_start3A_464 = arith.constant 0 : i32
      %dma_start3A_465 = tpu.memref_slice %arg4[%squeeze3A_450, %dma_start3A_464] : memref<1000001x64xf32, #tpu.memory_space<hbm>> -> memref<1x64xf32, #tpu.memory_space<hbm>>
      %dma_start3A_466 = tpu.memref_squeeze %dma_start3A_465 : memref<1x64xf32, #tpu.memory_space<hbm>> -> memref<64xf32, #tpu.memory_space<hbm>>
      tpu.enqueue_dma source(%dma_start3A_466 : memref<64xf32, #tpu.memory_space<hbm>>) target(%dma_start3A_463 : memref<64xf32, #tpu.memory_space<vmem>>) target_semaphore(%arg9 : memref<!tpu.dma_semaphore, #tpu.memory_space<semaphore_mem>>)
      %slice3A_467 = vector.extract_strided_slice %get3A_216 {offsets = [14], sizes = [1], strides = [1]} : vector<16xi32> to vector<1xi32>
      %squeeze3A_468 = vector.extract %slice3A_467[0] : i32 from vector<1xi32>
      %mul3A_469 = arith.constant 16 : i32
      %mul3A_470 = arith.muli %scan3A_211, %mul3A_469 : i32
      %add3A_471 = arith.constant 14 : i32
      %add3A_472 = arith.addi %mul3A_470, %add3A_471 : i32
      %dma_start3A_473 = arith.constant 0 : i32
      %dma_start3A_474 = tpu.memref_slice %arg7[%add3A_472, %dma_start3A_473] : memref<512x64xf32, #tpu.memory_space<vmem>> -> memref<1x64xf32, #tpu.memory_space<vmem>>
      %dma_start3A_475 = tpu.memref_squeeze %dma_start3A_474 : memref<1x64xf32, #tpu.memory_space<vmem>> -> memref<64xf32, #tpu.memory_space<vmem>>
      %dma_start3A_476 = arith.constant 0 : i32
      %dma_start3A_477 = tpu.memref_slice %arg4[%squeeze3A_468, %dma_start3A_476] : memref<1000001x64xf32, #tpu.memory_space<hbm>> -> memref<1x64xf32, #tpu.memory_space<hbm>>
      %dma_start3A_478 = tpu.memref_squeeze %dma_start3A_477 : memref<1x64xf32, #tpu.memory_space<hbm>> -> memref<64xf32, #tpu.memory_space<hbm>>
      %dma_start3A_479 = arith.constant 0 : i32
      %dma_start3A_480 = tpu.memref_slice %arg7[%add3A_472, %dma_start3A_479] : memref<512x64xf32, #tpu.memory_space<vmem>> -> memref<1x64xf32, #tpu.memory_space<vmem>>
      %dma_start3A_481 = tpu.memref_squeeze %dma_start3A_480 : memref<1x64xf32, #tpu.memory_space<vmem>> -> memref<64xf32, #tpu.memory_space<vmem>>
      %dma_start3A_482 = arith.constant 0 : i32
      %dma_start3A_483 = tpu.memref_slice %arg4[%squeeze3A_468, %dma_start3A_482] : memref<1000001x64xf32, #tpu.memory_space<hbm>> -> memref<1x64xf32, #tpu.memory_space<hbm>>
      %dma_start3A_484 = tpu.memref_squeeze %dma_start3A_483 : memref<1x64xf32, #tpu.memory_space<hbm>> -> memref<64xf32, #tpu.memory_space<hbm>>
      tpu.enqueue_dma source(%dma_start3A_484 : memref<64xf32, #tpu.memory_space<hbm>>) target(%dma_start3A_481 : memref<64xf32, #tpu.memory_space<vmem>>) target_semaphore(%arg9 : memref<!tpu.dma_semaphore, #tpu.memory_space<semaphore_mem>>)
      %slice3A_485 = vector.extract_strided_slice %get3A_216 {offsets = [15], sizes = [1], strides = [1]} : vector<16xi32> to vector<1xi32>
      %squeeze3A_486 = vector.extract %slice3A_485[0] : i32 from vector<1xi32>
      %mul3A_487 = arith.constant 16 : i32
      %mul3A_488 = arith.muli %scan3A_211, %mul3A_487 : i32
      %add3A_489 = arith.constant 15 : i32
      %add3A_490 = arith.addi %mul3A_488, %add3A_489 : i32
      %dma_start3A_491 = arith.constant 0 : i32
      %dma_start3A_492 = tpu.memref_slice %arg7[%add3A_490, %dma_start3A_491] : memref<512x64xf32, #tpu.memory_space<vmem>> -> memref<1x64xf32, #tpu.memory_space<vmem>>
      %dma_start3A_493 = tpu.memref_squeeze %dma_start3A_492 : memref<1x64xf32, #tpu.memory_space<vmem>> -> memref<64xf32, #tpu.memory_space<vmem>>
      %dma_start3A_494 = arith.constant 0 : i32
      %dma_start3A_495 = tpu.memref_slice %arg4[%squeeze3A_486, %dma_start3A_494] : memref<1000001x64xf32, #tpu.memory_space<hbm>> -> memref<1x64xf32, #tpu.memory_space<hbm>>
      %dma_start3A_496 = tpu.memref_squeeze %dma_start3A_495 : memref<1x64xf32, #tpu.memory_space<hbm>> -> memref<64xf32, #tpu.memory_space<hbm>>
      %dma_start3A_497 = arith.constant 0 : i32
      %dma_start3A_498 = tpu.memref_slice %arg7[%add3A_490, %dma_start3A_497] : memref<512x64xf32, #tpu.memory_space<vmem>> -> memref<1x64xf32, #tpu.memory_space<vmem>>
      %dma_start3A_499 = tpu.memref_squeeze %dma_start3A_498 : memref<1x64xf32, #tpu.memory_space<vmem>> -> memref<64xf32, #tpu.memory_space<vmem>>
      %dma_start3A_500 = arith.constant 0 : i32
      %dma_start3A_501 = tpu.memref_slice %arg4[%squeeze3A_486, %dma_start3A_500] : memref<1000001x64xf32, #tpu.memory_space<hbm>> -> memref<1x64xf32, #tpu.memory_space<hbm>>
      %dma_start3A_502 = tpu.memref_squeeze %dma_start3A_501 : memref<1x64xf32, #tpu.memory_space<hbm>> -> memref<64xf32, #tpu.memory_space<hbm>>
      tpu.enqueue_dma source(%dma_start3A_502 : memref<64xf32, #tpu.memory_space<hbm>>) target(%dma_start3A_499 : memref<64xf32, #tpu.memory_space<vmem>>) target_semaphore(%arg9 : memref<!tpu.dma_semaphore, #tpu.memory_space<semaphore_mem>>)
    }
    %scan3A_7 = arith.constant 8 : i32
    %scan3A_8 = arith.constant 0 : i32
    %scan3A_9 = arith.constant 8 : i32
    %scan3A_10 = arith.constant 8 : i32
    %scan3A_11 = arith.addi %scan3A_9, %scan3A_10 : i32
    %scan3A_12 = arith.constant 1 : i32
    scf.for %scan3A_211 = %scan3A_9 to %scan3A_11 step %scan3A_12  : i32 {
      %mul3A_212 = arith.constant 16 : i32
      %mul3A_213 = arith.muli %scan3A_211, %mul3A_212 : i32
      %get3A_214 = arith.index_cast %mul3A_213 : i32 to index
      %get3A_215 = tpu.vector_load %arg6[%get3A_214] {strides = array<i32>} : memref<512xi32, #tpu.memory_space<vmem>>, vector<16xi32>,
      %get3A_216 = vector.shape_cast %get3A_215 : vector<16xi32> to vector<16xi32>
      %slice3A = vector.extract_strided_slice %get3A_216 {offsets = [0], sizes = [1], strides = [1]} : vector<16xi32> to vector<1xi32>
      %squeeze3A = vector.extract %slice3A[0] : i32 from vector<1xi32>
      %mul3A_217 = arith.constant 16 : i32
      %mul3A_218 = arith.muli %scan3A_211, %mul3A_217 : i32
      %add3A_219 = arith.constant 0 : i32
      %add3A_220 = arith.addi %mul3A_218, %add3A_219 : i32
      %dma_start3A_221 = arith.constant 0 : i32
      %dma_start3A_222 = tpu.memref_slice %arg7[%add3A_220, %dma_start3A_221] : memref<512x64xf32, #tpu.memory_space<vmem>> -> memref<1x64xf32, #tpu.memory_space<vmem>>
      %dma_start3A_223 = tpu.memref_squeeze %dma_start3A_222 : memref<1x64xf32, #tpu.memory_space<vmem>> -> memref<64xf32, #tpu.memory_space<vmem>>
      %dma_start3A_224 = arith.constant 0 : i32
      %dma_start3A_225 = tpu.memref_slice %arg4[%squeeze3A, %dma_start3A_224] : memref<1000001x64xf32, #tpu.memory_space<hbm>> -> memref<1x64xf32, #tpu.memory_space<hbm>>
      %dma_start3A_226 = tpu.memref_squeeze %dma_start3A_225 : memref<1x64xf32, #tpu.memory_space<hbm>> -> memref<64xf32, #tpu.memory_space<hbm>>
      %dma_start3A_227 = arith.constant 0 : i32
      %dma_start3A_228 = tpu.memref_slice %arg7[%add3A_220, %dma_start3A_227] : memref<512x64xf32, #tpu.memory_space<vmem>> -> memref<1x64xf32, #tpu.memory_space<vmem>>
      %dma_start3A_229 = tpu.memref_squeeze %dma_start3A_228 : memref<1x64xf32, #tpu.memory_space<vmem>> -> memref<64xf32, #tpu.memory_space<vmem>>
      %dma_start3A_230 = arith.constant 0 : i32
      %dma_start3A_231 = tpu.memref_slice %arg4[%squeeze3A, %dma_start3A_230] : memref<1000001x64xf32, #tpu.memory_space<hbm>> -> memref<1x64xf32, #tpu.memory_space<hbm>>
      %dma_start3A_232 = tpu.memref_squeeze %dma_start3A_231 : memref<1x64xf32, #tpu.memory_space<hbm>> -> memref<64xf32, #tpu.memory_space<hbm>>
      tpu.enqueue_dma source(%dma_start3A_232 : memref<64xf32, #tpu.memory_space<hbm>>) target(%dma_start3A_229 : memref<64xf32, #tpu.memory_space<vmem>>) target_semaphore(%arg10 : memref<!tpu.dma_semaphore, #tpu.memory_space<semaphore_mem>>)
      %slice3A_233 = vector.extract_strided_slice %get3A_216 {offsets = [1], sizes = [1], strides = [1]} : vector<16xi32> to vector<1xi32>
      %squeeze3A_234 = vector.extract %slice3A_233[0] : i32 from vector<1xi32>
      %mul3A_235 = arith.constant 16 : i32
      %mul3A_236 = arith.muli %scan3A_211, %mul3A_235 : i32
      %add3A_237 = arith.constant 1 : i32
      %add3A_238 = arith.addi %mul3A_236, %add3A_237 : i32
      %dma_start3A_239 = arith.constant 0 : i32
      %dma_start3A_240 = tpu.memref_slice %arg7[%add3A_238, %dma_start3A_239] : memref<512x64xf32, #tpu.memory_space<vmem>> -> memref<1x64xf32, #tpu.memory_space<vmem>>
      %dma_start3A_241 = tpu.memref_squeeze %dma_start3A_240 : memref<1x64xf32, #tpu.memory_space<vmem>> -> memref<64xf32, #tpu.memory_space<vmem>>
      %dma_start3A_242 = arith.constant 0 : i32
      %dma_start3A_243 = tpu.memref_slice %arg4[%squeeze3A_234, %dma_start3A_242] : memref<1000001x64xf32, #tpu.memory_space<hbm>> -> memref<1x64xf32, #tpu.memory_space<hbm>>
      %dma_start3A_244 = tpu.memref_squeeze %dma_start3A_243 : memref<1x64xf32, #tpu.memory_space<hbm>> -> memref<64xf32, #tpu.memory_space<hbm>>
      %dma_start3A_245 = arith.constant 0 : i32
      %dma_start3A_246 = tpu.memref_slice %arg7[%add3A_238, %dma_start3A_245] : memref<512x64xf32, #tpu.memory_space<vmem>> -> memref<1x64xf32, #tpu.memory_space<vmem>>
      %dma_start3A_247 = tpu.memref_squeeze %dma_start3A_246 : memref<1x64xf32, #tpu.memory_space<vmem>> -> memref<64xf32, #tpu.memory_space<vmem>>
      %dma_start3A_248 = arith.constant 0 : i32
      %dma_start3A_249 = tpu.memref_slice %arg4[%squeeze3A_234, %dma_start3A_248] : memref<1000001x64xf32, #tpu.memory_space<hbm>> -> memref<1x64xf32, #tpu.memory_space<hbm>>
      %dma_start3A_250 = tpu.memref_squeeze %dma_start3A_249 : memref<1x64xf32, #tpu.memory_space<hbm>> -> memref<64xf32, #tpu.memory_space<hbm>>
      tpu.enqueue_dma source(%dma_start3A_250 : memref<64xf32, #tpu.memory_space<hbm>>) target(%dma_start3A_247 : memref<64xf32, #tpu.memory_space<vmem>>) target_semaphore(%arg10 : memref<!tpu.dma_semaphore, #tpu.memory_space<semaphore_mem>>)
      %slice3A_251 = vector.extract_strided_slice %get3A_216 {offsets = [2], sizes = [1], strides = [1]} : vector<16xi32> to vector<1xi32>
      %squeeze3A_252 = vector.extract %slice3A_251[0] : i32 from vector<1xi32>
      %mul3A_253 = arith.constant 16 : i32
      %mul3A_254 = arith.muli %scan3A_211, %mul3A_253 : i32
      %add3A_255 = arith.constant 2 : i32
      %add3A_256 = arith.addi %mul3A_254, %add3A_255 : i32
      %dma_start3A_257 = arith.constant 0 : i32
      %dma_start3A_258 = tpu.memref_slice %arg7[%add3A_256, %dma_start3A_257] : memref<512x64xf32, #tpu.memory_space<vmem>> -> memref<1x64xf32, #tpu.memory_space<vmem>>
      %dma_start3A_259 = tpu.memref_squeeze %dma_start3A_258 : memref<1x64xf32, #tpu.memory_space<vmem>> -> memref<64xf32, #tpu.memory_space<vmem>>
      %dma_start3A_260 = arith.constant 0 : i32
      %dma_start3A_261 = tpu.memref_slice %arg4[%squeeze3A_252, %dma_start3A_260] : memref<1000001x64xf32, #tpu.memory_space<hbm>> -> memref<1x64xf32, #tpu.memory_space<hbm>>
      %dma_start3A_262 = tpu.memref_squeeze %dma_start3A_261 : memref<1x64xf32, #tpu.memory_space<hbm>> -> memref<64xf32, #tpu.memory_space<hbm>>
      %dma_start3A_263 = arith.constant 0 : i32
      %dma_start3A_264 = tpu.memref_slice %arg7[%add3A_256, %dma_start3A_263] : memref<512x64xf32, #tpu.memory_space<vmem>> -> memref<1x64xf32, #tpu.memory_space<vmem>>
      %dma_start3A_265 = tpu.memref_squeeze %dma_start3A_264 : memref<1x64xf32, #tpu.memory_space<vmem>> -> memref<64xf32, #tpu.memory_space<vmem>>
      %dma_start3A_266 = arith.constant 0 : i32
      %dma_start3A_267 = tpu.memref_slice %arg4[%squeeze3A_252, %dma_start3A_266] : memref<1000001x64xf32, #tpu.memory_space<hbm>> -> memref<1x64xf32, #tpu.memory_space<hbm>>
      %dma_start3A_268 = tpu.memref_squeeze %dma_start3A_267 : memref<1x64xf32, #tpu.memory_space<hbm>> -> memref<64xf32, #tpu.memory_space<hbm>>
      tpu.enqueue_dma source(%dma_start3A_268 : memref<64xf32, #tpu.memory_space<hbm>>) target(%dma_start3A_265 : memref<64xf32, #tpu.memory_space<vmem>>) target_semaphore(%arg10 : memref<!tpu.dma_semaphore, #tpu.memory_space<semaphore_mem>>)
      %slice3A_269 = vector.extract_strided_slice %get3A_216 {offsets = [3], sizes = [1], strides = [1]} : vector<16xi32> to vector<1xi32>
      %squeeze3A_270 = vector.extract %slice3A_269[0] : i32 from vector<1xi32>
      %mul3A_271 = arith.constant 16 : i32
      %mul3A_272 = arith.muli %scan3A_211, %mul3A_271 : i32
      %add3A_273 = arith.constant 3 : i32
      %add3A_274 = arith.addi %mul3A_272, %add3A_273 : i32
      %dma_start3A_275 = arith.constant 0 : i32
      %dma_start3A_276 = tpu.memref_slice %arg7[%add3A_274, %dma_start3A_275] : memref<512x64xf32, #tpu.memory_space<vmem>> -> memref<1x64xf32, #tpu.memory_space<vmem>>
      %dma_start3A_277 = tpu.memref_squeeze %dma_start3A_276 : memref<1x64xf32, #tpu.memory_space<vmem>> -> memref<64xf32, #tpu.memory_space<vmem>>
      %dma_start3A_278 = arith.constant 0 : i32
      %dma_start3A_279 = tpu.memref_slice %arg4[%squeeze3A_270, %dma_start3A_278] : memref<1000001x64xf32, #tpu.memory_space<hbm>> -> memref<1x64xf32, #tpu.memory_space<hbm>>
      %dma_start3A_280 = tpu.memref_squeeze %dma_start3A_279 : memref<1x64xf32, #tpu.memory_space<hbm>> -> memref<64xf32, #tpu.memory_space<hbm>>
      %dma_start3A_281 = arith.constant 0 : i32
      %dma_start3A_282 = tpu.memref_slice %arg7[%add3A_274, %dma_start3A_281] : memref<512x64xf32, #tpu.memory_space<vmem>> -> memref<1x64xf32, #tpu.memory_space<vmem>>
      %dma_start3A_283 = tpu.memref_squeeze %dma_start3A_282 : memref<1x64xf32, #tpu.memory_space<vmem>> -> memref<64xf32, #tpu.memory_space<vmem>>
      %dma_start3A_284 = arith.constant 0 : i32
      %dma_start3A_285 = tpu.memref_slice %arg4[%squeeze3A_270, %dma_start3A_284] : memref<1000001x64xf32, #tpu.memory_space<hbm>> -> memref<1x64xf32, #tpu.memory_space<hbm>>
      %dma_start3A_286 = tpu.memref_squeeze %dma_start3A_285 : memref<1x64xf32, #tpu.memory_space<hbm>> -> memref<64xf32, #tpu.memory_space<hbm>>
      tpu.enqueue_dma source(%dma_start3A_286 : memref<64xf32, #tpu.memory_space<hbm>>) target(%dma_start3A_283 : memref<64xf32, #tpu.memory_space<vmem>>) target_semaphore(%arg10 : memref<!tpu.dma_semaphore, #tpu.memory_space<semaphore_mem>>)
      %slice3A_287 = vector.extract_strided_slice %get3A_216 {offsets = [4], sizes = [1], strides = [1]} : vector<16xi32> to vector<1xi32>
      %squeeze3A_288 = vector.extract %slice3A_287[0] : i32 from vector<1xi32>
      %mul3A_289 = arith.constant 16 : i32
      %mul3A_290 = arith.muli %scan3A_211, %mul3A_289 : i32
      %add3A_291 = arith.constant 4 : i32
      %add3A_292 = arith.addi %mul3A_290, %add3A_291 : i32
      %dma_start3A_293 = arith.constant 0 : i32
      %dma_start3A_294 = tpu.memref_slice %arg7[%add3A_292, %dma_start3A_293] : memref<512x64xf32, #tpu.memory_space<vmem>> -> memref<1x64xf32, #tpu.memory_space<vmem>>
      %dma_start3A_295 = tpu.memref_squeeze %dma_start3A_294 : memref<1x64xf32, #tpu.memory_space<vmem>> -> memref<64xf32, #tpu.memory_space<vmem>>
      %dma_start3A_296 = arith.constant 0 : i32
      %dma_start3A_297 = tpu.memref_slice %arg4[%squeeze3A_288, %dma_start3A_296] : memref<1000001x64xf32, #tpu.memory_space<hbm>> -> memref<1x64xf32, #tpu.memory_space<hbm>>
      %dma_start3A_298 = tpu.memref_squeeze %dma_start3A_297 : memref<1x64xf32, #tpu.memory_space<hbm>> -> memref<64xf32, #tpu.memory_space<hbm>>
      %dma_start3A_299 = arith.constant 0 : i32
      %dma_start3A_300 = tpu.memref_slice %arg7[%add3A_292, %dma_start3A_299] : memref<512x64xf32, #tpu.memory_space<vmem>> -> memref<1x64xf32, #tpu.memory_space<vmem>>
      %dma_start3A_301 = tpu.memref_squeeze %dma_start3A_300 : memref<1x64xf32, #tpu.memory_space<vmem>> -> memref<64xf32, #tpu.memory_space<vmem>>
      %dma_start3A_302 = arith.constant 0 : i32
      %dma_start3A_303 = tpu.memref_slice %arg4[%squeeze3A_288, %dma_start3A_302] : memref<1000001x64xf32, #tpu.memory_space<hbm>> -> memref<1x64xf32, #tpu.memory_space<hbm>>
      %dma_start3A_304 = tpu.memref_squeeze %dma_start3A_303 : memref<1x64xf32, #tpu.memory_space<hbm>> -> memref<64xf32, #tpu.memory_space<hbm>>
      tpu.enqueue_dma source(%dma_start3A_304 : memref<64xf32, #tpu.memory_space<hbm>>) target(%dma_start3A_301 : memref<64xf32, #tpu.memory_space<vmem>>) target_semaphore(%arg10 : memref<!tpu.dma_semaphore, #tpu.memory_space<semaphore_mem>>)
      %slice3A_305 = vector.extract_strided_slice %get3A_216 {offsets = [5], sizes = [1], strides = [1]} : vector<16xi32> to vector<1xi32>
      %squeeze3A_306 = vector.extract %slice3A_305[0] : i32 from vector<1xi32>
      %mul3A_307 = arith.constant 16 : i32
      %mul3A_308 = arith.muli %scan3A_211, %mul3A_307 : i32
      %add3A_309 = arith.constant 5 : i32
      %add3A_310 = arith.addi %mul3A_308, %add3A_309 : i32
      %dma_start3A_311 = arith.constant 0 : i32
      %dma_start3A_312 = tpu.memref_slice %arg7[%add3A_310, %dma_start3A_311] : memref<512x64xf32, #tpu.memory_space<vmem>> -> memref<1x64xf32, #tpu.memory_space<vmem>>
      %dma_start3A_313 = tpu.memref_squeeze %dma_start3A_312 : memref<1x64xf32, #tpu.memory_space<vmem>> -> memref<64xf32, #tpu.memory_space<vmem>>
      %dma_start3A_314 = arith.constant 0 : i32
      %dma_start3A_315 = tpu.memref_slice %arg4[%squeeze3A_306, %dma_start3A_314] : memref<1000001x64xf32, #tpu.memory_space<hbm>> -> memref<1x64xf32, #tpu.memory_space<hbm>>
      %dma_start3A_316 = tpu.memref_squeeze %dma_start3A_315 : memref<1x64xf32, #tpu.memory_space<hbm>> -> memref<64xf32, #tpu.memory_space<hbm>>
      %dma_start3A_317 = arith.constant 0 : i32
      %dma_start3A_318 = tpu.memref_slice %arg7[%add3A_310, %dma_start3A_317] : memref<512x64xf32, #tpu.memory_space<vmem>> -> memref<1x64xf32, #tpu.memory_space<vmem>>
      %dma_start3A_319 = tpu.memref_squeeze %dma_start3A_318 : memref<1x64xf32, #tpu.memory_space<vmem>> -> memref<64xf32, #tpu.memory_space<vmem>>
      %dma_start3A_320 = arith.constant 0 : i32
      %dma_start3A_321 = tpu.memref_slice %arg4[%squeeze3A_306, %dma_start3A_320] : memref<1000001x64xf32, #tpu.memory_space<hbm>> -> memref<1x64xf32, #tpu.memory_space<hbm>>
      %dma_start3A_322 = tpu.memref_squeeze %dma_start3A_321 : memref<1x64xf32, #tpu.memory_space<hbm>> -> memref<64xf32, #tpu.memory_space<hbm>>
      tpu.enqueue_dma source(%dma_start3A_322 : memref<64xf32, #tpu.memory_space<hbm>>) target(%dma_start3A_319 : memref<64xf32, #tpu.memory_space<vmem>>) target_semaphore(%arg10 : memref<!tpu.dma_semaphore, #tpu.memory_space<semaphore_mem>>)
      %slice3A_323 = vector.extract_strided_slice %get3A_216 {offsets = [6], sizes = [1], strides = [1]} : vector<16xi32> to vector<1xi32>
      %squeeze3A_324 = vector.extract %slice3A_323[0] : i32 from vector<1xi32>
      %mul3A_325 = arith.constant 16 : i32
      %mul3A_326 = arith.muli %scan3A_211, %mul3A_325 : i32
      %add3A_327 = arith.constant 6 : i32
      %add3A_328 = arith.addi %mul3A_326, %add3A_327 : i32
      %dma_start3A_329 = arith.constant 0 : i32
      %dma_start3A_330 = tpu.memref_slice %arg7[%add3A_328, %dma_start3A_329] : memref<512x64xf32, #tpu.memory_space<vmem>> -> memref<1x64xf32, #tpu.memory_space<vmem>>
      %dma_start3A_331 = tpu.memref_squeeze %dma_start3A_330 : memref<1x64xf32, #tpu.memory_space<vmem>> -> memref<64xf32, #tpu.memory_space<vmem>>
      %dma_start3A_332 = arith.constant 0 : i32
      %dma_start3A_333 = tpu.memref_slice %arg4[%squeeze3A_324, %dma_start3A_332] : memref<1000001x64xf32, #tpu.memory_space<hbm>> -> memref<1x64xf32, #tpu.memory_space<hbm>>
      %dma_start3A_334 = tpu.memref_squeeze %dma_start3A_333 : memref<1x64xf32, #tpu.memory_space<hbm>> -> memref<64xf32, #tpu.memory_space<hbm>>
      %dma_start3A_335 = arith.constant 0 : i32
      %dma_start3A_336 = tpu.memref_slice %arg7[%add3A_328, %dma_start3A_335] : memref<512x64xf32, #tpu.memory_space<vmem>> -> memref<1x64xf32, #tpu.memory_space<vmem>>
      %dma_start3A_337 = tpu.memref_squeeze %dma_start3A_336 : memref<1x64xf32, #tpu.memory_space<vmem>> -> memref<64xf32, #tpu.memory_space<vmem>>
      %dma_start3A_338 = arith.constant 0 : i32
      %dma_start3A_339 = tpu.memref_slice %arg4[%squeeze3A_324, %dma_start3A_338] : memref<1000001x64xf32, #tpu.memory_space<hbm>> -> memref<1x64xf32, #tpu.memory_space<hbm>>
      %dma_start3A_340 = tpu.memref_squeeze %dma_start3A_339 : memref<1x64xf32, #tpu.memory_space<hbm>> -> memref<64xf32, #tpu.memory_space<hbm>>
      tpu.enqueue_dma source(%dma_start3A_340 : memref<64xf32, #tpu.memory_space<hbm>>) target(%dma_start3A_337 : memref<64xf32, #tpu.memory_space<vmem>>) target_semaphore(%arg10 : memref<!tpu.dma_semaphore, #tpu.memory_space<semaphore_mem>>)
      %slice3A_341 = vector.extract_strided_slice %get3A_216 {offsets = [7], sizes = [1], strides = [1]} : vector<16xi32> to vector<1xi32>
      %squeeze3A_342 = vector.extract %slice3A_341[0] : i32 from vector<1xi32>
      %mul3A_343 = arith.constant 16 : i32
      %mul3A_344 = arith.muli %scan3A_211, %mul3A_343 : i32
      %add3A_345 = arith.constant 7 : i32
      %add3A_346 = arith.addi %mul3A_344, %add3A_345 : i32
      %dma_start3A_347 = arith.constant 0 : i32
      %dma_start3A_348 = tpu.memref_slice %arg7[%add3A_346, %dma_start3A_347] : memref<512x64xf32, #tpu.memory_space<vmem>> -> memref<1x64xf32, #tpu.memory_space<vmem>>
      %dma_start3A_349 = tpu.memref_squeeze %dma_start3A_348 : memref<1x64xf32, #tpu.memory_space<vmem>> -> memref<64xf32, #tpu.memory_space<vmem>>
      %dma_start3A_350 = arith.constant 0 : i32
      %dma_start3A_351 = tpu.memref_slice %arg4[%squeeze3A_342, %dma_start3A_350] : memref<1000001x64xf32, #tpu.memory_space<hbm>> -> memref<1x64xf32, #tpu.memory_space<hbm>>
      %dma_start3A_352 = tpu.memref_squeeze %dma_start3A_351 : memref<1x64xf32, #tpu.memory_space<hbm>> -> memref<64xf32, #tpu.memory_space<hbm>>
      %dma_start3A_353 = arith.constant 0 : i32
      %dma_start3A_354 = tpu.memref_slice %arg7[%add3A_346, %dma_start3A_353] : memref<512x64xf32, #tpu.memory_space<vmem>> -> memref<1x64xf32, #tpu.memory_space<vmem>>
      %dma_start3A_355 = tpu.memref_squeeze %dma_start3A_354 : memref<1x64xf32, #tpu.memory_space<vmem>> -> memref<64xf32, #tpu.memory_space<vmem>>
      %dma_start3A_356 = arith.constant 0 : i32
      %dma_start3A_357 = tpu.memref_slice %arg4[%squeeze3A_342, %dma_start3A_356] : memref<1000001x64xf32, #tpu.memory_space<hbm>> -> memref<1x64xf32, #tpu.memory_space<hbm>>
      %dma_start3A_358 = tpu.memref_squeeze %dma_start3A_357 : memref<1x64xf32, #tpu.memory_space<hbm>> -> memref<64xf32, #tpu.memory_space<hbm>>
      tpu.enqueue_dma source(%dma_start3A_358 : memref<64xf32, #tpu.memory_space<hbm>>) target(%dma_start3A_355 : memref<64xf32, #tpu.memory_space<vmem>>) target_semaphore(%arg10 : memref<!tpu.dma_semaphore, #tpu.memory_space<semaphore_mem>>)
      %slice3A_359 = vector.extract_strided_slice %get3A_216 {offsets = [8], sizes = [1], strides = [1]} : vector<16xi32> to vector<1xi32>
      %squeeze3A_360 = vector.extract %slice3A_359[0] : i32 from vector<1xi32>
      %mul3A_361 = arith.constant 16 : i32
      %mul3A_362 = arith.muli %scan3A_211, %mul3A_361 : i32
      %add3A_363 = arith.constant 8 : i32
      %add3A_364 = arith.addi %mul3A_362, %add3A_363 : i32
      %dma_start3A_365 = arith.constant 0 : i32
      %dma_start3A_366 = tpu.memref_slice %arg7[%add3A_364, %dma_start3A_365] : memref<512x64xf32, #tpu.memory_space<vmem>> -> memref<1x64xf32, #tpu.memory_space<vmem>>
      %dma_start3A_367 = tpu.memref_squeeze %dma_start3A_366 : memref<1x64xf32, #tpu.memory_space<vmem>> -> memref<64xf32, #tpu.memory_space<vmem>>
      %dma_start3A_368 = arith.constant 0 : i32
      %dma_start3A_369 = tpu.memref_slice %arg4[%squeeze3A_360, %dma_start3A_368] : memref<1000001x64xf32, #tpu.memory_space<hbm>> -> memref<1x64xf32, #tpu.memory_space<hbm>>
      %dma_start3A_370 = tpu.memref_squeeze %dma_start3A_369 : memref<1x64xf32, #tpu.memory_space<hbm>> -> memref<64xf32, #tpu.memory_space<hbm>>
      %dma_start3A_371 = arith.constant 0 : i32
      %dma_start3A_372 = tpu.memref_slice %arg7[%add3A_364, %dma_start3A_371] : memref<512x64xf32, #tpu.memory_space<vmem>> -> memref<1x64xf32, #tpu.memory_space<vmem>>
      %dma_start3A_373 = tpu.memref_squeeze %dma_start3A_372 : memref<1x64xf32, #tpu.memory_space<vmem>> -> memref<64xf32, #tpu.memory_space<vmem>>
      %dma_start3A_374 = arith.constant 0 : i32
      %dma_start3A_375 = tpu.memref_slice %arg4[%squeeze3A_360, %dma_start3A_374] : memref<1000001x64xf32, #tpu.memory_space<hbm>> -> memref<1x64xf32, #tpu.memory_space<hbm>>
      %dma_start3A_376 = tpu.memref_squeeze %dma_start3A_375 : memref<1x64xf32, #tpu.memory_space<hbm>> -> memref<64xf32, #tpu.memory_space<hbm>>
      tpu.enqueue_dma source(%dma_start3A_376 : memref<64xf32, #tpu.memory_space<hbm>>) target(%dma_start3A_373 : memref<64xf32, #tpu.memory_space<vmem>>) target_semaphore(%arg10 : memref<!tpu.dma_semaphore, #tpu.memory_space<semaphore_mem>>)
      %slice3A_377 = vector.extract_strided_slice %get3A_216 {offsets = [9], sizes = [1], strides = [1]} : vector<16xi32> to vector<1xi32>
      %squeeze3A_378 = vector.extract %slice3A_377[0] : i32 from vector<1xi32>
      %mul3A_379 = arith.constant 16 : i32
      %mul3A_380 = arith.muli %scan3A_211, %mul3A_379 : i32
      %add3A_381 = arith.constant 9 : i32
      %add3A_382 = arith.addi %mul3A_380, %add3A_381 : i32
      %dma_start3A_383 = arith.constant 0 : i32
      %dma_start3A_384 = tpu.memref_slice %arg7[%add3A_382, %dma_start3A_383] : memref<512x64xf32, #tpu.memory_space<vmem>> -> memref<1x64xf32, #tpu.memory_space<vmem>>
      %dma_start3A_385 = tpu.memref_squeeze %dma_start3A_384 : memref<1x64xf32, #tpu.memory_space<vmem>> -> memref<64xf32, #tpu.memory_space<vmem>>
      %dma_start3A_386 = arith.constant 0 : i32
      %dma_start3A_387 = tpu.memref_slice %arg4[%squeeze3A_378, %dma_start3A_386] : memref<1000001x64xf32, #tpu.memory_space<hbm>> -> memref<1x64xf32, #tpu.memory_space<hbm>>
      %dma_start3A_388 = tpu.memref_squeeze %dma_start3A_387 : memref<1x64xf32, #tpu.memory_space<hbm>> -> memref<64xf32, #tpu.memory_space<hbm>>
      %dma_start3A_389 = arith.constant 0 : i32
      %dma_start3A_390 = tpu.memref_slice %arg7[%add3A_382, %dma_start3A_389] : memref<512x64xf32, #tpu.memory_space<vmem>> -> memref<1x64xf32, #tpu.memory_space<vmem>>
      %dma_start3A_391 = tpu.memref_squeeze %dma_start3A_390 : memref<1x64xf32, #tpu.memory_space<vmem>> -> memref<64xf32, #tpu.memory_space<vmem>>
      %dma_start3A_392 = arith.constant 0 : i32
      %dma_start3A_393 = tpu.memref_slice %arg4[%squeeze3A_378, %dma_start3A_392] : memref<1000001x64xf32, #tpu.memory_space<hbm>> -> memref<1x64xf32, #tpu.memory_space<hbm>>
      %dma_start3A_394 = tpu.memref_squeeze %dma_start3A_393 : memref<1x64xf32, #tpu.memory_space<hbm>> -> memref<64xf32, #tpu.memory_space<hbm>>
      tpu.enqueue_dma source(%dma_start3A_394 : memref<64xf32, #tpu.memory_space<hbm>>) target(%dma_start3A_391 : memref<64xf32, #tpu.memory_space<vmem>>) target_semaphore(%arg10 : memref<!tpu.dma_semaphore, #tpu.memory_space<semaphore_mem>>)
      %slice3A_395 = vector.extract_strided_slice %get3A_216 {offsets = [10], sizes = [1], strides = [1]} : vector<16xi32> to vector<1xi32>
      %squeeze3A_396 = vector.extract %slice3A_395[0] : i32 from vector<1xi32>
      %mul3A_397 = arith.constant 16 : i32
      %mul3A_398 = arith.muli %scan3A_211, %mul3A_397 : i32
      %add3A_399 = arith.constant 10 : i32
      %add3A_400 = arith.addi %mul3A_398, %add3A_399 : i32
      %dma_start3A_401 = arith.constant 0 : i32
      %dma_start3A_402 = tpu.memref_slice %arg7[%add3A_400, %dma_start3A_401] : memref<512x64xf32, #tpu.memory_space<vmem>> -> memref<1x64xf32, #tpu.memory_space<vmem>>
      %dma_start3A_403 = tpu.memref_squeeze %dma_start3A_402 : memref<1x64xf32, #tpu.memory_space<vmem>> -> memref<64xf32, #tpu.memory_space<vmem>>
      %dma_start3A_404 = arith.constant 0 : i32
      %dma_start3A_405 = tpu.memref_slice %arg4[%squeeze3A_396, %dma_start3A_404] : memref<1000001x64xf32, #tpu.memory_space<hbm>> -> memref<1x64xf32, #tpu.memory_space<hbm>>
      %dma_start3A_406 = tpu.memref_squeeze %dma_start3A_405 : memref<1x64xf32, #tpu.memory_space<hbm>> -> memref<64xf32, #tpu.memory_space<hbm>>
      %dma_start3A_407 = arith.constant 0 : i32
      %dma_start3A_408 = tpu.memref_slice %arg7[%add3A_400, %dma_start3A_407] : memref<512x64xf32, #tpu.memory_space<vmem>> -> memref<1x64xf32, #tpu.memory_space<vmem>>
      %dma_start3A_409 = tpu.memref_squeeze %dma_start3A_408 : memref<1x64xf32, #tpu.memory_space<vmem>> -> memref<64xf32, #tpu.memory_space<vmem>>
      %dma_start3A_410 = arith.constant 0 : i32
      %dma_start3A_411 = tpu.memref_slice %arg4[%squeeze3A_396, %dma_start3A_410] : memref<1000001x64xf32, #tpu.memory_space<hbm>> -> memref<1x64xf32, #tpu.memory_space<hbm>>
      %dma_start3A_412 = tpu.memref_squeeze %dma_start3A_411 : memref<1x64xf32, #tpu.memory_space<hbm>> -> memref<64xf32, #tpu.memory_space<hbm>>
      tpu.enqueue_dma source(%dma_start3A_412 : memref<64xf32, #tpu.memory_space<hbm>>) target(%dma_start3A_409 : memref<64xf32, #tpu.memory_space<vmem>>) target_semaphore(%arg10 : memref<!tpu.dma_semaphore, #tpu.memory_space<semaphore_mem>>)
      %slice3A_413 = vector.extract_strided_slice %get3A_216 {offsets = [11], sizes = [1], strides = [1]} : vector<16xi32> to vector<1xi32>
      %squeeze3A_414 = vector.extract %slice3A_413[0] : i32 from vector<1xi32>
      %mul3A_415 = arith.constant 16 : i32
      %mul3A_416 = arith.muli %scan3A_211, %mul3A_415 : i32
      %add3A_417 = arith.constant 11 : i32
      %add3A_418 = arith.addi %mul3A_416, %add3A_417 : i32
      %dma_start3A_419 = arith.constant 0 : i32
      %dma_start3A_420 = tpu.memref_slice %arg7[%add3A_418, %dma_start3A_419] : memref<512x64xf32, #tpu.memory_space<vmem>> -> memref<1x64xf32, #tpu.memory_space<vmem>>
      %dma_start3A_421 = tpu.memref_squeeze %dma_start3A_420 : memref<1x64xf32, #tpu.memory_space<vmem>> -> memref<64xf32, #tpu.memory_space<vmem>>
      %dma_start3A_422 = arith.constant 0 : i32
      %dma_start3A_423 = tpu.memref_slice %arg4[%squeeze3A_414, %dma_start3A_422] : memref<1000001x64xf32, #tpu.memory_space<hbm>> -> memref<1x64xf32, #tpu.memory_space<hbm>>
      %dma_start3A_424 = tpu.memref_squeeze %dma_start3A_423 : memref<1x64xf32, #tpu.memory_space<hbm>> -> memref<64xf32, #tpu.memory_space<hbm>>
      %dma_start3A_425 = arith.constant 0 : i32
      %dma_start3A_426 = tpu.memref_slice %arg7[%add3A_418, %dma_start3A_425] : memref<512x64xf32, #tpu.memory_space<vmem>> -> memref<1x64xf32, #tpu.memory_space<vmem>>
      %dma_start3A_427 = tpu.memref_squeeze %dma_start3A_426 : memref<1x64xf32, #tpu.memory_space<vmem>> -> memref<64xf32, #tpu.memory_space<vmem>>
      %dma_start3A_428 = arith.constant 0 : i32
      %dma_start3A_429 = tpu.memref_slice %arg4[%squeeze3A_414, %dma_start3A_428] : memref<1000001x64xf32, #tpu.memory_space<hbm>> -> memref<1x64xf32, #tpu.memory_space<hbm>>
      %dma_start3A_430 = tpu.memref_squeeze %dma_start3A_429 : memref<1x64xf32, #tpu.memory_space<hbm>> -> memref<64xf32, #tpu.memory_space<hbm>>
      tpu.enqueue_dma source(%dma_start3A_430 : memref<64xf32, #tpu.memory_space<hbm>>) target(%dma_start3A_427 : memref<64xf32, #tpu.memory_space<vmem>>) target_semaphore(%arg10 : memref<!tpu.dma_semaphore, #tpu.memory_space<semaphore_mem>>)
      %slice3A_431 = vector.extract_strided_slice %get3A_216 {offsets = [12], sizes = [1], strides = [1]} : vector<16xi32> to vector<1xi32>
      %squeeze3A_432 = vector.extract %slice3A_431[0] : i32 from vector<1xi32>
      %mul3A_433 = arith.constant 16 : i32
      %mul3A_434 = arith.muli %scan3A_211, %mul3A_433 : i32
      %add3A_435 = arith.constant 12 : i32
      %add3A_436 = arith.addi %mul3A_434, %add3A_435 : i32
      %dma_start3A_437 = arith.constant 0 : i32
      %dma_start3A_438 = tpu.memref_slice %arg7[%add3A_436, %dma_start3A_437] : memref<512x64xf32, #tpu.memory_space<vmem>> -> memref<1x64xf32, #tpu.memory_space<vmem>>
      %dma_start3A_439 = tpu.memref_squeeze %dma_start3A_438 : memref<1x64xf32, #tpu.memory_space<vmem>> -> memref<64xf32, #tpu.memory_space<vmem>>
      %dma_start3A_440 = arith.constant 0 : i32
      %dma_start3A_441 = tpu.memref_slice %arg4[%squeeze3A_432, %dma_start3A_440] : memref<1000001x64xf32, #tpu.memory_space<hbm>> -> memref<1x64xf32, #tpu.memory_space<hbm>>
      %dma_start3A_442 = tpu.memref_squeeze %dma_start3A_441 : memref<1x64xf32, #tpu.memory_space<hbm>> -> memref<64xf32, #tpu.memory_space<hbm>>
      %dma_start3A_443 = arith.constant 0 : i32
      %dma_start3A_444 = tpu.memref_slice %arg7[%add3A_436, %dma_start3A_443] : memref<512x64xf32, #tpu.memory_space<vmem>> -> memref<1x64xf32, #tpu.memory_space<vmem>>
      %dma_start3A_445 = tpu.memref_squeeze %dma_start3A_444 : memref<1x64xf32, #tpu.memory_space<vmem>> -> memref<64xf32, #tpu.memory_space<vmem>>
      %dma_start3A_446 = arith.constant 0 : i32
      %dma_start3A_447 = tpu.memref_slice %arg4[%squeeze3A_432, %dma_start3A_446] : memref<1000001x64xf32, #tpu.memory_space<hbm>> -> memref<1x64xf32, #tpu.memory_space<hbm>>
      %dma_start3A_448 = tpu.memref_squeeze %dma_start3A_447 : memref<1x64xf32, #tpu.memory_space<hbm>> -> memref<64xf32, #tpu.memory_space<hbm>>
      tpu.enqueue_dma source(%dma_start3A_448 : memref<64xf32, #tpu.memory_space<hbm>>) target(%dma_start3A_445 : memref<64xf32, #tpu.memory_space<vmem>>) target_semaphore(%arg10 : memref<!tpu.dma_semaphore, #tpu.memory_space<semaphore_mem>>)
      %slice3A_449 = vector.extract_strided_slice %get3A_216 {offsets = [13], sizes = [1], strides = [1]} : vector<16xi32> to vector<1xi32>
      %squeeze3A_450 = vector.extract %slice3A_449[0] : i32 from vector<1xi32>
      %mul3A_451 = arith.constant 16 : i32
      %mul3A_452 = arith.muli %scan3A_211, %mul3A_451 : i32
      %add3A_453 = arith.constant 13 : i32
      %add3A_454 = arith.addi %mul3A_452, %add3A_453 : i32
      %dma_start3A_455 = arith.constant 0 : i32
      %dma_start3A_456 = tpu.memref_slice %arg7[%add3A_454, %dma_start3A_455] : memref<512x64xf32, #tpu.memory_space<vmem>> -> memref<1x64xf32, #tpu.memory_space<vmem>>
      %dma_start3A_457 = tpu.memref_squeeze %dma_start3A_456 : memref<1x64xf32, #tpu.memory_space<vmem>> -> memref<64xf32, #tpu.memory_space<vmem>>
      %dma_start3A_458 = arith.constant 0 : i32
      %dma_start3A_459 = tpu.memref_slice %arg4[%squeeze3A_450, %dma_start3A_458] : memref<1000001x64xf32, #tpu.memory_space<hbm>> -> memref<1x64xf32, #tpu.memory_space<hbm>>
      %dma_start3A_460 = tpu.memref_squeeze %dma_start3A_459 : memref<1x64xf32, #tpu.memory_space<hbm>> -> memref<64xf32, #tpu.memory_space<hbm>>
      %dma_start3A_461 = arith.constant 0 : i32
      %dma_start3A_462 = tpu.memref_slice %arg7[%add3A_454, %dma_start3A_461] : memref<512x64xf32, #tpu.memory_space<vmem>> -> memref<1x64xf32, #tpu.memory_space<vmem>>
      %dma_start3A_463 = tpu.memref_squeeze %dma_start3A_462 : memref<1x64xf32, #tpu.memory_space<vmem>> -> memref<64xf32, #tpu.memory_space<vmem>>
      %dma_start3A_464 = arith.constant 0 : i32
      %dma_start3A_465 = tpu.memref_slice %arg4[%squeeze3A_450, %dma_start3A_464] : memref<1000001x64xf32, #tpu.memory_space<hbm>> -> memref<1x64xf32, #tpu.memory_space<hbm>>
      %dma_start3A_466 = tpu.memref_squeeze %dma_start3A_465 : memref<1x64xf32, #tpu.memory_space<hbm>> -> memref<64xf32, #tpu.memory_space<hbm>>
      tpu.enqueue_dma source(%dma_start3A_466 : memref<64xf32, #tpu.memory_space<hbm>>) target(%dma_start3A_463 : memref<64xf32, #tpu.memory_space<vmem>>) target_semaphore(%arg10 : memref<!tpu.dma_semaphore, #tpu.memory_space<semaphore_mem>>)
      %slice3A_467 = vector.extract_strided_slice %get3A_216 {offsets = [14], sizes = [1], strides = [1]} : vector<16xi32> to vector<1xi32>
      %squeeze3A_468 = vector.extract %slice3A_467[0] : i32 from vector<1xi32>
      %mul3A_469 = arith.constant 16 : i32
      %mul3A_470 = arith.muli %scan3A_211, %mul3A_469 : i32
      %add3A_471 = arith.constant 14 : i32
      %add3A_472 = arith.addi %mul3A_470, %add3A_471 : i32
      %dma_start3A_473 = arith.constant 0 : i32
      %dma_start3A_474 = tpu.memref_slice %arg7[%add3A_472, %dma_start3A_473] : memref<512x64xf32, #tpu.memory_space<vmem>> -> memref<1x64xf32, #tpu.memory_space<vmem>>
      %dma_start3A_475 = tpu.memref_squeeze %dma_start3A_474 : memref<1x64xf32, #tpu.memory_space<vmem>> -> memref<64xf32, #tpu.memory_space<vmem>>
      %dma_start3A_476 = arith.constant 0 : i32
      %dma_start3A_477 = tpu.memref_slice %arg4[%squeeze3A_468, %dma_start3A_476] : memref<1000001x64xf32, #tpu.memory_space<hbm>> -> memref<1x64xf32, #tpu.memory_space<hbm>>
      %dma_start3A_478 = tpu.memref_squeeze %dma_start3A_477 : memref<1x64xf32, #tpu.memory_space<hbm>> -> memref<64xf32, #tpu.memory_space<hbm>>
      %dma_start3A_479 = arith.constant 0 : i32
      %dma_start3A_480 = tpu.memref_slice %arg7[%add3A_472, %dma_start3A_479] : memref<512x64xf32, #tpu.memory_space<vmem>> -> memref<1x64xf32, #tpu.memory_space<vmem>>
      %dma_start3A_481 = tpu.memref_squeeze %dma_start3A_480 : memref<1x64xf32, #tpu.memory_space<vmem>> -> memref<64xf32, #tpu.memory_space<vmem>>
      %dma_start3A_482 = arith.constant 0 : i32
      %dma_start3A_483 = tpu.memref_slice %arg4[%squeeze3A_468, %dma_start3A_482] : memref<1000001x64xf32, #tpu.memory_space<hbm>> -> memref<1x64xf32, #tpu.memory_space<hbm>>
      %dma_start3A_484 = tpu.memref_squeeze %dma_start3A_483 : memref<1x64xf32, #tpu.memory_space<hbm>> -> memref<64xf32, #tpu.memory_space<hbm>>
      tpu.enqueue_dma source(%dma_start3A_484 : memref<64xf32, #tpu.memory_space<hbm>>) target(%dma_start3A_481 : memref<64xf32, #tpu.memory_space<vmem>>) target_semaphore(%arg10 : memref<!tpu.dma_semaphore, #tpu.memory_space<semaphore_mem>>)
      %slice3A_485 = vector.extract_strided_slice %get3A_216 {offsets = [15], sizes = [1], strides = [1]} : vector<16xi32> to vector<1xi32>
      %squeeze3A_486 = vector.extract %slice3A_485[0] : i32 from vector<1xi32>
      %mul3A_487 = arith.constant 16 : i32
      %mul3A_488 = arith.muli %scan3A_211, %mul3A_487 : i32
      %add3A_489 = arith.constant 15 : i32
      %add3A_490 = arith.addi %mul3A_488, %add3A_489 : i32
      %dma_start3A_491 = arith.constant 0 : i32
      %dma_start3A_492 = tpu.memref_slice %arg7[%add3A_490, %dma_start3A_491] : memref<512x64xf32, #tpu.memory_space<vmem>> -> memref<1x64xf32, #tpu.memory_space<vmem>>
      %dma_start3A_493 = tpu.memref_squeeze %dma_start3A_492 : memref<1x64xf32, #tpu.memory_space<vmem>> -> memref<64xf32, #tpu.memory_space<vmem>>
      %dma_start3A_494 = arith.constant 0 : i32
      %dma_start3A_495 = tpu.memref_slice %arg4[%squeeze3A_486, %dma_start3A_494] : memref<1000001x64xf32, #tpu.memory_space<hbm>> -> memref<1x64xf32, #tpu.memory_space<hbm>>
      %dma_start3A_496 = tpu.memref_squeeze %dma_start3A_495 : memref<1x64xf32, #tpu.memory_space<hbm>> -> memref<64xf32, #tpu.memory_space<hbm>>
      %dma_start3A_497 = arith.constant 0 : i32
      %dma_start3A_498 = tpu.memref_slice %arg7[%add3A_490, %dma_start3A_497] : memref<512x64xf32, #tpu.memory_space<vmem>> -> memref<1x64xf32, #tpu.memory_space<vmem>>
      %dma_start3A_499 = tpu.memref_squeeze %dma_start3A_498 : memref<1x64xf32, #tpu.memory_space<vmem>> -> memref<64xf32, #tpu.memory_space<vmem>>
      %dma_start3A_500 = arith.constant 0 : i32
      %dma_start3A_501 = tpu.memref_slice %arg4[%squeeze3A_486, %dma_start3A_500] : memref<1000001x64xf32, #tpu.memory_space<hbm>> -> memref<1x64xf32, #tpu.memory_space<hbm>>
      %dma_start3A_502 = tpu.memref_squeeze %dma_start3A_501 : memref<1x64xf32, #tpu.memory_space<hbm>> -> memref<64xf32, #tpu.memory_space<hbm>>
      tpu.enqueue_dma source(%dma_start3A_502 : memref<64xf32, #tpu.memory_space<hbm>>) target(%dma_start3A_499 : memref<64xf32, #tpu.memory_space<vmem>>) target_semaphore(%arg10 : memref<!tpu.dma_semaphore, #tpu.memory_space<semaphore_mem>>)
    }
    %scan3A_13 = arith.constant 8 : i32
    %scan3A_14 = arith.constant 0 : i32
    %scan3A_15 = arith.constant 16 : i32
    %scan3A_16 = arith.constant 8 : i32
    %scan3A_17 = arith.addi %scan3A_15, %scan3A_16 : i32
    %scan3A_18 = arith.constant 1 : i32
    scf.for %scan3A_211 = %scan3A_15 to %scan3A_17 step %scan3A_18  : i32 {
      %mul3A_212 = arith.constant 16 : i32
      %mul3A_213 = arith.muli %scan3A_211, %mul3A_212 : i32
      %get3A_214 = arith.index_cast %mul3A_213 : i32 to index
      %get3A_215 = tpu.vector_load %arg6[%get3A_214] {strides = array<i32>} : memref<512xi32, #tpu.memory_space<vmem>>, vector<16xi32>,
      %get3A_216 = vector.shape_cast %get3A_215 : vector<16xi32> to vector<16xi32>
      %slice3A = vector.extract_strided_slice %get3A_216 {offsets = [0], sizes = [1], strides = [1]} : vector<16xi32> to vector<1xi32>
      %squeeze3A = vector.extract %slice3A[0] : i32 from vector<1xi32>
      %mul3A_217 = arith.constant 16 : i32
      %mul3A_218 = arith.muli %scan3A_211, %mul3A_217 : i32
      %add3A_219 = arith.constant 0 : i32
      %add3A_220 = arith.addi %mul3A_218, %add3A_219 : i32
      %dma_start3A_221 = arith.constant 0 : i32
      %dma_start3A_222 = tpu.memref_slice %arg7[%add3A_220, %dma_start3A_221] : memref<512x64xf32, #tpu.memory_space<vmem>> -> memref<1x64xf32, #tpu.memory_space<vmem>>
      %dma_start3A_223 = tpu.memref_squeeze %dma_start3A_222 : memref<1x64xf32, #tpu.memory_space<vmem>> -> memref<64xf32, #tpu.memory_space<vmem>>
      %dma_start3A_224 = arith.constant 0 : i32
      %dma_start3A_225 = tpu.memref_slice %arg4[%squeeze3A, %dma_start3A_224] : memref<1000001x64xf32, #tpu.memory_space<hbm>> -> memref<1x64xf32, #tpu.memory_space<hbm>>
      %dma_start3A_226 = tpu.memref_squeeze %dma_start3A_225 : memref<1x64xf32, #tpu.memory_space<hbm>> -> memref<64xf32, #tpu.memory_space<hbm>>
      %dma_start3A_227 = arith.constant 0 : i32
      %dma_start3A_228 = tpu.memref_slice %arg7[%add3A_220, %dma_start3A_227] : memref<512x64xf32, #tpu.memory_space<vmem>> -> memref<1x64xf32, #tpu.memory_space<vmem>>
      %dma_start3A_229 = tpu.memref_squeeze %dma_start3A_228 : memref<1x64xf32, #tpu.memory_space<vmem>> -> memref<64xf32, #tpu.memory_space<vmem>>
      %dma_start3A_230 = arith.constant 0 : i32
      %dma_start3A_231 = tpu.memref_slice %arg4[%squeeze3A, %dma_start3A_230] : memref<1000001x64xf32, #tpu.memory_space<hbm>> -> memref<1x64xf32, #tpu.memory_space<hbm>>
      %dma_start3A_232 = tpu.memref_squeeze %dma_start3A_231 : memref<1x64xf32, #tpu.memory_space<hbm>> -> memref<64xf32, #tpu.memory_space<hbm>>
      tpu.enqueue_dma source(%dma_start3A_232 : memref<64xf32, #tpu.memory_space<hbm>>) target(%dma_start3A_229 : memref<64xf32, #tpu.memory_space<vmem>>) target_semaphore(%arg11 : memref<!tpu.dma_semaphore, #tpu.memory_space<semaphore_mem>>)
      %slice3A_233 = vector.extract_strided_slice %get3A_216 {offsets = [1], sizes = [1], strides = [1]} : vector<16xi32> to vector<1xi32>
      %squeeze3A_234 = vector.extract %slice3A_233[0] : i32 from vector<1xi32>
      %mul3A_235 = arith.constant 16 : i32
      %mul3A_236 = arith.muli %scan3A_211, %mul3A_235 : i32
      %add3A_237 = arith.constant 1 : i32
      %add3A_238 = arith.addi %mul3A_236, %add3A_237 : i32
      %dma_start3A_239 = arith.constant 0 : i32
      %dma_start3A_240 = tpu.memref_slice %arg7[%add3A_238, %dma_start3A_239] : memref<512x64xf32, #tpu.memory_space<vmem>> -> memref<1x64xf32, #tpu.memory_space<vmem>>
      %dma_start3A_241 = tpu.memref_squeeze %dma_start3A_240 : memref<1x64xf32, #tpu.memory_space<vmem>> -> memref<64xf32, #tpu.memory_space<vmem>>
      %dma_start3A_242 = arith.constant 0 : i32
      %dma_start3A_243 = tpu.memref_slice %arg4[%squeeze3A_234, %dma_start3A_242] : memref<1000001x64xf32, #tpu.memory_space<hbm>> -> memref<1x64xf32, #tpu.memory_space<hbm>>
      %dma_start3A_244 = tpu.memref_squeeze %dma_start3A_243 : memref<1x64xf32, #tpu.memory_space<hbm>> -> memref<64xf32, #tpu.memory_space<hbm>>
      %dma_start3A_245 = arith.constant 0 : i32
      %dma_start3A_246 = tpu.memref_slice %arg7[%add3A_238, %dma_start3A_245] : memref<512x64xf32, #tpu.memory_space<vmem>> -> memref<1x64xf32, #tpu.memory_space<vmem>>
      %dma_start3A_247 = tpu.memref_squeeze %dma_start3A_246 : memref<1x64xf32, #tpu.memory_space<vmem>> -> memref<64xf32, #tpu.memory_space<vmem>>
      %dma_start3A_248 = arith.constant 0 : i32
      %dma_start3A_249 = tpu.memref_slice %arg4[%squeeze3A_234, %dma_start3A_248] : memref<1000001x64xf32, #tpu.memory_space<hbm>> -> memref<1x64xf32, #tpu.memory_space<hbm>>
      %dma_start3A_250 = tpu.memref_squeeze %dma_start3A_249 : memref<1x64xf32, #tpu.memory_space<hbm>> -> memref<64xf32, #tpu.memory_space<hbm>>
      tpu.enqueue_dma source(%dma_start3A_250 : memref<64xf32, #tpu.memory_space<hbm>>) target(%dma_start3A_247 : memref<64xf32, #tpu.memory_space<vmem>>) target_semaphore(%arg11 : memref<!tpu.dma_semaphore, #tpu.memory_space<semaphore_mem>>)
      %slice3A_251 = vector.extract_strided_slice %get3A_216 {offsets = [2], sizes = [1], strides = [1]} : vector<16xi32> to vector<1xi32>
      %squeeze3A_252 = vector.extract %slice3A_251[0] : i32 from vector<1xi32>
      %mul3A_253 = arith.constant 16 : i32
      %mul3A_254 = arith.muli %scan3A_211, %mul3A_253 : i32
      %add3A_255 = arith.constant 2 : i32
      %add3A_256 = arith.addi %mul3A_254, %add3A_255 : i32
      %dma_start3A_257 = arith.constant 0 : i32
      %dma_start3A_258 = tpu.memref_slice %arg7[%add3A_256, %dma_start3A_257] : memref<512x64xf32, #tpu.memory_space<vmem>> -> memref<1x64xf32, #tpu.memory_space<vmem>>
      %dma_start3A_259 = tpu.memref_squeeze %dma_start3A_258 : memref<1x64xf32, #tpu.memory_space<vmem>> -> memref<64xf32, #tpu.memory_space<vmem>>
      %dma_start3A_260 = arith.constant 0 : i32
      %dma_start3A_261 = tpu.memref_slice %arg4[%squeeze3A_252, %dma_start3A_260] : memref<1000001x64xf32, #tpu.memory_space<hbm>> -> memref<1x64xf32, #tpu.memory_space<hbm>>
      %dma_start3A_262 = tpu.memref_squeeze %dma_start3A_261 : memref<1x64xf32, #tpu.memory_space<hbm>> -> memref<64xf32, #tpu.memory_space<hbm>>
      %dma_start3A_263 = arith.constant 0 : i32
      %dma_start3A_264 = tpu.memref_slice %arg7[%add3A_256, %dma_start3A_263] : memref<512x64xf32, #tpu.memory_space<vmem>> -> memref<1x64xf32, #tpu.memory_space<vmem>>
      %dma_start3A_265 = tpu.memref_squeeze %dma_start3A_264 : memref<1x64xf32, #tpu.memory_space<vmem>> -> memref<64xf32, #tpu.memory_space<vmem>>
      %dma_start3A_266 = arith.constant 0 : i32
      %dma_start3A_267 = tpu.memref_slice %arg4[%squeeze3A_252, %dma_start3A_266] : memref<1000001x64xf32, #tpu.memory_space<hbm>> -> memref<1x64xf32, #tpu.memory_space<hbm>>
      %dma_start3A_268 = tpu.memref_squeeze %dma_start3A_267 : memref<1x64xf32, #tpu.memory_space<hbm>> -> memref<64xf32, #tpu.memory_space<hbm>>
      tpu.enqueue_dma source(%dma_start3A_268 : memref<64xf32, #tpu.memory_space<hbm>>) target(%dma_start3A_265 : memref<64xf32, #tpu.memory_space<vmem>>) target_semaphore(%arg11 : memref<!tpu.dma_semaphore, #tpu.memory_space<semaphore_mem>>)
      %slice3A_269 = vector.extract_strided_slice %get3A_216 {offsets = [3], sizes = [1], strides = [1]} : vector<16xi32> to vector<1xi32>
      %squeeze3A_270 = vector.extract %slice3A_269[0] : i32 from vector<1xi32>
      %mul3A_271 = arith.constant 16 : i32
      %mul3A_272 = arith.muli %scan3A_211, %mul3A_271 : i32
      %add3A_273 = arith.constant 3 : i32
      %add3A_274 = arith.addi %mul3A_272, %add3A_273 : i32
      %dma_start3A_275 = arith.constant 0 : i32
      %dma_start3A_276 = tpu.memref_slice %arg7[%add3A_274, %dma_start3A_275] : memref<512x64xf32, #tpu.memory_space<vmem>> -> memref<1x64xf32, #tpu.memory_space<vmem>>
      %dma_start3A_277 = tpu.memref_squeeze %dma_start3A_276 : memref<1x64xf32, #tpu.memory_space<vmem>> -> memref<64xf32, #tpu.memory_space<vmem>>
      %dma_start3A_278 = arith.constant 0 : i32
      %dma_start3A_279 = tpu.memref_slice %arg4[%squeeze3A_270, %dma_start3A_278] : memref<1000001x64xf32, #tpu.memory_space<hbm>> -> memref<1x64xf32, #tpu.memory_space<hbm>>
      %dma_start3A_280 = tpu.memref_squeeze %dma_start3A_279 : memref<1x64xf32, #tpu.memory_space<hbm>> -> memref<64xf32, #tpu.memory_space<hbm>>
      %dma_start3A_281 = arith.constant 0 : i32
      %dma_start3A_282 = tpu.memref_slice %arg7[%add3A_274, %dma_start3A_281] : memref<512x64xf32, #tpu.memory_space<vmem>> -> memref<1x64xf32, #tpu.memory_space<vmem>>
      %dma_start3A_283 = tpu.memref_squeeze %dma_start3A_282 : memref<1x64xf32, #tpu.memory_space<vmem>> -> memref<64xf32, #tpu.memory_space<vmem>>
      %dma_start3A_284 = arith.constant 0 : i32
      %dma_start3A_285 = tpu.memref_slice %arg4[%squeeze3A_270, %dma_start3A_284] : memref<1000001x64xf32, #tpu.memory_space<hbm>> -> memref<1x64xf32, #tpu.memory_space<hbm>>
      %dma_start3A_286 = tpu.memref_squeeze %dma_start3A_285 : memref<1x64xf32, #tpu.memory_space<hbm>> -> memref<64xf32, #tpu.memory_space<hbm>>
      tpu.enqueue_dma source(%dma_start3A_286 : memref<64xf32, #tpu.memory_space<hbm>>) target(%dma_start3A_283 : memref<64xf32, #tpu.memory_space<vmem>>) target_semaphore(%arg11 : memref<!tpu.dma_semaphore, #tpu.memory_space<semaphore_mem>>)
      %slice3A_287 = vector.extract_strided_slice %get3A_216 {offsets = [4], sizes = [1], strides = [1]} : vector<16xi32> to vector<1xi32>
      %squeeze3A_288 = vector.extract %slice3A_287[0] : i32 from vector<1xi32>
      %mul3A_289 = arith.constant 16 : i32
      %mul3A_290 = arith.muli %scan3A_211, %mul3A_289 : i32
      %add3A_291 = arith.constant 4 : i32
      %add3A_292 = arith.addi %mul3A_290, %add3A_291 : i32
      %dma_start3A_293 = arith.constant 0 : i32
      %dma_start3A_294 = tpu.memref_slice %arg7[%add3A_292, %dma_start3A_293] : memref<512x64xf32, #tpu.memory_space<vmem>> -> memref<1x64xf32, #tpu.memory_space<vmem>>
      %dma_start3A_295 = tpu.memref_squeeze %dma_start3A_294 : memref<1x64xf32, #tpu.memory_space<vmem>> -> memref<64xf32, #tpu.memory_space<vmem>>
      %dma_start3A_296 = arith.constant 0 : i32
      %dma_start3A_297 = tpu.memref_slice %arg4[%squeeze3A_288, %dma_start3A_296] : memref<1000001x64xf32, #tpu.memory_space<hbm>> -> memref<1x64xf32, #tpu.memory_space<hbm>>
      %dma_start3A_298 = tpu.memref_squeeze %dma_start3A_297 : memref<1x64xf32, #tpu.memory_space<hbm>> -> memref<64xf32, #tpu.memory_space<hbm>>
      %dma_start3A_299 = arith.constant 0 : i32
      %dma_start3A_300 = tpu.memref_slice %arg7[%add3A_292, %dma_start3A_299] : memref<512x64xf32, #tpu.memory_space<vmem>> -> memref<1x64xf32, #tpu.memory_space<vmem>>
      %dma_start3A_301 = tpu.memref_squeeze %dma_start3A_300 : memref<1x64xf32, #tpu.memory_space<vmem>> -> memref<64xf32, #tpu.memory_space<vmem>>
      %dma_start3A_302 = arith.constant 0 : i32
      %dma_start3A_303 = tpu.memref_slice %arg4[%squeeze3A_288, %dma_start3A_302] : memref<1000001x64xf32, #tpu.memory_space<hbm>> -> memref<1x64xf32, #tpu.memory_space<hbm>>
      %dma_start3A_304 = tpu.memref_squeeze %dma_start3A_303 : memref<1x64xf32, #tpu.memory_space<hbm>> -> memref<64xf32, #tpu.memory_space<hbm>>
      tpu.enqueue_dma source(%dma_start3A_304 : memref<64xf32, #tpu.memory_space<hbm>>) target(%dma_start3A_301 : memref<64xf32, #tpu.memory_space<vmem>>) target_semaphore(%arg11 : memref<!tpu.dma_semaphore, #tpu.memory_space<semaphore_mem>>)
      %slice3A_305 = vector.extract_strided_slice %get3A_216 {offsets = [5], sizes = [1], strides = [1]} : vector<16xi32> to vector<1xi32>
      %squeeze3A_306 = vector.extract %slice3A_305[0] : i32 from vector<1xi32>
      %mul3A_307 = arith.constant 16 : i32
      %mul3A_308 = arith.muli %scan3A_211, %mul3A_307 : i32
      %add3A_309 = arith.constant 5 : i32
      %add3A_310 = arith.addi %mul3A_308, %add3A_309 : i32
      %dma_start3A_311 = arith.constant 0 : i32
      %dma_start3A_312 = tpu.memref_slice %arg7[%add3A_310, %dma_start3A_311] : memref<512x64xf32, #tpu.memory_space<vmem>> -> memref<1x64xf32, #tpu.memory_space<vmem>>
      %dma_start3A_313 = tpu.memref_squeeze %dma_start3A_312 : memref<1x64xf32, #tpu.memory_space<vmem>> -> memref<64xf32, #tpu.memory_space<vmem>>
      %dma_start3A_314 = arith.constant 0 : i32
      %dma_start3A_315 = tpu.memref_slice %arg4[%squeeze3A_306, %dma_start3A_314] : memref<1000001x64xf32, #tpu.memory_space<hbm>> -> memref<1x64xf32, #tpu.memory_space<hbm>>
      %dma_start3A_316 = tpu.memref_squeeze %dma_start3A_315 : memref<1x64xf32, #tpu.memory_space<hbm>> -> memref<64xf32, #tpu.memory_space<hbm>>
      %dma_start3A_317 = arith.constant 0 : i32
      %dma_start3A_318 = tpu.memref_slice %arg7[%add3A_310, %dma_start3A_317] : memref<512x64xf32, #tpu.memory_space<vmem>> -> memref<1x64xf32, #tpu.memory_space<vmem>>
      %dma_start3A_319 = tpu.memref_squeeze %dma_start3A_318 : memref<1x64xf32, #tpu.memory_space<vmem>> -> memref<64xf32, #tpu.memory_space<vmem>>
      %dma_start3A_320 = arith.constant 0 : i32
      %dma_start3A_321 = tpu.memref_slice %arg4[%squeeze3A_306, %dma_start3A_320] : memref<1000001x64xf32, #tpu.memory_space<hbm>> -> memref<1x64xf32, #tpu.memory_space<hbm>>
      %dma_start3A_322 = tpu.memref_squeeze %dma_start3A_321 : memref<1x64xf32, #tpu.memory_space<hbm>> -> memref<64xf32, #tpu.memory_space<hbm>>
      tpu.enqueue_dma source(%dma_start3A_322 : memref<64xf32, #tpu.memory_space<hbm>>) target(%dma_start3A_319 : memref<64xf32, #tpu.memory_space<vmem>>) target_semaphore(%arg11 : memref<!tpu.dma_semaphore, #tpu.memory_space<semaphore_mem>>)
      %slice3A_323 = vector.extract_strided_slice %get3A_216 {offsets = [6], sizes = [1], strides = [1]} : vector<16xi32> to vector<1xi32>
      %squeeze3A_324 = vector.extract %slice3A_323[0] : i32 from vector<1xi32>
      %mul3A_325 = arith.constant 16 : i32
      %mul3A_326 = arith.muli %scan3A_211, %mul3A_325 : i32
      %add3A_327 = arith.constant 6 : i32
      %add3A_328 = arith.addi %mul3A_326, %add3A_327 : i32
      %dma_start3A_329 = arith.constant 0 : i32
      %dma_start3A_330 = tpu.memref_slice %arg7[%add3A_328, %dma_start3A_329] : memref<512x64xf32, #tpu.memory_space<vmem>> -> memref<1x64xf32, #tpu.memory_space<vmem>>
      %dma_start3A_331 = tpu.memref_squeeze %dma_start3A_330 : memref<1x64xf32, #tpu.memory_space<vmem>> -> memref<64xf32, #tpu.memory_space<vmem>>
      %dma_start3A_332 = arith.constant 0 : i32
      %dma_start3A_333 = tpu.memref_slice %arg4[%squeeze3A_324, %dma_start3A_332] : memref<1000001x64xf32, #tpu.memory_space<hbm>> -> memref<1x64xf32, #tpu.memory_space<hbm>>
      %dma_start3A_334 = tpu.memref_squeeze %dma_start3A_333 : memref<1x64xf32, #tpu.memory_space<hbm>> -> memref<64xf32, #tpu.memory_space<hbm>>
      %dma_start3A_335 = arith.constant 0 : i32
      %dma_start3A_336 = tpu.memref_slice %arg7[%add3A_328, %dma_start3A_335] : memref<512x64xf32, #tpu.memory_space<vmem>> -> memref<1x64xf32, #tpu.memory_space<vmem>>
      %dma_start3A_337 = tpu.memref_squeeze %dma_start3A_336 : memref<1x64xf32, #tpu.memory_space<vmem>> -> memref<64xf32, #tpu.memory_space<vmem>>
      %dma_start3A_338 = arith.constant 0 : i32
      %dma_start3A_339 = tpu.memref_slice %arg4[%squeeze3A_324, %dma_start3A_338] : memref<1000001x64xf32, #tpu.memory_space<hbm>> -> memref<1x64xf32, #tpu.memory_space<hbm>>
      %dma_start3A_340 = tpu.memref_squeeze %dma_start3A_339 : memref<1x64xf32, #tpu.memory_space<hbm>> -> memref<64xf32, #tpu.memory_space<hbm>>
      tpu.enqueue_dma source(%dma_start3A_340 : memref<64xf32, #tpu.memory_space<hbm>>) target(%dma_start3A_337 : memref<64xf32, #tpu.memory_space<vmem>>) target_semaphore(%arg11 : memref<!tpu.dma_semaphore, #tpu.memory_space<semaphore_mem>>)
      %slice3A_341 = vector.extract_strided_slice %get3A_216 {offsets = [7], sizes = [1], strides = [1]} : vector<16xi32> to vector<1xi32>
      %squeeze3A_342 = vector.extract %slice3A_341[0] : i32 from vector<1xi32>
      %mul3A_343 = arith.constant 16 : i32
      %mul3A_344 = arith.muli %scan3A_211, %mul3A_343 : i32
      %add3A_345 = arith.constant 7 : i32
      %add3A_346 = arith.addi %mul3A_344, %add3A_345 : i32
      %dma_start3A_347 = arith.constant 0 : i32
      %dma_start3A_348 = tpu.memref_slice %arg7[%add3A_346, %dma_start3A_347] : memref<512x64xf32, #tpu.memory_space<vmem>> -> memref<1x64xf32, #tpu.memory_space<vmem>>
      %dma_start3A_349 = tpu.memref_squeeze %dma_start3A_348 : memref<1x64xf32, #tpu.memory_space<vmem>> -> memref<64xf32, #tpu.memory_space<vmem>>
      %dma_start3A_350 = arith.constant 0 : i32
      %dma_start3A_351 = tpu.memref_slice %arg4[%squeeze3A_342, %dma_start3A_350] : memref<1000001x64xf32, #tpu.memory_space<hbm>> -> memref<1x64xf32, #tpu.memory_space<hbm>>
      %dma_start3A_352 = tpu.memref_squeeze %dma_start3A_351 : memref<1x64xf32, #tpu.memory_space<hbm>> -> memref<64xf32, #tpu.memory_space<hbm>>
      %dma_start3A_353 = arith.constant 0 : i32
      %dma_start3A_354 = tpu.memref_slice %arg7[%add3A_346, %dma_start3A_353] : memref<512x64xf32, #tpu.memory_space<vmem>> -> memref<1x64xf32, #tpu.memory_space<vmem>>
      %dma_start3A_355 = tpu.memref_squeeze %dma_start3A_354 : memref<1x64xf32, #tpu.memory_space<vmem>> -> memref<64xf32, #tpu.memory_space<vmem>>
      %dma_start3A_356 = arith.constant 0 : i32
      %dma_start3A_357 = tpu.memref_slice %arg4[%squeeze3A_342, %dma_start3A_356] : memref<1000001x64xf32, #tpu.memory_space<hbm>> -> memref<1x64xf32, #tpu.memory_space<hbm>>
      %dma_start3A_358 = tpu.memref_squeeze %dma_start3A_357 : memref<1x64xf32, #tpu.memory_space<hbm>> -> memref<64xf32, #tpu.memory_space<hbm>>
      tpu.enqueue_dma source(%dma_start3A_358 : memref<64xf32, #tpu.memory_space<hbm>>) target(%dma_start3A_355 : memref<64xf32, #tpu.memory_space<vmem>>) target_semaphore(%arg11 : memref<!tpu.dma_semaphore, #tpu.memory_space<semaphore_mem>>)
      %slice3A_359 = vector.extract_strided_slice %get3A_216 {offsets = [8], sizes = [1], strides = [1]} : vector<16xi32> to vector<1xi32>
      %squeeze3A_360 = vector.extract %slice3A_359[0] : i32 from vector<1xi32>
      %mul3A_361 = arith.constant 16 : i32
      %mul3A_362 = arith.muli %scan3A_211, %mul3A_361 : i32
      %add3A_363 = arith.constant 8 : i32
      %add3A_364 = arith.addi %mul3A_362, %add3A_363 : i32
      %dma_start3A_365 = arith.constant 0 : i32
      %dma_start3A_366 = tpu.memref_slice %arg7[%add3A_364, %dma_start3A_365] : memref<512x64xf32, #tpu.memory_space<vmem>> -> memref<1x64xf32, #tpu.memory_space<vmem>>
      %dma_start3A_367 = tpu.memref_squeeze %dma_start3A_366 : memref<1x64xf32, #tpu.memory_space<vmem>> -> memref<64xf32, #tpu.memory_space<vmem>>
      %dma_start3A_368 = arith.constant 0 : i32
      %dma_start3A_369 = tpu.memref_slice %arg4[%squeeze3A_360, %dma_start3A_368] : memref<1000001x64xf32, #tpu.memory_space<hbm>> -> memref<1x64xf32, #tpu.memory_space<hbm>>
      %dma_start3A_370 = tpu.memref_squeeze %dma_start3A_369 : memref<1x64xf32, #tpu.memory_space<hbm>> -> memref<64xf32, #tpu.memory_space<hbm>>
      %dma_start3A_371 = arith.constant 0 : i32
      %dma_start3A_372 = tpu.memref_slice %arg7[%add3A_364, %dma_start3A_371] : memref<512x64xf32, #tpu.memory_space<vmem>> -> memref<1x64xf32, #tpu.memory_space<vmem>>
      %dma_start3A_373 = tpu.memref_squeeze %dma_start3A_372 : memref<1x64xf32, #tpu.memory_space<vmem>> -> memref<64xf32, #tpu.memory_space<vmem>>
      %dma_start3A_374 = arith.constant 0 : i32
      %dma_start3A_375 = tpu.memref_slice %arg4[%squeeze3A_360, %dma_start3A_374] : memref<1000001x64xf32, #tpu.memory_space<hbm>> -> memref<1x64xf32, #tpu.memory_space<hbm>>
      %dma_start3A_376 = tpu.memref_squeeze %dma_start3A_375 : memref<1x64xf32, #tpu.memory_space<hbm>> -> memref<64xf32, #tpu.memory_space<hbm>>
      tpu.enqueue_dma source(%dma_start3A_376 : memref<64xf32, #tpu.memory_space<hbm>>) target(%dma_start3A_373 : memref<64xf32, #tpu.memory_space<vmem>>) target_semaphore(%arg11 : memref<!tpu.dma_semaphore, #tpu.memory_space<semaphore_mem>>)
      %slice3A_377 = vector.extract_strided_slice %get3A_216 {offsets = [9], sizes = [1], strides = [1]} : vector<16xi32> to vector<1xi32>
      %squeeze3A_378 = vector.extract %slice3A_377[0] : i32 from vector<1xi32>
      %mul3A_379 = arith.constant 16 : i32
      %mul3A_380 = arith.muli %scan3A_211, %mul3A_379 : i32
      %add3A_381 = arith.constant 9 : i32
      %add3A_382 = arith.addi %mul3A_380, %add3A_381 : i32
      %dma_start3A_383 = arith.constant 0 : i32
      %dma_start3A_384 = tpu.memref_slice %arg7[%add3A_382, %dma_start3A_383] : memref<512x64xf32, #tpu.memory_space<vmem>> -> memref<1x64xf32, #tpu.memory_space<vmem>>
      %dma_start3A_385 = tpu.memref_squeeze %dma_start3A_384 : memref<1x64xf32, #tpu.memory_space<vmem>> -> memref<64xf32, #tpu.memory_space<vmem>>
      %dma_start3A_386 = arith.constant 0 : i32
      %dma_start3A_387 = tpu.memref_slice %arg4[%squeeze3A_378, %dma_start3A_386] : memref<1000001x64xf32, #tpu.memory_space<hbm>> -> memref<1x64xf32, #tpu.memory_space<hbm>>
      %dma_start3A_388 = tpu.memref_squeeze %dma_start3A_387 : memref<1x64xf32, #tpu.memory_space<hbm>> -> memref<64xf32, #tpu.memory_space<hbm>>
      %dma_start3A_389 = arith.constant 0 : i32
      %dma_start3A_390 = tpu.memref_slice %arg7[%add3A_382, %dma_start3A_389] : memref<512x64xf32, #tpu.memory_space<vmem>> -> memref<1x64xf32, #tpu.memory_space<vmem>>
      %dma_start3A_391 = tpu.memref_squeeze %dma_start3A_390 : memref<1x64xf32, #tpu.memory_space<vmem>> -> memref<64xf32, #tpu.memory_space<vmem>>
      %dma_start3A_392 = arith.constant 0 : i32
      %dma_start3A_393 = tpu.memref_slice %arg4[%squeeze3A_378, %dma_start3A_392] : memref<1000001x64xf32, #tpu.memory_space<hbm>> -> memref<1x64xf32, #tpu.memory_space<hbm>>
      %dma_start3A_394 = tpu.memref_squeeze %dma_start3A_393 : memref<1x64xf32, #tpu.memory_space<hbm>> -> memref<64xf32, #tpu.memory_space<hbm>>
      tpu.enqueue_dma source(%dma_start3A_394 : memref<64xf32, #tpu.memory_space<hbm>>) target(%dma_start3A_391 : memref<64xf32, #tpu.memory_space<vmem>>) target_semaphore(%arg11 : memref<!tpu.dma_semaphore, #tpu.memory_space<semaphore_mem>>)
      %slice3A_395 = vector.extract_strided_slice %get3A_216 {offsets = [10], sizes = [1], strides = [1]} : vector<16xi32> to vector<1xi32>
      %squeeze3A_396 = vector.extract %slice3A_395[0] : i32 from vector<1xi32>
      %mul3A_397 = arith.constant 16 : i32
      %mul3A_398 = arith.muli %scan3A_211, %mul3A_397 : i32
      %add3A_399 = arith.constant 10 : i32
      %add3A_400 = arith.addi %mul3A_398, %add3A_399 : i32
      %dma_start3A_401 = arith.constant 0 : i32
      %dma_start3A_402 = tpu.memref_slice %arg7[%add3A_400, %dma_start3A_401] : memref<512x64xf32, #tpu.memory_space<vmem>> -> memref<1x64xf32, #tpu.memory_space<vmem>>
      %dma_start3A_403 = tpu.memref_squeeze %dma_start3A_402 : memref<1x64xf32, #tpu.memory_space<vmem>> -> memref<64xf32, #tpu.memory_space<vmem>>
      %dma_start3A_404 = arith.constant 0 : i32
      %dma_start3A_405 = tpu.memref_slice %arg4[%squeeze3A_396, %dma_start3A_404] : memref<1000001x64xf32, #tpu.memory_space<hbm>> -> memref<1x64xf32, #tpu.memory_space<hbm>>
      %dma_start3A_406 = tpu.memref_squeeze %dma_start3A_405 : memref<1x64xf32, #tpu.memory_space<hbm>> -> memref<64xf32, #tpu.memory_space<hbm>>
      %dma_start3A_407 = arith.constant 0 : i32
      %dma_start3A_408 = tpu.memref_slice %arg7[%add3A_400, %dma_start3A_407] : memref<512x64xf32, #tpu.memory_space<vmem>> -> memref<1x64xf32, #tpu.memory_space<vmem>>
      %dma_start3A_409 = tpu.memref_squeeze %dma_start3A_408 : memref<1x64xf32, #tpu.memory_space<vmem>> -> memref<64xf32, #tpu.memory_space<vmem>>
      %dma_start3A_410 = arith.constant 0 : i32
      %dma_start3A_411 = tpu.memref_slice %arg4[%squeeze3A_396, %dma_start3A_410] : memref<1000001x64xf32, #tpu.memory_space<hbm>> -> memref<1x64xf32, #tpu.memory_space<hbm>>
      %dma_start3A_412 = tpu.memref_squeeze %dma_start3A_411 : memref<1x64xf32, #tpu.memory_space<hbm>> -> memref<64xf32, #tpu.memory_space<hbm>>
      tpu.enqueue_dma source(%dma_start3A_412 : memref<64xf32, #tpu.memory_space<hbm>>) target(%dma_start3A_409 : memref<64xf32, #tpu.memory_space<vmem>>) target_semaphore(%arg11 : memref<!tpu.dma_semaphore, #tpu.memory_space<semaphore_mem>>)
      %slice3A_413 = vector.extract_strided_slice %get3A_216 {offsets = [11], sizes = [1], strides = [1]} : vector<16xi32> to vector<1xi32>
      %squeeze3A_414 = vector.extract %slice3A_413[0] : i32 from vector<1xi32>
      %mul3A_415 = arith.constant 16 : i32
      %mul3A_416 = arith.muli %scan3A_211, %mul3A_415 : i32
      %add3A_417 = arith.constant 11 : i32
      %add3A_418 = arith.addi %mul3A_416, %add3A_417 : i32
      %dma_start3A_419 = arith.constant 0 : i32
      %dma_start3A_420 = tpu.memref_slice %arg7[%add3A_418, %dma_start3A_419] : memref<512x64xf32, #tpu.memory_space<vmem>> -> memref<1x64xf32, #tpu.memory_space<vmem>>
      %dma_start3A_421 = tpu.memref_squeeze %dma_start3A_420 : memref<1x64xf32, #tpu.memory_space<vmem>> -> memref<64xf32, #tpu.memory_space<vmem>>
      %dma_start3A_422 = arith.constant 0 : i32
      %dma_start3A_423 = tpu.memref_slice %arg4[%squeeze3A_414, %dma_start3A_422] : memref<1000001x64xf32, #tpu.memory_space<hbm>> -> memref<1x64xf32, #tpu.memory_space<hbm>>
      %dma_start3A_424 = tpu.memref_squeeze %dma_start3A_423 : memref<1x64xf32, #tpu.memory_space<hbm>> -> memref<64xf32, #tpu.memory_space<hbm>>
      %dma_start3A_425 = arith.constant 0 : i32
      %dma_start3A_426 = tpu.memref_slice %arg7[%add3A_418, %dma_start3A_425] : memref<512x64xf32, #tpu.memory_space<vmem>> -> memref<1x64xf32, #tpu.memory_space<vmem>>
      %dma_start3A_427 = tpu.memref_squeeze %dma_start3A_426 : memref<1x64xf32, #tpu.memory_space<vmem>> -> memref<64xf32, #tpu.memory_space<vmem>>
      %dma_start3A_428 = arith.constant 0 : i32
      %dma_start3A_429 = tpu.memref_slice %arg4[%squeeze3A_414, %dma_start3A_428] : memref<1000001x64xf32, #tpu.memory_space<hbm>> -> memref<1x64xf32, #tpu.memory_space<hbm>>
      %dma_start3A_430 = tpu.memref_squeeze %dma_start3A_429 : memref<1x64xf32, #tpu.memory_space<hbm>> -> memref<64xf32, #tpu.memory_space<hbm>>
      tpu.enqueue_dma source(%dma_start3A_430 : memref<64xf32, #tpu.memory_space<hbm>>) target(%dma_start3A_427 : memref<64xf32, #tpu.memory_space<vmem>>) target_semaphore(%arg11 : memref<!tpu.dma_semaphore, #tpu.memory_space<semaphore_mem>>)
      %slice3A_431 = vector.extract_strided_slice %get3A_216 {offsets = [12], sizes = [1], strides = [1]} : vector<16xi32> to vector<1xi32>
      %squeeze3A_432 = vector.extract %slice3A_431[0] : i32 from vector<1xi32>
      %mul3A_433 = arith.constant 16 : i32
      %mul3A_434 = arith.muli %scan3A_211, %mul3A_433 : i32
      %add3A_435 = arith.constant 12 : i32
      %add3A_436 = arith.addi %mul3A_434, %add3A_435 : i32
      %dma_start3A_437 = arith.constant 0 : i32
      %dma_start3A_438 = tpu.memref_slice %arg7[%add3A_436, %dma_start3A_437] : memref<512x64xf32, #tpu.memory_space<vmem>> -> memref<1x64xf32, #tpu.memory_space<vmem>>
      %dma_start3A_439 = tpu.memref_squeeze %dma_start3A_438 : memref<1x64xf32, #tpu.memory_space<vmem>> -> memref<64xf32, #tpu.memory_space<vmem>>
      %dma_start3A_440 = arith.constant 0 : i32
      %dma_start3A_441 = tpu.memref_slice %arg4[%squeeze3A_432, %dma_start3A_440] : memref<1000001x64xf32, #tpu.memory_space<hbm>> -> memref<1x64xf32, #tpu.memory_space<hbm>>
      %dma_start3A_442 = tpu.memref_squeeze %dma_start3A_441 : memref<1x64xf32, #tpu.memory_space<hbm>> -> memref<64xf32, #tpu.memory_space<hbm>>
      %dma_start3A_443 = arith.constant 0 : i32
      %dma_start3A_444 = tpu.memref_slice %arg7[%add3A_436, %dma_start3A_443] : memref<512x64xf32, #tpu.memory_space<vmem>> -> memref<1x64xf32, #tpu.memory_space<vmem>>
      %dma_start3A_445 = tpu.memref_squeeze %dma_start3A_444 : memref<1x64xf32, #tpu.memory_space<vmem>> -> memref<64xf32, #tpu.memory_space<vmem>>
      %dma_start3A_446 = arith.constant 0 : i32
      %dma_start3A_447 = tpu.memref_slice %arg4[%squeeze3A_432, %dma_start3A_446] : memref<1000001x64xf32, #tpu.memory_space<hbm>> -> memref<1x64xf32, #tpu.memory_space<hbm>>
      %dma_start3A_448 = tpu.memref_squeeze %dma_start3A_447 : memref<1x64xf32, #tpu.memory_space<hbm>> -> memref<64xf32, #tpu.memory_space<hbm>>
      tpu.enqueue_dma source(%dma_start3A_448 : memref<64xf32, #tpu.memory_space<hbm>>) target(%dma_start3A_445 : memref<64xf32, #tpu.memory_space<vmem>>) target_semaphore(%arg11 : memref<!tpu.dma_semaphore, #tpu.memory_space<semaphore_mem>>)
      %slice3A_449 = vector.extract_strided_slice %get3A_216 {offsets = [13], sizes = [1], strides = [1]} : vector<16xi32> to vector<1xi32>
      %squeeze3A_450 = vector.extract %slice3A_449[0] : i32 from vector<1xi32>
      %mul3A_451 = arith.constant 16 : i32
      %mul3A_452 = arith.muli %scan3A_211, %mul3A_451 : i32
      %add3A_453 = arith.constant 13 : i32
      %add3A_454 = arith.addi %mul3A_452, %add3A_453 : i32
      %dma_start3A_455 = arith.constant 0 : i32
      %dma_start3A_456 = tpu.memref_slice %arg7[%add3A_454, %dma_start3A_455] : memref<512x64xf32, #tpu.memory_space<vmem>> -> memref<1x64xf32, #tpu.memory_space<vmem>>
      %dma_start3A_457 = tpu.memref_squeeze %dma_start3A_456 : memref<1x64xf32, #tpu.memory_space<vmem>> -> memref<64xf32, #tpu.memory_space<vmem>>
      %dma_start3A_458 = arith.constant 0 : i32
      %dma_start3A_459 = tpu.memref_slice %arg4[%squeeze3A_450, %dma_start3A_458] : memref<1000001x64xf32, #tpu.memory_space<hbm>> -> memref<1x64xf32, #tpu.memory_space<hbm>>
      %dma_start3A_460 = tpu.memref_squeeze %dma_start3A_459 : memref<1x64xf32, #tpu.memory_space<hbm>> -> memref<64xf32, #tpu.memory_space<hbm>>
      %dma_start3A_461 = arith.constant 0 : i32
      %dma_start3A_462 = tpu.memref_slice %arg7[%add3A_454, %dma_start3A_461] : memref<512x64xf32, #tpu.memory_space<vmem>> -> memref<1x64xf32, #tpu.memory_space<vmem>>
      %dma_start3A_463 = tpu.memref_squeeze %dma_start3A_462 : memref<1x64xf32, #tpu.memory_space<vmem>> -> memref<64xf32, #tpu.memory_space<vmem>>
      %dma_start3A_464 = arith.constant 0 : i32
      %dma_start3A_465 = tpu.memref_slice %arg4[%squeeze3A_450, %dma_start3A_464] : memref<1000001x64xf32, #tpu.memory_space<hbm>> -> memref<1x64xf32, #tpu.memory_space<hbm>>
      %dma_start3A_466 = tpu.memref_squeeze %dma_start3A_465 : memref<1x64xf32, #tpu.memory_space<hbm>> -> memref<64xf32, #tpu.memory_space<hbm>>
      tpu.enqueue_dma source(%dma_start3A_466 : memref<64xf32, #tpu.memory_space<hbm>>) target(%dma_start3A_463 : memref<64xf32, #tpu.memory_space<vmem>>) target_semaphore(%arg11 : memref<!tpu.dma_semaphore, #tpu.memory_space<semaphore_mem>>)
      %slice3A_467 = vector.extract_strided_slice %get3A_216 {offsets = [14], sizes = [1], strides = [1]} : vector<16xi32> to vector<1xi32>
      %squeeze3A_468 = vector.extract %slice3A_467[0] : i32 from vector<1xi32>
      %mul3A_469 = arith.constant 16 : i32
      %mul3A_470 = arith.muli %scan3A_211, %mul3A_469 : i32
      %add3A_471 = arith.constant 14 : i32
      %add3A_472 = arith.addi %mul3A_470, %add3A_471 : i32
      %dma_start3A_473 = arith.constant 0 : i32
      %dma_start3A_474 = tpu.memref_slice %arg7[%add3A_472, %dma_start3A_473] : memref<512x64xf32, #tpu.memory_space<vmem>> -> memref<1x64xf32, #tpu.memory_space<vmem>>
      %dma_start3A_475 = tpu.memref_squeeze %dma_start3A_474 : memref<1x64xf32, #tpu.memory_space<vmem>> -> memref<64xf32, #tpu.memory_space<vmem>>
      %dma_start3A_476 = arith.constant 0 : i32
      %dma_start3A_477 = tpu.memref_slice %arg4[%squeeze3A_468, %dma_start3A_476] : memref<1000001x64xf32, #tpu.memory_space<hbm>> -> memref<1x64xf32, #tpu.memory_space<hbm>>
      %dma_start3A_478 = tpu.memref_squeeze %dma_start3A_477 : memref<1x64xf32, #tpu.memory_space<hbm>> -> memref<64xf32, #tpu.memory_space<hbm>>
      %dma_start3A_479 = arith.constant 0 : i32
      %dma_start3A_480 = tpu.memref_slice %arg7[%add3A_472, %dma_start3A_479] : memref<512x64xf32, #tpu.memory_space<vmem>> -> memref<1x64xf32, #tpu.memory_space<vmem>>
      %dma_start3A_481 = tpu.memref_squeeze %dma_start3A_480 : memref<1x64xf32, #tpu.memory_space<vmem>> -> memref<64xf32, #tpu.memory_space<vmem>>
      %dma_start3A_482 = arith.constant 0 : i32
      %dma_start3A_483 = tpu.memref_slice %arg4[%squeeze3A_468, %dma_start3A_482] : memref<1000001x64xf32, #tpu.memory_space<hbm>> -> memref<1x64xf32, #tpu.memory_space<hbm>>
      %dma_start3A_484 = tpu.memref_squeeze %dma_start3A_483 : memref<1x64xf32, #tpu.memory_space<hbm>> -> memref<64xf32, #tpu.memory_space<hbm>>
      tpu.enqueue_dma source(%dma_start3A_484 : memref<64xf32, #tpu.memory_space<hbm>>) target(%dma_start3A_481 : memref<64xf32, #tpu.memory_space<vmem>>) target_semaphore(%arg11 : memref<!tpu.dma_semaphore, #tpu.memory_space<semaphore_mem>>)
      %slice3A_485 = vector.extract_strided_slice %get3A_216 {offsets = [15], sizes = [1], strides = [1]} : vector<16xi32> to vector<1xi32>
      %squeeze3A_486 = vector.extract %slice3A_485[0] : i32 from vector<1xi32>
      %mul3A_487 = arith.constant 16 : i32
      %mul3A_488 = arith.muli %scan3A_211, %mul3A_487 : i32
      %add3A_489 = arith.constant 15 : i32
      %add3A_490 = arith.addi %mul3A_488, %add3A_489 : i32
      %dma_start3A_491 = arith.constant 0 : i32
      %dma_start3A_492 = tpu.memref_slice %arg7[%add3A_490, %dma_start3A_491] : memref<512x64xf32, #tpu.memory_space<vmem>> -> memref<1x64xf32, #tpu.memory_space<vmem>>
      %dma_start3A_493 = tpu.memref_squeeze %dma_start3A_492 : memref<1x64xf32, #tpu.memory_space<vmem>> -> memref<64xf32, #tpu.memory_space<vmem>>
      %dma_start3A_494 = arith.constant 0 : i32
      %dma_start3A_495 = tpu.memref_slice %arg4[%squeeze3A_486, %dma_start3A_494] : memref<1000001x64xf32, #tpu.memory_space<hbm>> -> memref<1x64xf32, #tpu.memory_space<hbm>>
      %dma_start3A_496 = tpu.memref_squeeze %dma_start3A_495 : memref<1x64xf32, #tpu.memory_space<hbm>> -> memref<64xf32, #tpu.memory_space<hbm>>
      %dma_start3A_497 = arith.constant 0 : i32
      %dma_start3A_498 = tpu.memref_slice %arg7[%add3A_490, %dma_start3A_497] : memref<512x64xf32, #tpu.memory_space<vmem>> -> memref<1x64xf32, #tpu.memory_space<vmem>>
      %dma_start3A_499 = tpu.memref_squeeze %dma_start3A_498 : memref<1x64xf32, #tpu.memory_space<vmem>> -> memref<64xf32, #tpu.memory_space<vmem>>
      %dma_start3A_500 = arith.constant 0 : i32
      %dma_start3A_501 = tpu.memref_slice %arg4[%squeeze3A_486, %dma_start3A_500] : memref<1000001x64xf32, #tpu.memory_space<hbm>> -> memref<1x64xf32, #tpu.memory_space<hbm>>
      %dma_start3A_502 = tpu.memref_squeeze %dma_start3A_501 : memref<1x64xf32, #tpu.memory_space<hbm>> -> memref<64xf32, #tpu.memory_space<hbm>>
      tpu.enqueue_dma source(%dma_start3A_502 : memref<64xf32, #tpu.memory_space<hbm>>) target(%dma_start3A_499 : memref<64xf32, #tpu.memory_space<vmem>>) target_semaphore(%arg11 : memref<!tpu.dma_semaphore, #tpu.memory_space<semaphore_mem>>)
    }
    %scan3A_19 = arith.constant 8 : i32
    %scan3A_20 = arith.constant 0 : i32
    %scan3A_21 = arith.constant 24 : i32
    %scan3A_22 = arith.constant 8 : i32
    %scan3A_23 = arith.addi %scan3A_21, %scan3A_22 : i32
    %scan3A_24 = arith.constant 1 : i32
    scf.for %scan3A_211 = %scan3A_21 to %scan3A_23 step %scan3A_24  : i32 {
      %mul3A_212 = arith.constant 16 : i32
      %mul3A_213 = arith.muli %scan3A_211, %mul3A_212 : i32
      %get3A_214 = arith.index_cast %mul3A_213 : i32 to index
      %get3A_215 = tpu.vector_load %arg6[%get3A_214] {strides = array<i32>} : memref<512xi32, #tpu.memory_space<vmem>>, vector<16xi32>,
      %get3A_216 = vector.shape_cast %get3A_215 : vector<16xi32> to vector<16xi32>
      %slice3A = vector.extract_strided_slice %get3A_216 {offsets = [0], sizes = [1], strides = [1]} : vector<16xi32> to vector<1xi32>
      %squeeze3A = vector.extract %slice3A[0] : i32 from vector<1xi32>
      %mul3A_217 = arith.constant 16 : i32
      %mul3A_218 = arith.muli %scan3A_211, %mul3A_217 : i32
      %add3A_219 = arith.constant 0 : i32
      %add3A_220 = arith.addi %mul3A_218, %add3A_219 : i32
      %dma_start3A_221 = arith.constant 0 : i32
      %dma_start3A_222 = tpu.memref_slice %arg7[%add3A_220, %dma_start3A_221] : memref<512x64xf32, #tpu.memory_space<vmem>> -> memref<1x64xf32, #tpu.memory_space<vmem>>
      %dma_start3A_223 = tpu.memref_squeeze %dma_start3A_222 : memref<1x64xf32, #tpu.memory_space<vmem>> -> memref<64xf32, #tpu.memory_space<vmem>>
      %dma_start3A_224 = arith.constant 0 : i32
      %dma_start3A_225 = tpu.memref_slice %arg4[%squeeze3A, %dma_start3A_224] : memref<1000001x64xf32, #tpu.memory_space<hbm>> -> memref<1x64xf32, #tpu.memory_space<hbm>>
      %dma_start3A_226 = tpu.memref_squeeze %dma_start3A_225 : memref<1x64xf32, #tpu.memory_space<hbm>> -> memref<64xf32, #tpu.memory_space<hbm>>
      %dma_start3A_227 = arith.constant 0 : i32
      %dma_start3A_228 = tpu.memref_slice %arg7[%add3A_220, %dma_start3A_227] : memref<512x64xf32, #tpu.memory_space<vmem>> -> memref<1x64xf32, #tpu.memory_space<vmem>>
      %dma_start3A_229 = tpu.memref_squeeze %dma_start3A_228 : memref<1x64xf32, #tpu.memory_space<vmem>> -> memref<64xf32, #tpu.memory_space<vmem>>
      %dma_start3A_230 = arith.constant 0 : i32
      %dma_start3A_231 = tpu.memref_slice %arg4[%squeeze3A, %dma_start3A_230] : memref<1000001x64xf32, #tpu.memory_space<hbm>> -> memref<1x64xf32, #tpu.memory_space<hbm>>
      %dma_start3A_232 = tpu.memref_squeeze %dma_start3A_231 : memref<1x64xf32, #tpu.memory_space<hbm>> -> memref<64xf32, #tpu.memory_space<hbm>>
      tpu.enqueue_dma source(%dma_start3A_232 : memref<64xf32, #tpu.memory_space<hbm>>) target(%dma_start3A_229 : memref<64xf32, #tpu.memory_space<vmem>>) target_semaphore(%arg12 : memref<!tpu.dma_semaphore, #tpu.memory_space<semaphore_mem>>)
      %slice3A_233 = vector.extract_strided_slice %get3A_216 {offsets = [1], sizes = [1], strides = [1]} : vector<16xi32> to vector<1xi32>
      %squeeze3A_234 = vector.extract %slice3A_233[0] : i32 from vector<1xi32>
      %mul3A_235 = arith.constant 16 : i32
      %mul3A_236 = arith.muli %scan3A_211, %mul3A_235 : i32
      %add3A_237 = arith.constant 1 : i32
      %add3A_238 = arith.addi %mul3A_236, %add3A_237 : i32
      %dma_start3A_239 = arith.constant 0 : i32
      %dma_start3A_240 = tpu.memref_slice %arg7[%add3A_238, %dma_start3A_239] : memref<512x64xf32, #tpu.memory_space<vmem>> -> memref<1x64xf32, #tpu.memory_space<vmem>>
      %dma_start3A_241 = tpu.memref_squeeze %dma_start3A_240 : memref<1x64xf32, #tpu.memory_space<vmem>> -> memref<64xf32, #tpu.memory_space<vmem>>
      %dma_start3A_242 = arith.constant 0 : i32
      %dma_start3A_243 = tpu.memref_slice %arg4[%squeeze3A_234, %dma_start3A_242] : memref<1000001x64xf32, #tpu.memory_space<hbm>> -> memref<1x64xf32, #tpu.memory_space<hbm>>
      %dma_start3A_244 = tpu.memref_squeeze %dma_start3A_243 : memref<1x64xf32, #tpu.memory_space<hbm>> -> memref<64xf32, #tpu.memory_space<hbm>>
      %dma_start3A_245 = arith.constant 0 : i32
      %dma_start3A_246 = tpu.memref_slice %arg7[%add3A_238, %dma_start3A_245] : memref<512x64xf32, #tpu.memory_space<vmem>> -> memref<1x64xf32, #tpu.memory_space<vmem>>
      %dma_start3A_247 = tpu.memref_squeeze %dma_start3A_246 : memref<1x64xf32, #tpu.memory_space<vmem>> -> memref<64xf32, #tpu.memory_space<vmem>>
      %dma_start3A_248 = arith.constant 0 : i32
      %dma_start3A_249 = tpu.memref_slice %arg4[%squeeze3A_234, %dma_start3A_248] : memref<1000001x64xf32, #tpu.memory_space<hbm>> -> memref<1x64xf32, #tpu.memory_space<hbm>>
      %dma_start3A_250 = tpu.memref_squeeze %dma_start3A_249 : memref<1x64xf32, #tpu.memory_space<hbm>> -> memref<64xf32, #tpu.memory_space<hbm>>
      tpu.enqueue_dma source(%dma_start3A_250 : memref<64xf32, #tpu.memory_space<hbm>>) target(%dma_start3A_247 : memref<64xf32, #tpu.memory_space<vmem>>) target_semaphore(%arg12 : memref<!tpu.dma_semaphore, #tpu.memory_space<semaphore_mem>>)
      %slice3A_251 = vector.extract_strided_slice %get3A_216 {offsets = [2], sizes = [1], strides = [1]} : vector<16xi32> to vector<1xi32>
      %squeeze3A_252 = vector.extract %slice3A_251[0] : i32 from vector<1xi32>
      %mul3A_253 = arith.constant 16 : i32
      %mul3A_254 = arith.muli %scan3A_211, %mul3A_253 : i32
      %add3A_255 = arith.constant 2 : i32
      %add3A_256 = arith.addi %mul3A_254, %add3A_255 : i32
      %dma_start3A_257 = arith.constant 0 : i32
      %dma_start3A_258 = tpu.memref_slice %arg7[%add3A_256, %dma_start3A_257] : memref<512x64xf32, #tpu.memory_space<vmem>> -> memref<1x64xf32, #tpu.memory_space<vmem>>
      %dma_start3A_259 = tpu.memref_squeeze %dma_start3A_258 : memref<1x64xf32, #tpu.memory_space<vmem>> -> memref<64xf32, #tpu.memory_space<vmem>>
      %dma_start3A_260 = arith.constant 0 : i32
      %dma_start3A_261 = tpu.memref_slice %arg4[%squeeze3A_252, %dma_start3A_260] : memref<1000001x64xf32, #tpu.memory_space<hbm>> -> memref<1x64xf32, #tpu.memory_space<hbm>>
      %dma_start3A_262 = tpu.memref_squeeze %dma_start3A_261 : memref<1x64xf32, #tpu.memory_space<hbm>> -> memref<64xf32, #tpu.memory_space<hbm>>
      %dma_start3A_263 = arith.constant 0 : i32
      %dma_start3A_264 = tpu.memref_slice %arg7[%add3A_256, %dma_start3A_263] : memref<512x64xf32, #tpu.memory_space<vmem>> -> memref<1x64xf32, #tpu.memory_space<vmem>>
      %dma_start3A_265 = tpu.memref_squeeze %dma_start3A_264 : memref<1x64xf32, #tpu.memory_space<vmem>> -> memref<64xf32, #tpu.memory_space<vmem>>
      %dma_start3A_266 = arith.constant 0 : i32
      %dma_start3A_267 = tpu.memref_slice %arg4[%squeeze3A_252, %dma_start3A_266] : memref<1000001x64xf32, #tpu.memory_space<hbm>> -> memref<1x64xf32, #tpu.memory_space<hbm>>
      %dma_start3A_268 = tpu.memref_squeeze %dma_start3A_267 : memref<1x64xf32, #tpu.memory_space<hbm>> -> memref<64xf32, #tpu.memory_space<hbm>>
      tpu.enqueue_dma source(%dma_start3A_268 : memref<64xf32, #tpu.memory_space<hbm>>) target(%dma_start3A_265 : memref<64xf32, #tpu.memory_space<vmem>>) target_semaphore(%arg12 : memref<!tpu.dma_semaphore, #tpu.memory_space<semaphore_mem>>)
      %slice3A_269 = vector.extract_strided_slice %get3A_216 {offsets = [3], sizes = [1], strides = [1]} : vector<16xi32> to vector<1xi32>
      %squeeze3A_270 = vector.extract %slice3A_269[0] : i32 from vector<1xi32>
      %mul3A_271 = arith.constant 16 : i32
      %mul3A_272 = arith.muli %scan3A_211, %mul3A_271 : i32
      %add3A_273 = arith.constant 3 : i32
      %add3A_274 = arith.addi %mul3A_272, %add3A_273 : i32
      %dma_start3A_275 = arith.constant 0 : i32
      %dma_start3A_276 = tpu.memref_slice %arg7[%add3A_274, %dma_start3A_275] : memref<512x64xf32, #tpu.memory_space<vmem>> -> memref<1x64xf32, #tpu.memory_space<vmem>>
      %dma_start3A_277 = tpu.memref_squeeze %dma_start3A_276 : memref<1x64xf32, #tpu.memory_space<vmem>> -> memref<64xf32, #tpu.memory_space<vmem>>
      %dma_start3A_278 = arith.constant 0 : i32
      %dma_start3A_279 = tpu.memref_slice %arg4[%squeeze3A_270, %dma_start3A_278] : memref<1000001x64xf32, #tpu.memory_space<hbm>> -> memref<1x64xf32, #tpu.memory_space<hbm>>
      %dma_start3A_280 = tpu.memref_squeeze %dma_start3A_279 : memref<1x64xf32, #tpu.memory_space<hbm>> -> memref<64xf32, #tpu.memory_space<hbm>>
      %dma_start3A_281 = arith.constant 0 : i32
      %dma_start3A_282 = tpu.memref_slice %arg7[%add3A_274, %dma_start3A_281] : memref<512x64xf32, #tpu.memory_space<vmem>> -> memref<1x64xf32, #tpu.memory_space<vmem>>
      %dma_start3A_283 = tpu.memref_squeeze %dma_start3A_282 : memref<1x64xf32, #tpu.memory_space<vmem>> -> memref<64xf32, #tpu.memory_space<vmem>>
      %dma_start3A_284 = arith.constant 0 : i32
      %dma_start3A_285 = tpu.memref_slice %arg4[%squeeze3A_270, %dma_start3A_284] : memref<1000001x64xf32, #tpu.memory_space<hbm>> -> memref<1x64xf32, #tpu.memory_space<hbm>>
      %dma_start3A_286 = tpu.memref_squeeze %dma_start3A_285 : memref<1x64xf32, #tpu.memory_space<hbm>> -> memref<64xf32, #tpu.memory_space<hbm>>
      tpu.enqueue_dma source(%dma_start3A_286 : memref<64xf32, #tpu.memory_space<hbm>>) target(%dma_start3A_283 : memref<64xf32, #tpu.memory_space<vmem>>) target_semaphore(%arg12 : memref<!tpu.dma_semaphore, #tpu.memory_space<semaphore_mem>>)
      %slice3A_287 = vector.extract_strided_slice %get3A_216 {offsets = [4], sizes = [1], strides = [1]} : vector<16xi32> to vector<1xi32>
      %squeeze3A_288 = vector.extract %slice3A_287[0] : i32 from vector<1xi32>
      %mul3A_289 = arith.constant 16 : i32
      %mul3A_290 = arith.muli %scan3A_211, %mul3A_289 : i32
      %add3A_291 = arith.constant 4 : i32
      %add3A_292 = arith.addi %mul3A_290, %add3A_291 : i32
      %dma_start3A_293 = arith.constant 0 : i32
      %dma_start3A_294 = tpu.memref_slice %arg7[%add3A_292, %dma_start3A_293] : memref<512x64xf32, #tpu.memory_space<vmem>> -> memref<1x64xf32, #tpu.memory_space<vmem>>
      %dma_start3A_295 = tpu.memref_squeeze %dma_start3A_294 : memref<1x64xf32, #tpu.memory_space<vmem>> -> memref<64xf32, #tpu.memory_space<vmem>>
      %dma_start3A_296 = arith.constant 0 : i32
      %dma_start3A_297 = tpu.memref_slice %arg4[%squeeze3A_288, %dma_start3A_296] : memref<1000001x64xf32, #tpu.memory_space<hbm>> -> memref<1x64xf32, #tpu.memory_space<hbm>>
      %dma_start3A_298 = tpu.memref_squeeze %dma_start3A_297 : memref<1x64xf32, #tpu.memory_space<hbm>> -> memref<64xf32, #tpu.memory_space<hbm>>
      %dma_start3A_299 = arith.constant 0 : i32
      %dma_start3A_300 = tpu.memref_slice %arg7[%add3A_292, %dma_start3A_299] : memref<512x64xf32, #tpu.memory_space<vmem>> -> memref<1x64xf32, #tpu.memory_space<vmem>>
      %dma_start3A_301 = tpu.memref_squeeze %dma_start3A_300 : memref<1x64xf32, #tpu.memory_space<vmem>> -> memref<64xf32, #tpu.memory_space<vmem>>
      %dma_start3A_302 = arith.constant 0 : i32
      %dma_start3A_303 = tpu.memref_slice %arg4[%squeeze3A_288, %dma_start3A_302] : memref<1000001x64xf32, #tpu.memory_space<hbm>> -> memref<1x64xf32, #tpu.memory_space<hbm>>
      %dma_start3A_304 = tpu.memref_squeeze %dma_start3A_303 : memref<1x64xf32, #tpu.memory_space<hbm>> -> memref<64xf32, #tpu.memory_space<hbm>>
      tpu.enqueue_dma source(%dma_start3A_304 : memref<64xf32, #tpu.memory_space<hbm>>) target(%dma_start3A_301 : memref<64xf32, #tpu.memory_space<vmem>>) target_semaphore(%arg12 : memref<!tpu.dma_semaphore, #tpu.memory_space<semaphore_mem>>)
      %slice3A_305 = vector.extract_strided_slice %get3A_216 {offsets = [5], sizes = [1], strides = [1]} : vector<16xi32> to vector<1xi32>
      %squeeze3A_306 = vector.extract %slice3A_305[0] : i32 from vector<1xi32>
      %mul3A_307 = arith.constant 16 : i32
      %mul3A_308 = arith.muli %scan3A_211, %mul3A_307 : i32
      %add3A_309 = arith.constant 5 : i32
      %add3A_310 = arith.addi %mul3A_308, %add3A_309 : i32
      %dma_start3A_311 = arith.constant 0 : i32
      %dma_start3A_312 = tpu.memref_slice %arg7[%add3A_310, %dma_start3A_311] : memref<512x64xf32, #tpu.memory_space<vmem>> -> memref<1x64xf32, #tpu.memory_space<vmem>>
      %dma_start3A_313 = tpu.memref_squeeze %dma_start3A_312 : memref<1x64xf32, #tpu.memory_space<vmem>> -> memref<64xf32, #tpu.memory_space<vmem>>
      %dma_start3A_314 = arith.constant 0 : i32
      %dma_start3A_315 = tpu.memref_slice %arg4[%squeeze3A_306, %dma_start3A_314] : memref<1000001x64xf32, #tpu.memory_space<hbm>> -> memref<1x64xf32, #tpu.memory_space<hbm>>
      %dma_start3A_316 = tpu.memref_squeeze %dma_start3A_315 : memref<1x64xf32, #tpu.memory_space<hbm>> -> memref<64xf32, #tpu.memory_space<hbm>>
      %dma_start3A_317 = arith.constant 0 : i32
      %dma_start3A_318 = tpu.memref_slice %arg7[%add3A_310, %dma_start3A_317] : memref<512x64xf32, #tpu.memory_space<vmem>> -> memref<1x64xf32, #tpu.memory_space<vmem>>
      %dma_start3A_319 = tpu.memref_squeeze %dma_start3A_318 : memref<1x64xf32, #tpu.memory_space<vmem>> -> memref<64xf32, #tpu.memory_space<vmem>>
      %dma_start3A_320 = arith.constant 0 : i32
      %dma_start3A_321 = tpu.memref_slice %arg4[%squeeze3A_306, %dma_start3A_320] : memref<1000001x64xf32, #tpu.memory_space<hbm>> -> memref<1x64xf32, #tpu.memory_space<hbm>>
      %dma_start3A_322 = tpu.memref_squeeze %dma_start3A_321 : memref<1x64xf32, #tpu.memory_space<hbm>> -> memref<64xf32, #tpu.memory_space<hbm>>
      tpu.enqueue_dma source(%dma_start3A_322 : memref<64xf32, #tpu.memory_space<hbm>>) target(%dma_start3A_319 : memref<64xf32, #tpu.memory_space<vmem>>) target_semaphore(%arg12 : memref<!tpu.dma_semaphore, #tpu.memory_space<semaphore_mem>>)
      %slice3A_323 = vector.extract_strided_slice %get3A_216 {offsets = [6], sizes = [1], strides = [1]} : vector<16xi32> to vector<1xi32>
      %squeeze3A_324 = vector.extract %slice3A_323[0] : i32 from vector<1xi32>
      %mul3A_325 = arith.constant 16 : i32
      %mul3A_326 = arith.muli %scan3A_211, %mul3A_325 : i32
      %add3A_327 = arith.constant 6 : i32
      %add3A_328 = arith.addi %mul3A_326, %add3A_327 : i32
      %dma_start3A_329 = arith.constant 0 : i32
      %dma_start3A_330 = tpu.memref_slice %arg7[%add3A_328, %dma_start3A_329] : memref<512x64xf32, #tpu.memory_space<vmem>> -> memref<1x64xf32, #tpu.memory_space<vmem>>
      %dma_start3A_331 = tpu.memref_squeeze %dma_start3A_330 : memref<1x64xf32, #tpu.memory_space<vmem>> -> memref<64xf32, #tpu.memory_space<vmem>>
      %dma_start3A_332 = arith.constant 0 : i32
      %dma_start3A_333 = tpu.memref_slice %arg4[%squeeze3A_324, %dma_start3A_332] : memref<1000001x64xf32, #tpu.memory_space<hbm>> -> memref<1x64xf32, #tpu.memory_space<hbm>>
      %dma_start3A_334 = tpu.memref_squeeze %dma_start3A_333 : memref<1x64xf32, #tpu.memory_space<hbm>> -> memref<64xf32, #tpu.memory_space<hbm>>
      %dma_start3A_335 = arith.constant 0 : i32
      %dma_start3A_336 = tpu.memref_slice %arg7[%add3A_328, %dma_start3A_335] : memref<512x64xf32, #tpu.memory_space<vmem>> -> memref<1x64xf32, #tpu.memory_space<vmem>>
      %dma_start3A_337 = tpu.memref_squeeze %dma_start3A_336 : memref<1x64xf32, #tpu.memory_space<vmem>> -> memref<64xf32, #tpu.memory_space<vmem>>
      %dma_start3A_338 = arith.constant 0 : i32
      %dma_start3A_339 = tpu.memref_slice %arg4[%squeeze3A_324, %dma_start3A_338] : memref<1000001x64xf32, #tpu.memory_space<hbm>> -> memref<1x64xf32, #tpu.memory_space<hbm>>
      %dma_start3A_340 = tpu.memref_squeeze %dma_start3A_339 : memref<1x64xf32, #tpu.memory_space<hbm>> -> memref<64xf32, #tpu.memory_space<hbm>>
      tpu.enqueue_dma source(%dma_start3A_340 : memref<64xf32, #tpu.memory_space<hbm>>) target(%dma_start3A_337 : memref<64xf32, #tpu.memory_space<vmem>>) target_semaphore(%arg12 : memref<!tpu.dma_semaphore, #tpu.memory_space<semaphore_mem>>)
      %slice3A_341 = vector.extract_strided_slice %get3A_216 {offsets = [7], sizes = [1], strides = [1]} : vector<16xi32> to vector<1xi32>
      %squeeze3A_342 = vector.extract %slice3A_341[0] : i32 from vector<1xi32>
      %mul3A_343 = arith.constant 16 : i32
      %mul3A_344 = arith.muli %scan3A_211, %mul3A_343 : i32
      %add3A_345 = arith.constant 7 : i32
      %add3A_346 = arith.addi %mul3A_344, %add3A_345 : i32
      %dma_start3A_347 = arith.constant 0 : i32
      %dma_start3A_348 = tpu.memref_slice %arg7[%add3A_346, %dma_start3A_347] : memref<512x64xf32, #tpu.memory_space<vmem>> -> memref<1x64xf32, #tpu.memory_space<vmem>>
      %dma_start3A_349 = tpu.memref_squeeze %dma_start3A_348 : memref<1x64xf32, #tpu.memory_space<vmem>> -> memref<64xf32, #tpu.memory_space<vmem>>
      %dma_start3A_350 = arith.constant 0 : i32
      %dma_start3A_351 = tpu.memref_slice %arg4[%squeeze3A_342, %dma_start3A_350] : memref<1000001x64xf32, #tpu.memory_space<hbm>> -> memref<1x64xf32, #tpu.memory_space<hbm>>
      %dma_start3A_352 = tpu.memref_squeeze %dma_start3A_351 : memref<1x64xf32, #tpu.memory_space<hbm>> -> memref<64xf32, #tpu.memory_space<hbm>>
      %dma_start3A_353 = arith.constant 0 : i32
      %dma_start3A_354 = tpu.memref_slice %arg7[%add3A_346, %dma_start3A_353] : memref<512x64xf32, #tpu.memory_space<vmem>> -> memref<1x64xf32, #tpu.memory_space<vmem>>
      %dma_start3A_355 = tpu.memref_squeeze %dma_start3A_354 : memref<1x64xf32, #tpu.memory_space<vmem>> -> memref<64xf32, #tpu.memory_space<vmem>>
      %dma_start3A_356 = arith.constant 0 : i32
      %dma_start3A_357 = tpu.memref_slice %arg4[%squeeze3A_342, %dma_start3A_356] : memref<1000001x64xf32, #tpu.memory_space<hbm>> -> memref<1x64xf32, #tpu.memory_space<hbm>>
      %dma_start3A_358 = tpu.memref_squeeze %dma_start3A_357 : memref<1x64xf32, #tpu.memory_space<hbm>> -> memref<64xf32, #tpu.memory_space<hbm>>
      tpu.enqueue_dma source(%dma_start3A_358 : memref<64xf32, #tpu.memory_space<hbm>>) target(%dma_start3A_355 : memref<64xf32, #tpu.memory_space<vmem>>) target_semaphore(%arg12 : memref<!tpu.dma_semaphore, #tpu.memory_space<semaphore_mem>>)
      %slice3A_359 = vector.extract_strided_slice %get3A_216 {offsets = [8], sizes = [1], strides = [1]} : vector<16xi32> to vector<1xi32>
      %squeeze3A_360 = vector.extract %slice3A_359[0] : i32 from vector<1xi32>
      %mul3A_361 = arith.constant 16 : i32
      %mul3A_362 = arith.muli %scan3A_211, %mul3A_361 : i32
      %add3A_363 = arith.constant 8 : i32
      %add3A_364 = arith.addi %mul3A_362, %add3A_363 : i32
      %dma_start3A_365 = arith.constant 0 : i32
      %dma_start3A_366 = tpu.memref_slice %arg7[%add3A_364, %dma_start3A_365] : memref<512x64xf32, #tpu.memory_space<vmem>> -> memref<1x64xf32, #tpu.memory_space<vmem>>
      %dma_start3A_367 = tpu.memref_squeeze %dma_start3A_366 : memref<1x64xf32, #tpu.memory_space<vmem>> -> memref<64xf32, #tpu.memory_space<vmem>>
      %dma_start3A_368 = arith.constant 0 : i32
      %dma_start3A_369 = tpu.memref_slice %arg4[%squeeze3A_360, %dma_start3A_368] : memref<1000001x64xf32, #tpu.memory_space<hbm>> -> memref<1x64xf32, #tpu.memory_space<hbm>>
      %dma_start3A_370 = tpu.memref_squeeze %dma_start3A_369 : memref<1x64xf32, #tpu.memory_space<hbm>> -> memref<64xf32, #tpu.memory_space<hbm>>
      %dma_start3A_371 = arith.constant 0 : i32
      %dma_start3A_372 = tpu.memref_slice %arg7[%add3A_364, %dma_start3A_371] : memref<512x64xf32, #tpu.memory_space<vmem>> -> memref<1x64xf32, #tpu.memory_space<vmem>>
      %dma_start3A_373 = tpu.memref_squeeze %dma_start3A_372 : memref<1x64xf32, #tpu.memory_space<vmem>> -> memref<64xf32, #tpu.memory_space<vmem>>
      %dma_start3A_374 = arith.constant 0 : i32
      %dma_start3A_375 = tpu.memref_slice %arg4[%squeeze3A_360, %dma_start3A_374] : memref<1000001x64xf32, #tpu.memory_space<hbm>> -> memref<1x64xf32, #tpu.memory_space<hbm>>
      %dma_start3A_376 = tpu.memref_squeeze %dma_start3A_375 : memref<1x64xf32, #tpu.memory_space<hbm>> -> memref<64xf32, #tpu.memory_space<hbm>>
      tpu.enqueue_dma source(%dma_start3A_376 : memref<64xf32, #tpu.memory_space<hbm>>) target(%dma_start3A_373 : memref<64xf32, #tpu.memory_space<vmem>>) target_semaphore(%arg12 : memref<!tpu.dma_semaphore, #tpu.memory_space<semaphore_mem>>)
      %slice3A_377 = vector.extract_strided_slice %get3A_216 {offsets = [9], sizes = [1], strides = [1]} : vector<16xi32> to vector<1xi32>
      %squeeze3A_378 = vector.extract %slice3A_377[0] : i32 from vector<1xi32>
      %mul3A_379 = arith.constant 16 : i32
      %mul3A_380 = arith.muli %scan3A_211, %mul3A_379 : i32
      %add3A_381 = arith.constant 9 : i32
      %add3A_382 = arith.addi %mul3A_380, %add3A_381 : i32
      %dma_start3A_383 = arith.constant 0 : i32
      %dma_start3A_384 = tpu.memref_slice %arg7[%add3A_382, %dma_start3A_383] : memref<512x64xf32, #tpu.memory_space<vmem>> -> memref<1x64xf32, #tpu.memory_space<vmem>>
      %dma_start3A_385 = tpu.memref_squeeze %dma_start3A_384 : memref<1x64xf32, #tpu.memory_space<vmem>> -> memref<64xf32, #tpu.memory_space<vmem>>
      %dma_start3A_386 = arith.constant 0 : i32
      %dma_start3A_387 = tpu.memref_slice %arg4[%squeeze3A_378, %dma_start3A_386] : memref<1000001x64xf32, #tpu.memory_space<hbm>> -> memref<1x64xf32, #tpu.memory_space<hbm>>
      %dma_start3A_388 = tpu.memref_squeeze %dma_start3A_387 : memref<1x64xf32, #tpu.memory_space<hbm>> -> memref<64xf32, #tpu.memory_space<hbm>>
      %dma_start3A_389 = arith.constant 0 : i32
      %dma_start3A_390 = tpu.memref_slice %arg7[%add3A_382, %dma_start3A_389] : memref<512x64xf32, #tpu.memory_space<vmem>> -> memref<1x64xf32, #tpu.memory_space<vmem>>
      %dma_start3A_391 = tpu.memref_squeeze %dma_start3A_390 : memref<1x64xf32, #tpu.memory_space<vmem>> -> memref<64xf32, #tpu.memory_space<vmem>>
      %dma_start3A_392 = arith.constant 0 : i32
      %dma_start3A_393 = tpu.memref_slice %arg4[%squeeze3A_378, %dma_start3A_392] : memref<1000001x64xf32, #tpu.memory_space<hbm>> -> memref<1x64xf32, #tpu.memory_space<hbm>>
      %dma_start3A_394 = tpu.memref_squeeze %dma_start3A_393 : memref<1x64xf32, #tpu.memory_space<hbm>> -> memref<64xf32, #tpu.memory_space<hbm>>
      tpu.enqueue_dma source(%dma_start3A_394 : memref<64xf32, #tpu.memory_space<hbm>>) target(%dma_start3A_391 : memref<64xf32, #tpu.memory_space<vmem>>) target_semaphore(%arg12 : memref<!tpu.dma_semaphore, #tpu.memory_space<semaphore_mem>>)
      %slice3A_395 = vector.extract_strided_slice %get3A_216 {offsets = [10], sizes = [1], strides = [1]} : vector<16xi32> to vector<1xi32>
      %squeeze3A_396 = vector.extract %slice3A_395[0] : i32 from vector<1xi32>
      %mul3A_397 = arith.constant 16 : i32
      %mul3A_398 = arith.muli %scan3A_211, %mul3A_397 : i32
      %add3A_399 = arith.constant 10 : i32
      %add3A_400 = arith.addi %mul3A_398, %add3A_399 : i32
      %dma_start3A_401 = arith.constant 0 : i32
      %dma_start3A_402 = tpu.memref_slice %arg7[%add3A_400, %dma_start3A_401] : memref<512x64xf32, #tpu.memory_space<vmem>> -> memref<1x64xf32, #tpu.memory_space<vmem>>
      %dma_start3A_403 = tpu.memref_squeeze %dma_start3A_402 : memref<1x64xf32, #tpu.memory_space<vmem>> -> memref<64xf32, #tpu.memory_space<vmem>>
      %dma_start3A_404 = arith.constant 0 : i32
      %dma_start3A_405 = tpu.memref_slice %arg4[%squeeze3A_396, %dma_start3A_404] : memref<1000001x64xf32, #tpu.memory_space<hbm>> -> memref<1x64xf32, #tpu.memory_space<hbm>>
      %dma_start3A_406 = tpu.memref_squeeze %dma_start3A_405 : memref<1x64xf32, #tpu.memory_space<hbm>> -> memref<64xf32, #tpu.memory_space<hbm>>
      %dma_start3A_407 = arith.constant 0 : i32
      %dma_start3A_408 = tpu.memref_slice %arg7[%add3A_400, %dma_start3A_407] : memref<512x64xf32, #tpu.memory_space<vmem>> -> memref<1x64xf32, #tpu.memory_space<vmem>>
      %dma_start3A_409 = tpu.memref_squeeze %dma_start3A_408 : memref<1x64xf32, #tpu.memory_space<vmem>> -> memref<64xf32, #tpu.memory_space<vmem>>
      %dma_start3A_410 = arith.constant 0 : i32
      %dma_start3A_411 = tpu.memref_slice %arg4[%squeeze3A_396, %dma_start3A_410] : memref<1000001x64xf32, #tpu.memory_space<hbm>> -> memref<1x64xf32, #tpu.memory_space<hbm>>
      %dma_start3A_412 = tpu.memref_squeeze %dma_start3A_411 : memref<1x64xf32, #tpu.memory_space<hbm>> -> memref<64xf32, #tpu.memory_space<hbm>>
      tpu.enqueue_dma source(%dma_start3A_412 : memref<64xf32, #tpu.memory_space<hbm>>) target(%dma_start3A_409 : memref<64xf32, #tpu.memory_space<vmem>>) target_semaphore(%arg12 : memref<!tpu.dma_semaphore, #tpu.memory_space<semaphore_mem>>)
      %slice3A_413 = vector.extract_strided_slice %get3A_216 {offsets = [11], sizes = [1], strides = [1]} : vector<16xi32> to vector<1xi32>
      %squeeze3A_414 = vector.extract %slice3A_413[0] : i32 from vector<1xi32>
      %mul3A_415 = arith.constant 16 : i32
      %mul3A_416 = arith.muli %scan3A_211, %mul3A_415 : i32
      %add3A_417 = arith.constant 11 : i32
      %add3A_418 = arith.addi %mul3A_416, %add3A_417 : i32
      %dma_start3A_419 = arith.constant 0 : i32
      %dma_start3A_420 = tpu.memref_slice %arg7[%add3A_418, %dma_start3A_419] : memref<512x64xf32, #tpu.memory_space<vmem>> -> memref<1x64xf32, #tpu.memory_space<vmem>>
      %dma_start3A_421 = tpu.memref_squeeze %dma_start3A_420 : memref<1x64xf32, #tpu.memory_space<vmem>> -> memref<64xf32, #tpu.memory_space<vmem>>
      %dma_start3A_422 = arith.constant 0 : i32
      %dma_start3A_423 = tpu.memref_slice %arg4[%squeeze3A_414, %dma_start3A_422] : memref<1000001x64xf32, #tpu.memory_space<hbm>> -> memref<1x64xf32, #tpu.memory_space<hbm>>
      %dma_start3A_424 = tpu.memref_squeeze %dma_start3A_423 : memref<1x64xf32, #tpu.memory_space<hbm>> -> memref<64xf32, #tpu.memory_space<hbm>>
      %dma_start3A_425 = arith.constant 0 : i32
      %dma_start3A_426 = tpu.memref_slice %arg7[%add3A_418, %dma_start3A_425] : memref<512x64xf32, #tpu.memory_space<vmem>> -> memref<1x64xf32, #tpu.memory_space<vmem>>
      %dma_start3A_427 = tpu.memref_squeeze %dma_start3A_426 : memref<1x64xf32, #tpu.memory_space<vmem>> -> memref<64xf32, #tpu.memory_space<vmem>>
      %dma_start3A_428 = arith.constant 0 : i32
      %dma_start3A_429 = tpu.memref_slice %arg4[%squeeze3A_414, %dma_start3A_428] : memref<1000001x64xf32, #tpu.memory_space<hbm>> -> memref<1x64xf32, #tpu.memory_space<hbm>>
      %dma_start3A_430 = tpu.memref_squeeze %dma_start3A_429 : memref<1x64xf32, #tpu.memory_space<hbm>> -> memref<64xf32, #tpu.memory_space<hbm>>
      tpu.enqueue_dma source(%dma_start3A_430 : memref<64xf32, #tpu.memory_space<hbm>>) target(%dma_start3A_427 : memref<64xf32, #tpu.memory_space<vmem>>) target_semaphore(%arg12 : memref<!tpu.dma_semaphore, #tpu.memory_space<semaphore_mem>>)
      %slice3A_431 = vector.extract_strided_slice %get3A_216 {offsets = [12], sizes = [1], strides = [1]} : vector<16xi32> to vector<1xi32>
      %squeeze3A_432 = vector.extract %slice3A_431[0] : i32 from vector<1xi32>
      %mul3A_433 = arith.constant 16 : i32
      %mul3A_434 = arith.muli %scan3A_211, %mul3A_433 : i32
      %add3A_435 = arith.constant 12 : i32
      %add3A_436 = arith.addi %mul3A_434, %add3A_435 : i32
      %dma_start3A_437 = arith.constant 0 : i32
      %dma_start3A_438 = tpu.memref_slice %arg7[%add3A_436, %dma_start3A_437] : memref<512x64xf32, #tpu.memory_space<vmem>> -> memref<1x64xf32, #tpu.memory_space<vmem>>
      %dma_start3A_439 = tpu.memref_squeeze %dma_start3A_438 : memref<1x64xf32, #tpu.memory_space<vmem>> -> memref<64xf32, #tpu.memory_space<vmem>>
      %dma_start3A_440 = arith.constant 0 : i32
      %dma_start3A_441 = tpu.memref_slice %arg4[%squeeze3A_432, %dma_start3A_440] : memref<1000001x64xf32, #tpu.memory_space<hbm>> -> memref<1x64xf32, #tpu.memory_space<hbm>>
      %dma_start3A_442 = tpu.memref_squeeze %dma_start3A_441 : memref<1x64xf32, #tpu.memory_space<hbm>> -> memref<64xf32, #tpu.memory_space<hbm>>
      %dma_start3A_443 = arith.constant 0 : i32
      %dma_start3A_444 = tpu.memref_slice %arg7[%add3A_436, %dma_start3A_443] : memref<512x64xf32, #tpu.memory_space<vmem>> -> memref<1x64xf32, #tpu.memory_space<vmem>>
      %dma_start3A_445 = tpu.memref_squeeze %dma_start3A_444 : memref<1x64xf32, #tpu.memory_space<vmem>> -> memref<64xf32, #tpu.memory_space<vmem>>
      %dma_start3A_446 = arith.constant 0 : i32
      %dma_start3A_447 = tpu.memref_slice %arg4[%squeeze3A_432, %dma_start3A_446] : memref<1000001x64xf32, #tpu.memory_space<hbm>> -> memref<1x64xf32, #tpu.memory_space<hbm>>
      %dma_start3A_448 = tpu.memref_squeeze %dma_start3A_447 : memref<1x64xf32, #tpu.memory_space<hbm>> -> memref<64xf32, #tpu.memory_space<hbm>>
      tpu.enqueue_dma source(%dma_start3A_448 : memref<64xf32, #tpu.memory_space<hbm>>) target(%dma_start3A_445 : memref<64xf32, #tpu.memory_space<vmem>>) target_semaphore(%arg12 : memref<!tpu.dma_semaphore, #tpu.memory_space<semaphore_mem>>)
      %slice3A_449 = vector.extract_strided_slice %get3A_216 {offsets = [13], sizes = [1], strides = [1]} : vector<16xi32> to vector<1xi32>
      %squeeze3A_450 = vector.extract %slice3A_449[0] : i32 from vector<1xi32>
      %mul3A_451 = arith.constant 16 : i32
      %mul3A_452 = arith.muli %scan3A_211, %mul3A_451 : i32
      %add3A_453 = arith.constant 13 : i32
      %add3A_454 = arith.addi %mul3A_452, %add3A_453 : i32
      %dma_start3A_455 = arith.constant 0 : i32
      %dma_start3A_456 = tpu.memref_slice %arg7[%add3A_454, %dma_start3A_455] : memref<512x64xf32, #tpu.memory_space<vmem>> -> memref<1x64xf32, #tpu.memory_space<vmem>>
      %dma_start3A_457 = tpu.memref_squeeze %dma_start3A_456 : memref<1x64xf32, #tpu.memory_space<vmem>> -> memref<64xf32, #tpu.memory_space<vmem>>
      %dma_start3A_458 = arith.constant 0 : i32
      %dma_start3A_459 = tpu.memref_slice %arg4[%squeeze3A_450, %dma_start3A_458] : memref<1000001x64xf32, #tpu.memory_space<hbm>> -> memref<1x64xf32, #tpu.memory_space<hbm>>
      %dma_start3A_460 = tpu.memref_squeeze %dma_start3A_459 : memref<1x64xf32, #tpu.memory_space<hbm>> -> memref<64xf32, #tpu.memory_space<hbm>>
      %dma_start3A_461 = arith.constant 0 : i32
      %dma_start3A_462 = tpu.memref_slice %arg7[%add3A_454, %dma_start3A_461] : memref<512x64xf32, #tpu.memory_space<vmem>> -> memref<1x64xf32, #tpu.memory_space<vmem>>
      %dma_start3A_463 = tpu.memref_squeeze %dma_start3A_462 : memref<1x64xf32, #tpu.memory_space<vmem>> -> memref<64xf32, #tpu.memory_space<vmem>>
      %dma_start3A_464 = arith.constant 0 : i32
      %dma_start3A_465 = tpu.memref_slice %arg4[%squeeze3A_450, %dma_start3A_464] : memref<1000001x64xf32, #tpu.memory_space<hbm>> -> memref<1x64xf32, #tpu.memory_space<hbm>>
      %dma_start3A_466 = tpu.memref_squeeze %dma_start3A_465 : memref<1x64xf32, #tpu.memory_space<hbm>> -> memref<64xf32, #tpu.memory_space<hbm>>
      tpu.enqueue_dma source(%dma_start3A_466 : memref<64xf32, #tpu.memory_space<hbm>>) target(%dma_start3A_463 : memref<64xf32, #tpu.memory_space<vmem>>) target_semaphore(%arg12 : memref<!tpu.dma_semaphore, #tpu.memory_space<semaphore_mem>>)
      %slice3A_467 = vector.extract_strided_slice %get3A_216 {offsets = [14], sizes = [1], strides = [1]} : vector<16xi32> to vector<1xi32>
      %squeeze3A_468 = vector.extract %slice3A_467[0] : i32 from vector<1xi32>
      %mul3A_469 = arith.constant 16 : i32
      %mul3A_470 = arith.muli %scan3A_211, %mul3A_469 : i32
      %add3A_471 = arith.constant 14 : i32
      %add3A_472 = arith.addi %mul3A_470, %add3A_471 : i32
      %dma_start3A_473 = arith.constant 0 : i32
      %dma_start3A_474 = tpu.memref_slice %arg7[%add3A_472, %dma_start3A_473] : memref<512x64xf32, #tpu.memory_space<vmem>> -> memref<1x64xf32, #tpu.memory_space<vmem>>
      %dma_start3A_475 = tpu.memref_squeeze %dma_start3A_474 : memref<1x64xf32, #tpu.memory_space<vmem>> -> memref<64xf32, #tpu.memory_space<vmem>>
      %dma_start3A_476 = arith.constant 0 : i32
      %dma_start3A_477 = tpu.memref_slice %arg4[%squeeze3A_468, %dma_start3A_476] : memref<1000001x64xf32, #tpu.memory_space<hbm>> -> memref<1x64xf32, #tpu.memory_space<hbm>>
      %dma_start3A_478 = tpu.memref_squeeze %dma_start3A_477 : memref<1x64xf32, #tpu.memory_space<hbm>> -> memref<64xf32, #tpu.memory_space<hbm>>
      %dma_start3A_479 = arith.constant 0 : i32
      %dma_start3A_480 = tpu.memref_slice %arg7[%add3A_472, %dma_start3A_479] : memref<512x64xf32, #tpu.memory_space<vmem>> -> memref<1x64xf32, #tpu.memory_space<vmem>>
      %dma_start3A_481 = tpu.memref_squeeze %dma_start3A_480 : memref<1x64xf32, #tpu.memory_space<vmem>> -> memref<64xf32, #tpu.memory_space<vmem>>
      %dma_start3A_482 = arith.constant 0 : i32
      %dma_start3A_483 = tpu.memref_slice %arg4[%squeeze3A_468, %dma_start3A_482] : memref<1000001x64xf32, #tpu.memory_space<hbm>> -> memref<1x64xf32, #tpu.memory_space<hbm>>
      %dma_start3A_484 = tpu.memref_squeeze %dma_start3A_483 : memref<1x64xf32, #tpu.memory_space<hbm>> -> memref<64xf32, #tpu.memory_space<hbm>>
      tpu.enqueue_dma source(%dma_start3A_484 : memref<64xf32, #tpu.memory_space<hbm>>) target(%dma_start3A_481 : memref<64xf32, #tpu.memory_space<vmem>>) target_semaphore(%arg12 : memref<!tpu.dma_semaphore, #tpu.memory_space<semaphore_mem>>)
      %slice3A_485 = vector.extract_strided_slice %get3A_216 {offsets = [15], sizes = [1], strides = [1]} : vector<16xi32> to vector<1xi32>
      %squeeze3A_486 = vector.extract %slice3A_485[0] : i32 from vector<1xi32>
      %mul3A_487 = arith.constant 16 : i32
      %mul3A_488 = arith.muli %scan3A_211, %mul3A_487 : i32
      %add3A_489 = arith.constant 15 : i32
      %add3A_490 = arith.addi %mul3A_488, %add3A_489 : i32
      %dma_start3A_491 = arith.constant 0 : i32
      %dma_start3A_492 = tpu.memref_slice %arg7[%add3A_490, %dma_start3A_491] : memref<512x64xf32, #tpu.memory_space<vmem>> -> memref<1x64xf32, #tpu.memory_space<vmem>>
      %dma_start3A_493 = tpu.memref_squeeze %dma_start3A_492 : memref<1x64xf32, #tpu.memory_space<vmem>> -> memref<64xf32, #tpu.memory_space<vmem>>
      %dma_start3A_494 = arith.constant 0 : i32
      %dma_start3A_495 = tpu.memref_slice %arg4[%squeeze3A_486, %dma_start3A_494] : memref<1000001x64xf32, #tpu.memory_space<hbm>> -> memref<1x64xf32, #tpu.memory_space<hbm>>
      %dma_start3A_496 = tpu.memref_squeeze %dma_start3A_495 : memref<1x64xf32, #tpu.memory_space<hbm>> -> memref<64xf32, #tpu.memory_space<hbm>>
      %dma_start3A_497 = arith.constant 0 : i32
      %dma_start3A_498 = tpu.memref_slice %arg7[%add3A_490, %dma_start3A_497] : memref<512x64xf32, #tpu.memory_space<vmem>> -> memref<1x64xf32, #tpu.memory_space<vmem>>
      %dma_start3A_499 = tpu.memref_squeeze %dma_start3A_498 : memref<1x64xf32, #tpu.memory_space<vmem>> -> memref<64xf32, #tpu.memory_space<vmem>>
      %dma_start3A_500 = arith.constant 0 : i32
      %dma_start3A_501 = tpu.memref_slice %arg4[%squeeze3A_486, %dma_start3A_500] : memref<1000001x64xf32, #tpu.memory_space<hbm>> -> memref<1x64xf32, #tpu.memory_space<hbm>>
      %dma_start3A_502 = tpu.memref_squeeze %dma_start3A_501 : memref<1x64xf32, #tpu.memory_space<hbm>> -> memref<64xf32, #tpu.memory_space<hbm>>
      tpu.enqueue_dma source(%dma_start3A_502 : memref<64xf32, #tpu.memory_space<hbm>>) target(%dma_start3A_499 : memref<64xf32, #tpu.memory_space<vmem>>) target_semaphore(%arg12 : memref<!tpu.dma_semaphore, #tpu.memory_space<semaphore_mem>>)
    }
    %scan3A_25 = arith.constant 8 : i32
    %get3A = arith.constant 0 : i32
    %get3A_26 = arith.index_cast %get3A : i32 to index
    %get3A_27 = arith.constant 0 : index
    %get3A_28 = tpu.vector_load %arg8[%get3A_26, %get3A_27] {strides = array<i32>} : memref<1x64xf32, #tpu.memory_space<vmem>>, vector<1x16xf32>,
    %get3A_29 = vector.shape_cast %get3A_28 : vector<1x16xf32> to vector<16xf32>
    %get3A_30 = arith.constant 0 : i32
    %get3A_31 = arith.index_cast %get3A_30 : i32 to index
    %get3A_32 = arith.constant 16 : index
    %get3A_33 = tpu.vector_load %arg8[%get3A_31, %get3A_32] {strides = array<i32>} : memref<1x64xf32, #tpu.memory_space<vmem>>, vector<1x16xf32>,
    %get3A_34 = vector.shape_cast %get3A_33 : vector<1x16xf32> to vector<16xf32>
    %get3A_35 = arith.constant 0 : i32
    %get3A_36 = arith.index_cast %get3A_35 : i32 to index
    %get3A_37 = arith.constant 32 : index
    %get3A_38 = tpu.vector_load %arg8[%get3A_36, %get3A_37] {strides = array<i32>} : memref<1x64xf32, #tpu.memory_space<vmem>>, vector<1x16xf32>,
    %get3A_39 = vector.shape_cast %get3A_38 : vector<1x16xf32> to vector<16xf32>
    %get3A_40 = arith.constant 0 : i32
    %get3A_41 = arith.index_cast %get3A_40 : i32 to index
    %get3A_42 = arith.constant 48 : index
    %get3A_43 = tpu.vector_load %arg8[%get3A_41, %get3A_42] {strides = array<i32>} : memref<1x64xf32, #tpu.memory_space<vmem>>, vector<1x16xf32>,
    %get3A_44 = vector.shape_cast %get3A_43 : vector<1x16xf32> to vector<16xf32>
    %dma_wait3A = arith.constant 0 : i32
    %dma_wait3A_45 = arith.constant 0 : i32
    %dma_wait3A_46 = tpu.memref_slice %arg7[%dma_wait3A, %dma_wait3A_45] : memref<512x64xf32, #tpu.memory_space<vmem>> -> memref<128x64xf32, #tpu.memory_space<vmem>>
    %dma_wait3A_47 = arith.constant 0 : i32
    %dma_wait3A_48 = arith.constant 0 : i32
    %dma_wait3A_49 = tpu.memref_slice %arg4[%dma_wait3A_47, %dma_wait3A_48] : memref<1000001x64xf32, #tpu.memory_space<hbm>> -> memref<128x64xf32, #tpu.memory_space<hbm>>
    %dma_wait3A_50 = arith.constant 0 : i32
    %dma_wait3A_51 = arith.constant 0 : i32
    %dma_wait3A_52 = tpu.memref_slice %arg7[%dma_wait3A_50, %dma_wait3A_51] : memref<512x64xf32, #tpu.memory_space<vmem>> -> memref<128x64xf32, #tpu.memory_space<vmem>>
    %dma_wait3A_53 = arith.constant 0 : i32
    %dma_wait3A_54 = arith.constant 0 : i32
    %dma_wait3A_55 = tpu.memref_slice %arg4[%dma_wait3A_53, %dma_wait3A_54] : memref<1000001x64xf32, #tpu.memory_space<hbm>> -> memref<128x64xf32, #tpu.memory_space<hbm>>
    tpu.wait_dma2 semaphore(%arg9 : memref<!tpu.dma_semaphore, #tpu.memory_space<semaphore_mem>>) src(%dma_wait3A_55 : memref<128x64xf32, #tpu.memory_space<hbm>>) dst(%dma_wait3A_52 : memref<128x64xf32, #tpu.memory_space<vmem>>)
    %scan3A_56 = arith.constant 0 : i32
    %scan3A_57 = arith.constant 0 : i32
    %scan3A_58 = arith.constant 128 : i32
    %scan3A_59 = arith.addi %scan3A_57, %scan3A_58 : i32
    %scan3A_60 = arith.constant 1 : i32
    scf.for %scan3A_211 = %scan3A_57 to %scan3A_59 step %scan3A_60  : i32 {
      %get3A_212 = arith.index_cast %scan3A_211 : i32 to index
      %get3A_213 = arith.constant 0 : index
      %get3A_214 = tpu.vector_load %arg7[%get3A_212, %get3A_213] {strides = array<i32>} : memref<512x64xf32, #tpu.memory_space<vmem>>, vector<1x16xf32>,
      %get3A_215 = vector.shape_cast %get3A_214 : vector<1x16xf32> to vector<16xf32>
      %add3A_216 = arith.addf %get3A_215, %get3A_29 : vector<16xf32>
      %swap3A = arith.index_cast %scan3A_211 : i32 to index
      %swap3A_217 = arith.constant 0 : index
      %swap3A_218 = tpu.vector_load %arg7[%swap3A, %swap3A_217] {strides = array<i32>} : memref<512x64xf32, #tpu.memory_space<vmem>>, vector<1x16xf32>,
      %swap3A_219 = vector.shape_cast %swap3A_218 : vector<1x16xf32> to vector<16xf32>
      %swap3A_220 = vector.shape_cast %add3A_216 : vector<16xf32> to vector<1x16xf32>
      tpu.vector_store %arg7[%swap3A, %swap3A_217], %swap3A_220 {strides = array<i32>} : memref<512x64xf32, #tpu.memory_space<vmem>>, vector<1x16xf32>,
      %get3A_221 = arith.index_cast %scan3A_211 : i32 to index
      %get3A_222 = arith.constant 16 : index
      %get3A_223 = tpu.vector_load %arg7[%get3A_221, %get3A_222] {strides = array<i32>} : memref<512x64xf32, #tpu.memory_space<vmem>>, vector<1x16xf32>,
      %get3A_224 = vector.shape_cast %get3A_223 : vector<1x16xf32> to vector<16xf32>
      %add3A_225 = arith.addf %get3A_224, %get3A_34 : vector<16xf32>
      %swap3A_226 = arith.index_cast %scan3A_211 : i32 to index
      %swap3A_227 = arith.constant 16 : index
      %swap3A_228 = tpu.vector_load %arg7[%swap3A_226, %swap3A_227] {strides = array<i32>} : memref<512x64xf32, #tpu.memory_space<vmem>>, vector<1x16xf32>,
      %swap3A_229 = vector.shape_cast %swap3A_228 : vector<1x16xf32> to vector<16xf32>
      %swap3A_230 = vector.shape_cast %add3A_225 : vector<16xf32> to vector<1x16xf32>
      tpu.vector_store %arg7[%swap3A_226, %swap3A_227], %swap3A_230 {strides = array<i32>} : memref<512x64xf32, #tpu.memory_space<vmem>>, vector<1x16xf32>,
      %get3A_231 = arith.index_cast %scan3A_211 : i32 to index
      %get3A_232 = arith.constant 32 : index
      %get3A_233 = tpu.vector_load %arg7[%get3A_231, %get3A_232] {strides = array<i32>} : memref<512x64xf32, #tpu.memory_space<vmem>>, vector<1x16xf32>,
      %get3A_234 = vector.shape_cast %get3A_233 : vector<1x16xf32> to vector<16xf32>
      %add3A_235 = arith.addf %get3A_234, %get3A_39 : vector<16xf32>
      %swap3A_236 = arith.index_cast %scan3A_211 : i32 to index
      %swap3A_237 = arith.constant 32 : index
      %swap3A_238 = tpu.vector_load %arg7[%swap3A_236, %swap3A_237] {strides = array<i32>} : memref<512x64xf32, #tpu.memory_space<vmem>>, vector<1x16xf32>,
      %swap3A_239 = vector.shape_cast %swap3A_238 : vector<1x16xf32> to vector<16xf32>
      %swap3A_240 = vector.shape_cast %add3A_235 : vector<16xf32> to vector<1x16xf32>
      tpu.vector_store %arg7[%swap3A_236, %swap3A_237], %swap3A_240 {strides = array<i32>} : memref<512x64xf32, #tpu.memory_space<vmem>>, vector<1x16xf32>,
      %get3A_241 = arith.index_cast %scan3A_211 : i32 to index
      %get3A_242 = arith.constant 48 : index
      %get3A_243 = tpu.vector_load %arg7[%get3A_241, %get3A_242] {strides = array<i32>} : memref<512x64xf32, #tpu.memory_space<vmem>>, vector<1x16xf32>,
      %get3A_244 = vector.shape_cast %get3A_243 : vector<1x16xf32> to vector<16xf32>
      %add3A_245 = arith.addf %get3A_244, %get3A_44 : vector<16xf32>
      %swap3A_246 = arith.index_cast %scan3A_211 : i32 to index
      %swap3A_247 = arith.constant 48 : index
      %swap3A_248 = tpu.vector_load %arg7[%swap3A_246, %swap3A_247] {strides = array<i32>} : memref<512x64xf32, #tpu.memory_space<vmem>>, vector<1x16xf32>,
      %swap3A_249 = vector.shape_cast %swap3A_248 : vector<1x16xf32> to vector<16xf32>
      %swap3A_250 = vector.shape_cast %add3A_245 : vector<16xf32> to vector<1x16xf32>
      tpu.vector_store %arg7[%swap3A_246, %swap3A_247], %swap3A_250 {strides = array<i32>} : memref<512x64xf32, #tpu.memory_space<vmem>>, vector<1x16xf32>,
    }
    %scan3A_61 = arith.constant 128 : i32
    %add3A_62 = arith.constant 0 : i32
    %add3A_63 = arith.addi %mul3A_2, %add3A_62 : i32
    %dma_start3A = arith.constant 0 : i32
    %dma_start3A_64 = arith.constant 0 : i32
    %dma_start3A_65 = tpu.memref_slice %arg7[%dma_start3A, %dma_start3A_64] : memref<512x64xf32, #tpu.memory_space<vmem>> -> memref<128x64xf32, #tpu.memory_space<vmem>>
    %dma_start3A_66 = arith.constant 0 : i32
    %dma_start3A_67 = tpu.memref_slice %arg5[%add3A_63, %dma_start3A_66] : memref<16384x64xf32, #tpu.memory_space<hbm>> -> memref<128x64xf32, #tpu.memory_space<hbm>>
    %dma_start3A_68 = arith.constant 0 : i32
    %dma_start3A_69 = tpu.memref_slice %arg5[%add3A_63, %dma_start3A_68] : memref<16384x64xf32, #tpu.memory_space<hbm>> -> memref<128x64xf32, #tpu.memory_space<hbm>>
    %dma_start3A_70 = arith.constant 0 : i32
    %dma_start3A_71 = arith.constant 0 : i32
    %dma_start3A_72 = tpu.memref_slice %arg7[%dma_start3A_70, %dma_start3A_71] : memref<512x64xf32, #tpu.memory_space<vmem>> -> memref<128x64xf32, #tpu.memory_space<vmem>>
    tpu.enqueue_dma source(%dma_start3A_72 : memref<128x64xf32, #tpu.memory_space<vmem>>) target(%dma_start3A_69 : memref<128x64xf32, #tpu.memory_space<hbm>>) target_semaphore(%arg13 : memref<!tpu.dma_semaphore, #tpu.memory_space<semaphore_mem>>)
    %dma_wait3A_73 = arith.constant 128 : i32
    %dma_wait3A_74 = arith.constant 0 : i32
    %dma_wait3A_75 = tpu.memref_slice %arg7[%dma_wait3A_73, %dma_wait3A_74] : memref<512x64xf32, #tpu.memory_space<vmem>> -> memref<128x64xf32, #tpu.memory_space<vmem>>
    %dma_wait3A_76 = arith.constant 0 : i32
    %dma_wait3A_77 = arith.constant 0 : i32
    %dma_wait3A_78 = tpu.memref_slice %arg4[%dma_wait3A_76, %dma_wait3A_77] : memref<1000001x64xf32, #tpu.memory_space<hbm>> -> memref<128x64xf32, #tpu.memory_space<hbm>>
    %dma_wait3A_79 = arith.constant 128 : i32
    %dma_wait3A_80 = arith.constant 0 : i32
    %dma_wait3A_81 = tpu.memref_slice %arg7[%dma_wait3A_79, %dma_wait3A_80] : memref<512x64xf32, #tpu.memory_space<vmem>> -> memref<128x64xf32, #tpu.memory_space<vmem>>
    %dma_wait3A_82 = arith.constant 0 : i32
    %dma_wait3A_83 = arith.constant 0 : i32
    %dma_wait3A_84 = tpu.memref_slice %arg4[%dma_wait3A_82, %dma_wait3A_83] : memref<1000001x64xf32, #tpu.memory_space<hbm>> -> memref<128x64xf32, #tpu.memory_space<hbm>>
    tpu.wait_dma2 semaphore(%arg10 : memref<!tpu.dma_semaphore, #tpu.memory_space<semaphore_mem>>) src(%dma_wait3A_84 : memref<128x64xf32, #tpu.memory_space<hbm>>) dst(%dma_wait3A_81 : memref<128x64xf32, #tpu.memory_space<vmem>>)
    %scan3A_85 = arith.constant 0 : i32
    %scan3A_86 = arith.constant 128 : i32
    %scan3A_87 = arith.constant 128 : i32
    %scan3A_88 = arith.addi %scan3A_86, %scan3A_87 : i32
    %scan3A_89 = arith.constant 1 : i32
    scf.for %scan3A_211 = %scan3A_86 to %scan3A_88 step %scan3A_89  : i32 {
      %get3A_212 = arith.index_cast %scan3A_211 : i32 to index
      %get3A_213 = arith.constant 0 : index
      %get3A_214 = tpu.vector_load %arg7[%get3A_212, %get3A_213] {strides = array<i32>} : memref<512x64xf32, #tpu.memory_space<vmem>>, vector<1x16xf32>,
      %get3A_215 = vector.shape_cast %get3A_214 : vector<1x16xf32> to vector<16xf32>
      %add3A_216 = arith.addf %get3A_215, %get3A_29 : vector<16xf32>
      %swap3A = arith.index_cast %scan3A_211 : i32 to index
      %swap3A_217 = arith.constant 0 : index
      %swap3A_218 = tpu.vector_load %arg7[%swap3A, %swap3A_217] {strides = array<i32>} : memref<512x64xf32, #tpu.memory_space<vmem>>, vector<1x16xf32>,
      %swap3A_219 = vector.shape_cast %swap3A_218 : vector<1x16xf32> to vector<16xf32>
      %swap3A_220 = vector.shape_cast %add3A_216 : vector<16xf32> to vector<1x16xf32>
      tpu.vector_store %arg7[%swap3A, %swap3A_217], %swap3A_220 {strides = array<i32>} : memref<512x64xf32, #tpu.memory_space<vmem>>, vector<1x16xf32>,
      %get3A_221 = arith.index_cast %scan3A_211 : i32 to index
      %get3A_222 = arith.constant 16 : index
      %get3A_223 = tpu.vector_load %arg7[%get3A_221, %get3A_222] {strides = array<i32>} : memref<512x64xf32, #tpu.memory_space<vmem>>, vector<1x16xf32>,
      %get3A_224 = vector.shape_cast %get3A_223 : vector<1x16xf32> to vector<16xf32>
      %add3A_225 = arith.addf %get3A_224, %get3A_34 : vector<16xf32>
      %swap3A_226 = arith.index_cast %scan3A_211 : i32 to index
      %swap3A_227 = arith.constant 16 : index
      %swap3A_228 = tpu.vector_load %arg7[%swap3A_226, %swap3A_227] {strides = array<i32>} : memref<512x64xf32, #tpu.memory_space<vmem>>, vector<1x16xf32>,
      %swap3A_229 = vector.shape_cast %swap3A_228 : vector<1x16xf32> to vector<16xf32>
      %swap3A_230 = vector.shape_cast %add3A_225 : vector<16xf32> to vector<1x16xf32>
      tpu.vector_store %arg7[%swap3A_226, %swap3A_227], %swap3A_230 {strides = array<i32>} : memref<512x64xf32, #tpu.memory_space<vmem>>, vector<1x16xf32>,
      %get3A_231 = arith.index_cast %scan3A_211 : i32 to index
      %get3A_232 = arith.constant 32 : index
      %get3A_233 = tpu.vector_load %arg7[%get3A_231, %get3A_232] {strides = array<i32>} : memref<512x64xf32, #tpu.memory_space<vmem>>, vector<1x16xf32>,
      %get3A_234 = vector.shape_cast %get3A_233 : vector<1x16xf32> to vector<16xf32>
      %add3A_235 = arith.addf %get3A_234, %get3A_39 : vector<16xf32>
      %swap3A_236 = arith.index_cast %scan3A_211 : i32 to index
      %swap3A_237 = arith.constant 32 : index
      %swap3A_238 = tpu.vector_load %arg7[%swap3A_236, %swap3A_237] {strides = array<i32>} : memref<512x64xf32, #tpu.memory_space<vmem>>, vector<1x16xf32>,
      %swap3A_239 = vector.shape_cast %swap3A_238 : vector<1x16xf32> to vector<16xf32>
      %swap3A_240 = vector.shape_cast %add3A_235 : vector<16xf32> to vector<1x16xf32>
      tpu.vector_store %arg7[%swap3A_236, %swap3A_237], %swap3A_240 {strides = array<i32>} : memref<512x64xf32, #tpu.memory_space<vmem>>, vector<1x16xf32>,
      %get3A_241 = arith.index_cast %scan3A_211 : i32 to index
      %get3A_242 = arith.constant 48 : index
      %get3A_243 = tpu.vector_load %arg7[%get3A_241, %get3A_242] {strides = array<i32>} : memref<512x64xf32, #tpu.memory_space<vmem>>, vector<1x16xf32>,
      %get3A_244 = vector.shape_cast %get3A_243 : vector<1x16xf32> to vector<16xf32>
      %add3A_245 = arith.addf %get3A_244, %get3A_44 : vector<16xf32>
      %swap3A_246 = arith.index_cast %scan3A_211 : i32 to index
      %swap3A_247 = arith.constant 48 : index
      %swap3A_248 = tpu.vector_load %arg7[%swap3A_246, %swap3A_247] {strides = array<i32>} : memref<512x64xf32, #tpu.memory_space<vmem>>, vector<1x16xf32>,
      %swap3A_249 = vector.shape_cast %swap3A_248 : vector<1x16xf32> to vector<16xf32>
      %swap3A_250 = vector.shape_cast %add3A_245 : vector<16xf32> to vector<1x16xf32>
      tpu.vector_store %arg7[%swap3A_246, %swap3A_247], %swap3A_250 {strides = array<i32>} : memref<512x64xf32, #tpu.memory_space<vmem>>, vector<1x16xf32>,
    }
    %scan3A_90 = arith.constant 128 : i32
    %add3A_91 = arith.constant 128 : i32
    %add3A_92 = arith.addi %mul3A_2, %add3A_91 : i32
    %dma_start3A_93 = arith.constant 128 : i32
    %dma_start3A_94 = arith.constant 0 : i32
    %dma_start3A_95 = tpu.memref_slice %arg7[%dma_start3A_93, %dma_start3A_94] : memref<512x64xf32, #tpu.memory_space<vmem>> -> memref<128x64xf32, #tpu.memory_space<vmem>>
    %dma_start3A_96 = arith.constant 0 : i32
    %dma_start3A_97 = tpu.memref_slice %arg5[%add3A_92, %dma_start3A_96] : memref<16384x64xf32, #tpu.memory_space<hbm>> -> memref<128x64xf32, #tpu.memory_space<hbm>>
    %dma_start3A_98 = arith.constant 0 : i32
    %dma_start3A_99 = tpu.memref_slice %arg5[%add3A_92, %dma_start3A_98] : memref<16384x64xf32, #tpu.memory_space<hbm>> -> memref<128x64xf32, #tpu.memory_space<hbm>>
    %dma_start3A_100 = arith.constant 128 : i32
    %dma_start3A_101 = arith.constant 0 : i32
    %dma_start3A_102 = tpu.memref_slice %arg7[%dma_start3A_100, %dma_start3A_101] : memref<512x64xf32, #tpu.memory_space<vmem>> -> memref<128x64xf32, #tpu.memory_space<vmem>>
    tpu.enqueue_dma source(%dma_start3A_102 : memref<128x64xf32, #tpu.memory_space<vmem>>) target(%dma_start3A_99 : memref<128x64xf32, #tpu.memory_space<hbm>>) target_semaphore(%arg13 : memref<!tpu.dma_semaphore, #tpu.memory_space<semaphore_mem>>)
    %dma_wait3A_103 = arith.constant 256 : i32
    %dma_wait3A_104 = arith.constant 0 : i32
    %dma_wait3A_105 = tpu.memref_slice %arg7[%dma_wait3A_103, %dma_wait3A_104] : memref<512x64xf32, #tpu.memory_space<vmem>> -> memref<128x64xf32, #tpu.memory_space<vmem>>
    %dma_wait3A_106 = arith.constant 0 : i32
    %dma_wait3A_107 = arith.constant 0 : i32
    %dma_wait3A_108 = tpu.memref_slice %arg4[%dma_wait3A_106, %dma_wait3A_107] : memref<1000001x64xf32, #tpu.memory_space<hbm>> -> memref<128x64xf32, #tpu.memory_space<hbm>>
    %dma_wait3A_109 = arith.constant 256 : i32
    %dma_wait3A_110 = arith.constant 0 : i32
    %dma_wait3A_111 = tpu.memref_slice %arg7[%dma_wait3A_109, %dma_wait3A_110] : memref<512x64xf32, #tpu.memory_space<vmem>> -> memref<128x64xf32, #tpu.memory_space<vmem>>
    %dma_wait3A_112 = arith.constant 0 : i32
    %dma_wait3A_113 = arith.constant 0 : i32
    %dma_wait3A_114 = tpu.memref_slice %arg4[%dma_wait3A_112, %dma_wait3A_113] : memref<1000001x64xf32, #tpu.memory_space<hbm>> -> memref<128x64xf32, #tpu.memory_space<hbm>>
    tpu.wait_dma2 semaphore(%arg11 : memref<!tpu.dma_semaphore, #tpu.memory_space<semaphore_mem>>) src(%dma_wait3A_114 : memref<128x64xf32, #tpu.memory_space<hbm>>) dst(%dma_wait3A_111 : memref<128x64xf32, #tpu.memory_space<vmem>>)
    %scan3A_115 = arith.constant 0 : i32
    %scan3A_116 = arith.constant 256 : i32
    %scan3A_117 = arith.constant 128 : i32
    %scan3A_118 = arith.addi %scan3A_116, %scan3A_117 : i32
    %scan3A_119 = arith.constant 1 : i32
    scf.for %scan3A_211 = %scan3A_116 to %scan3A_118 step %scan3A_119  : i32 {
      %get3A_212 = arith.index_cast %scan3A_211 : i32 to index
      %get3A_213 = arith.constant 0 : index
      %get3A_214 = tpu.vector_load %arg7[%get3A_212, %get3A_213] {strides = array<i32>} : memref<512x64xf32, #tpu.memory_space<vmem>>, vector<1x16xf32>,
      %get3A_215 = vector.shape_cast %get3A_214 : vector<1x16xf32> to vector<16xf32>
      %add3A_216 = arith.addf %get3A_215, %get3A_29 : vector<16xf32>
      %swap3A = arith.index_cast %scan3A_211 : i32 to index
      %swap3A_217 = arith.constant 0 : index
      %swap3A_218 = tpu.vector_load %arg7[%swap3A, %swap3A_217] {strides = array<i32>} : memref<512x64xf32, #tpu.memory_space<vmem>>, vector<1x16xf32>,
      %swap3A_219 = vector.shape_cast %swap3A_218 : vector<1x16xf32> to vector<16xf32>
      %swap3A_220 = vector.shape_cast %add3A_216 : vector<16xf32> to vector<1x16xf32>
      tpu.vector_store %arg7[%swap3A, %swap3A_217], %swap3A_220 {strides = array<i32>} : memref<512x64xf32, #tpu.memory_space<vmem>>, vector<1x16xf32>,
      %get3A_221 = arith.index_cast %scan3A_211 : i32 to index
      %get3A_222 = arith.constant 16 : index
      %get3A_223 = tpu.vector_load %arg7[%get3A_221, %get3A_222] {strides = array<i32>} : memref<512x64xf32, #tpu.memory_space<vmem>>, vector<1x16xf32>,
      %get3A_224 = vector.shape_cast %get3A_223 : vector<1x16xf32> to vector<16xf32>
      %add3A_225 = arith.addf %get3A_224, %get3A_34 : vector<16xf32>
      %swap3A_226 = arith.index_cast %scan3A_211 : i32 to index
      %swap3A_227 = arith.constant 16 : index
      %swap3A_228 = tpu.vector_load %arg7[%swap3A_226, %swap3A_227] {strides = array<i32>} : memref<512x64xf32, #tpu.memory_space<vmem>>, vector<1x16xf32>,
      %swap3A_229 = vector.shape_cast %swap3A_228 : vector<1x16xf32> to vector<16xf32>
      %swap3A_230 = vector.shape_cast %add3A_225 : vector<16xf32> to vector<1x16xf32>
      tpu.vector_store %arg7[%swap3A_226, %swap3A_227], %swap3A_230 {strides = array<i32>} : memref<512x64xf32, #tpu.memory_space<vmem>>, vector<1x16xf32>,
      %get3A_231 = arith.index_cast %scan3A_211 : i32 to index
      %get3A_232 = arith.constant 32 : index
      %get3A_233 = tpu.vector_load %arg7[%get3A_231, %get3A_232] {strides = array<i32>} : memref<512x64xf32, #tpu.memory_space<vmem>>, vector<1x16xf32>,
      %get3A_234 = vector.shape_cast %get3A_233 : vector<1x16xf32> to vector<16xf32>
      %add3A_235 = arith.addf %get3A_234, %get3A_39 : vector<16xf32>
      %swap3A_236 = arith.index_cast %scan3A_211 : i32 to index
      %swap3A_237 = arith.constant 32 : index
      %swap3A_238 = tpu.vector_load %arg7[%swap3A_236, %swap3A_237] {strides = array<i32>} : memref<512x64xf32, #tpu.memory_space<vmem>>, vector<1x16xf32>,
      %swap3A_239 = vector.shape_cast %swap3A_238 : vector<1x16xf32> to vector<16xf32>
      %swap3A_240 = vector.shape_cast %add3A_235 : vector<16xf32> to vector<1x16xf32>
      tpu.vector_store %arg7[%swap3A_236, %swap3A_237], %swap3A_240 {strides = array<i32>} : memref<512x64xf32, #tpu.memory_space<vmem>>, vector<1x16xf32>,
      %get3A_241 = arith.index_cast %scan3A_211 : i32 to index
      %get3A_242 = arith.constant 48 : index
      %get3A_243 = tpu.vector_load %arg7[%get3A_241, %get3A_242] {strides = array<i32>} : memref<512x64xf32, #tpu.memory_space<vmem>>, vector<1x16xf32>,
      %get3A_244 = vector.shape_cast %get3A_243 : vector<1x16xf32> to vector<16xf32>
      %add3A_245 = arith.addf %get3A_244, %get3A_44 : vector<16xf32>
      %swap3A_246 = arith.index_cast %scan3A_211 : i32 to index
      %swap3A_247 = arith.constant 48 : index
      %swap3A_248 = tpu.vector_load %arg7[%swap3A_246, %swap3A_247] {strides = array<i32>} : memref<512x64xf32, #tpu.memory_space<vmem>>, vector<1x16xf32>,
      %swap3A_249 = vector.shape_cast %swap3A_248 : vector<1x16xf32> to vector<16xf32>
      %swap3A_250 = vector.shape_cast %add3A_245 : vector<16xf32> to vector<1x16xf32>
      tpu.vector_store %arg7[%swap3A_246, %swap3A_247], %swap3A_250 {strides = array<i32>} : memref<512x64xf32, #tpu.memory_space<vmem>>, vector<1x16xf32>,
    }
    %scan3A_120 = arith.constant 128 : i32
    %add3A_121 = arith.constant 256 : i32
    %add3A_122 = arith.addi %mul3A_2, %add3A_121 : i32
    %dma_start3A_123 = arith.constant 256 : i32
    %dma_start3A_124 = arith.constant 0 : i32
    %dma_start3A_125 = tpu.memref_slice %arg7[%dma_start3A_123, %dma_start3A_124] : memref<512x64xf32, #tpu.memory_space<vmem>> -> memref<128x64xf32, #tpu.memory_space<vmem>>
    %dma_start3A_126 = arith.constant 0 : i32
    %dma_start3A_127 = tpu.memref_slice %arg5[%add3A_122, %dma_start3A_126] : memref<16384x64xf32, #tpu.memory_space<hbm>> -> memref<128x64xf32, #tpu.memory_space<hbm>>
    %dma_start3A_128 = arith.constant 0 : i32
    %dma_start3A_129 = tpu.memref_slice %arg5[%add3A_122, %dma_start3A_128] : memref<16384x64xf32, #tpu.memory_space<hbm>> -> memref<128x64xf32, #tpu.memory_space<hbm>>
    %dma_start3A_130 = arith.constant 256 : i32
    %dma_start3A_131 = arith.constant 0 : i32
    %dma_start3A_132 = tpu.memref_slice %arg7[%dma_start3A_130, %dma_start3A_131] : memref<512x64xf32, #tpu.memory_space<vmem>> -> memref<128x64xf32, #tpu.memory_space<vmem>>
    tpu.enqueue_dma source(%dma_start3A_132 : memref<128x64xf32, #tpu.memory_space<vmem>>) target(%dma_start3A_129 : memref<128x64xf32, #tpu.memory_space<hbm>>) target_semaphore(%arg13 : memref<!tpu.dma_semaphore, #tpu.memory_space<semaphore_mem>>)
    %dma_wait3A_133 = arith.constant 384 : i32
    %dma_wait3A_134 = arith.constant 0 : i32
    %dma_wait3A_135 = tpu.memref_slice %arg7[%dma_wait3A_133, %dma_wait3A_134] : memref<512x64xf32, #tpu.memory_space<vmem>> -> memref<128x64xf32, #tpu.memory_space<vmem>>
    %dma_wait3A_136 = arith.constant 0 : i32
    %dma_wait3A_137 = arith.constant 0 : i32
    %dma_wait3A_138 = tpu.memref_slice %arg4[%dma_wait3A_136, %dma_wait3A_137] : memref<1000001x64xf32, #tpu.memory_space<hbm>> -> memref<128x64xf32, #tpu.memory_space<hbm>>
    %dma_wait3A_139 = arith.constant 384 : i32
    %dma_wait3A_140 = arith.constant 0 : i32
    %dma_wait3A_141 = tpu.memref_slice %arg7[%dma_wait3A_139, %dma_wait3A_140] : memref<512x64xf32, #tpu.memory_space<vmem>> -> memref<128x64xf32, #tpu.memory_space<vmem>>
    %dma_wait3A_142 = arith.constant 0 : i32
    %dma_wait3A_143 = arith.constant 0 : i32
    %dma_wait3A_144 = tpu.memref_slice %arg4[%dma_wait3A_142, %dma_wait3A_143] : memref<1000001x64xf32, #tpu.memory_space<hbm>> -> memref<128x64xf32, #tpu.memory_space<hbm>>
    tpu.wait_dma2 semaphore(%arg12 : memref<!tpu.dma_semaphore, #tpu.memory_space<semaphore_mem>>) src(%dma_wait3A_144 : memref<128x64xf32, #tpu.memory_space<hbm>>) dst(%dma_wait3A_141 : memref<128x64xf32, #tpu.memory_space<vmem>>)
    %scan3A_145 = arith.constant 0 : i32
    %scan3A_146 = arith.constant 384 : i32
    %scan3A_147 = arith.constant 128 : i32
    %scan3A_148 = arith.addi %scan3A_146, %scan3A_147 : i32
    %scan3A_149 = arith.constant 1 : i32
    scf.for %scan3A_211 = %scan3A_146 to %scan3A_148 step %scan3A_149  : i32 {
      %get3A_212 = arith.index_cast %scan3A_211 : i32 to index
      %get3A_213 = arith.constant 0 : index
      %get3A_214 = tpu.vector_load %arg7[%get3A_212, %get3A_213] {strides = array<i32>} : memref<512x64xf32, #tpu.memory_space<vmem>>, vector<1x16xf32>,
      %get3A_215 = vector.shape_cast %get3A_214 : vector<1x16xf32> to vector<16xf32>
      %add3A_216 = arith.addf %get3A_215, %get3A_29 : vector<16xf32>
      %swap3A = arith.index_cast %scan3A_211 : i32 to index
      %swap3A_217 = arith.constant 0 : index
      %swap3A_218 = tpu.vector_load %arg7[%swap3A, %swap3A_217] {strides = array<i32>} : memref<512x64xf32, #tpu.memory_space<vmem>>, vector<1x16xf32>,
      %swap3A_219 = vector.shape_cast %swap3A_218 : vector<1x16xf32> to vector<16xf32>
      %swap3A_220 = vector.shape_cast %add3A_216 : vector<16xf32> to vector<1x16xf32>
      tpu.vector_store %arg7[%swap3A, %swap3A_217], %swap3A_220 {strides = array<i32>} : memref<512x64xf32, #tpu.memory_space<vmem>>, vector<1x16xf32>,
      %get3A_221 = arith.index_cast %scan3A_211 : i32 to index
      %get3A_222 = arith.constant 16 : index
      %get3A_223 = tpu.vector_load %arg7[%get3A_221, %get3A_222] {strides = array<i32>} : memref<512x64xf32, #tpu.memory_space<vmem>>, vector<1x16xf32>,
      %get3A_224 = vector.shape_cast %get3A_223 : vector<1x16xf32> to vector<16xf32>
      %add3A_225 = arith.addf %get3A_224, %get3A_34 : vector<16xf32>
      %swap3A_226 = arith.index_cast %scan3A_211 : i32 to index
      %swap3A_227 = arith.constant 16 : index
      %swap3A_228 = tpu.vector_load %arg7[%swap3A_226, %swap3A_227] {strides = array<i32>} : memref<512x64xf32, #tpu.memory_space<vmem>>, vector<1x16xf32>,
      %swap3A_229 = vector.shape_cast %swap3A_228 : vector<1x16xf32> to vector<16xf32>
      %swap3A_230 = vector.shape_cast %add3A_225 : vector<16xf32> to vector<1x16xf32>
      tpu.vector_store %arg7[%swap3A_226, %swap3A_227], %swap3A_230 {strides = array<i32>} : memref<512x64xf32, #tpu.memory_space<vmem>>, vector<1x16xf32>,
      %get3A_231 = arith.index_cast %scan3A_211 : i32 to index
      %get3A_232 = arith.constant 32 : index
      %get3A_233 = tpu.vector_load %arg7[%get3A_231, %get3A_232] {strides = array<i32>} : memref<512x64xf32, #tpu.memory_space<vmem>>, vector<1x16xf32>,
      %get3A_234 = vector.shape_cast %get3A_233 : vector<1x16xf32> to vector<16xf32>
      %add3A_235 = arith.addf %get3A_234, %get3A_39 : vector<16xf32>
      %swap3A_236 = arith.index_cast %scan3A_211 : i32 to index
      %swap3A_237 = arith.constant 32 : index
      %swap3A_238 = tpu.vector_load %arg7[%swap3A_236, %swap3A_237] {strides = array<i32>} : memref<512x64xf32, #tpu.memory_space<vmem>>, vector<1x16xf32>,
      %swap3A_239 = vector.shape_cast %swap3A_238 : vector<1x16xf32> to vector<16xf32>
      %swap3A_240 = vector.shape_cast %add3A_235 : vector<16xf32> to vector<1x16xf32>
      tpu.vector_store %arg7[%swap3A_236, %swap3A_237], %swap3A_240 {strides = array<i32>} : memref<512x64xf32, #tpu.memory_space<vmem>>, vector<1x16xf32>,
      %get3A_241 = arith.index_cast %scan3A_211 : i32 to index
      %get3A_242 = arith.constant 48 : index
      %get3A_243 = tpu.vector_load %arg7[%get3A_241, %get3A_242] {strides = array<i32>} : memref<512x64xf32, #tpu.memory_space<vmem>>, vector<1x16xf32>,
      %get3A_244 = vector.shape_cast %get3A_243 : vector<1x16xf32> to vector<16xf32>
      %add3A_245 = arith.addf %get3A_244, %get3A_44 : vector<16xf32>
      %swap3A_246 = arith.index_cast %scan3A_211 : i32 to index
      %swap3A_247 = arith.constant 48 : index
      %swap3A_248 = tpu.vector_load %arg7[%swap3A_246, %swap3A_247] {strides = array<i32>} : memref<512x64xf32, #tpu.memory_space<vmem>>, vector<1x16xf32>,
      %swap3A_249 = vector.shape_cast %swap3A_248 : vector<1x16xf32> to vector<16xf32>
      %swap3A_250 = vector.shape_cast %add3A_245 : vector<16xf32> to vector<1x16xf32>
      tpu.vector_store %arg7[%swap3A_246, %swap3A_247], %swap3A_250 {strides = array<i32>} : memref<512x64xf32, #tpu.memory_space<vmem>>, vector<1x16xf32>,
    }
    %scan3A_150 = arith.constant 128 : i32
    %add3A_151 = arith.constant 384 : i32
    %add3A_152 = arith.addi %mul3A_2, %add3A_151 : i32
    %dma_start3A_153 = arith.constant 384 : i32
    %dma_start3A_154 = arith.constant 0 : i32
    %dma_start3A_155 = tpu.memref_slice %arg7[%dma_start3A_153, %dma_start3A_154] : memref<512x64xf32, #tpu.memory_space<vmem>> -> memref<128x64xf32, #tpu.memory_space<vmem>>
    %dma_start3A_156 = arith.constant 0 : i32
    %dma_start3A_157 = tpu.memref_slice %arg5[%add3A_152, %dma_start3A_156] : memref<16384x64xf32, #tpu.memory_space<hbm>> -> memref<128x64xf32, #tpu.memory_space<hbm>>
    %dma_start3A_158 = arith.constant 0 : i32
    %dma_start3A_159 = tpu.memref_slice %arg5[%add3A_152, %dma_start3A_158] : memref<16384x64xf32, #tpu.memory_space<hbm>> -> memref<128x64xf32, #tpu.memory_space<hbm>>
    %dma_start3A_160 = arith.constant 384 : i32
    %dma_start3A_161 = arith.constant 0 : i32
    %dma_start3A_162 = tpu.memref_slice %arg7[%dma_start3A_160, %dma_start3A_161] : memref<512x64xf32, #tpu.memory_space<vmem>> -> memref<128x64xf32, #tpu.memory_space<vmem>>
    tpu.enqueue_dma source(%dma_start3A_162 : memref<128x64xf32, #tpu.memory_space<vmem>>) target(%dma_start3A_159 : memref<128x64xf32, #tpu.memory_space<hbm>>) target_semaphore(%arg13 : memref<!tpu.dma_semaphore, #tpu.memory_space<semaphore_mem>>)
    %add3A_163 = arith.constant 0 : i32
    %add3A_164 = arith.addi %mul3A_2, %add3A_163 : i32
    %dma_wait3A_165 = arith.constant 0 : i32
    %dma_wait3A_166 = arith.constant 0 : i32
    %dma_wait3A_167 = tpu.memref_slice %arg7[%dma_wait3A_165, %dma_wait3A_166] : memref<512x64xf32, #tpu.memory_space<vmem>> -> memref<128x64xf32, #tpu.memory_space<vmem>>
    %dma_wait3A_168 = arith.constant 0 : i32
    %dma_wait3A_169 = tpu.memref_slice %arg5[%add3A_164, %dma_wait3A_168] : memref<16384x64xf32, #tpu.memory_space<hbm>> -> memref<128x64xf32, #tpu.memory_space<hbm>>
    %dma_wait3A_170 = arith.constant 0 : i32
    %dma_wait3A_171 = tpu.memref_slice %arg5[%add3A_164, %dma_wait3A_170] : memref<16384x64xf32, #tpu.memory_space<hbm>> -> memref<128x64xf32, #tpu.memory_space<hbm>>
    %dma_wait3A_172 = arith.constant 0 : i32
    %dma_wait3A_173 = arith.constant 0 : i32
    %dma_wait3A_174 = tpu.memref_slice %arg7[%dma_wait3A_172, %dma_wait3A_173] : memref<512x64xf32, #tpu.memory_space<vmem>> -> memref<128x64xf32, #tpu.memory_space<vmem>>
    tpu.wait_dma2 semaphore(%arg13 : memref<!tpu.dma_semaphore, #tpu.memory_space<semaphore_mem>>) src(%dma_wait3A_174 : memref<128x64xf32, #tpu.memory_space<vmem>>) dst(%dma_wait3A_171 : memref<128x64xf32, #tpu.memory_space<hbm>>)
    %add3A_175 = arith.constant 128 : i32
    %add3A_176 = arith.addi %mul3A_2, %add3A_175 : i32
    %dma_wait3A_177 = arith.constant 128 : i32
    %dma_wait3A_178 = arith.constant 0 : i32
    %dma_wait3A_179 = tpu.memref_slice %arg7[%dma_wait3A_177, %dma_wait3A_178] : memref<512x64xf32, #tpu.memory_space<vmem>> -> memref<128x64xf32, #tpu.memory_space<vmem>>
    %dma_wait3A_180 = arith.constant 0 : i32
    %dma_wait3A_181 = tpu.memref_slice %arg5[%add3A_176, %dma_wait3A_180] : memref<16384x64xf32, #tpu.memory_space<hbm>> -> memref<128x64xf32, #tpu.memory_space<hbm>>
    %dma_wait3A_182 = arith.constant 0 : i32
    %dma_wait3A_183 = tpu.memref_slice %arg5[%add3A_176, %dma_wait3A_182] : memref<16384x64xf32, #tpu.memory_space<hbm>> -> memref<128x64xf32, #tpu.memory_space<hbm>>
    %dma_wait3A_184 = arith.constant 128 : i32
    %dma_wait3A_185 = arith.constant 0 : i32
    %dma_wait3A_186 = tpu.memref_slice %arg7[%dma_wait3A_184, %dma_wait3A_185] : memref<512x64xf32, #tpu.memory_space<vmem>> -> memref<128x64xf32, #tpu.memory_space<vmem>>
    tpu.wait_dma2 semaphore(%arg13 : memref<!tpu.dma_semaphore, #tpu.memory_space<semaphore_mem>>) src(%dma_wait3A_186 : memref<128x64xf32, #tpu.memory_space<vmem>>) dst(%dma_wait3A_183 : memref<128x64xf32, #tpu.memory_space<hbm>>)
    %add3A_187 = arith.constant 256 : i32
    %add3A_188 = arith.addi %mul3A_2, %add3A_187 : i32
    %dma_wait3A_189 = arith.constant 256 : i32
    %dma_wait3A_190 = arith.constant 0 : i32
    %dma_wait3A_191 = tpu.memref_slice %arg7[%dma_wait3A_189, %dma_wait3A_190] : memref<512x64xf32, #tpu.memory_space<vmem>> -> memref<128x64xf32, #tpu.memory_space<vmem>>
    %dma_wait3A_192 = arith.constant 0 : i32
    %dma_wait3A_193 = tpu.memref_slice %arg5[%add3A_188, %dma_wait3A_192] : memref<16384x64xf32, #tpu.memory_space<hbm>> -> memref<128x64xf32, #tpu.memory_space<hbm>>
    %dma_wait3A_194 = arith.constant 0 : i32
    %dma_wait3A_195 = tpu.memref_slice %arg5[%add3A_188, %dma_wait3A_194] : memref<16384x64xf32, #tpu.memory_space<hbm>> -> memref<128x64xf32, #tpu.memory_space<hbm>>
    %dma_wait3A_196 = arith.constant 256 : i32
    %dma_wait3A_197 = arith.constant 0 : i32
    %dma_wait3A_198 = tpu.memref_slice %arg7[%dma_wait3A_196, %dma_wait3A_197] : memref<512x64xf32, #tpu.memory_space<vmem>> -> memref<128x64xf32, #tpu.memory_space<vmem>>
    tpu.wait_dma2 semaphore(%arg13 : memref<!tpu.dma_semaphore, #tpu.memory_space<semaphore_mem>>) src(%dma_wait3A_198 : memref<128x64xf32, #tpu.memory_space<vmem>>) dst(%dma_wait3A_195 : memref<128x64xf32, #tpu.memory_space<hbm>>)
    %add3A_199 = arith.constant 384 : i32
    %add3A_200 = arith.addi %mul3A_2, %add3A_199 : i32
    %dma_wait3A_201 = arith.constant 384 : i32
    %dma_wait3A_202 = arith.constant 0 : i32
    %dma_wait3A_203 = tpu.memref_slice %arg7[%dma_wait3A_201, %dma_wait3A_202] : memref<512x64xf32, #tpu.memory_space<vmem>> -> memref<128x64xf32, #tpu.memory_space<vmem>>
    %dma_wait3A_204 = arith.constant 0 : i32
    %dma_wait3A_205 = tpu.memref_slice %arg5[%add3A_200, %dma_wait3A_204] : memref<16384x64xf32, #tpu.memory_space<hbm>> -> memref<128x64xf32, #tpu.memory_space<hbm>>
    %dma_wait3A_206 = arith.constant 0 : i32
    %dma_wait3A_207 = tpu.memref_slice %arg5[%add3A_200, %dma_wait3A_206] : memref<16384x64xf32, #tpu.memory_space<hbm>> -> memref<128x64xf32, #tpu.memory_space<hbm>>
    %dma_wait3A_208 = arith.constant 384 : i32
    %dma_wait3A_209 = arith.constant 0 : i32
    %dma_wait3A_210 = tpu.memref_slice %arg7[%dma_wait3A_208, %dma_wait3A_209] : memref<512x64xf32, #tpu.memory_space<vmem>> -> memref<128x64xf32, #tpu.memory_space<vmem>>
    tpu.wait_dma2 semaphore(%arg13 : memref<!tpu.dma_semaphore, #tpu.memory_space<semaphore_mem>>) src(%dma_wait3A_210 : memref<128x64xf32, #tpu.memory_space<vmem>>) dst(%dma_wait3A_207 : memref<128x64xf32, #tpu.memory_space<hbm>>)
    return
  }
}

module attributes {stable_mosaic.version = 14 : i64} {
  func.func @_bias_body(%arg0: memref<1xf32, #tpu.memory_space<smem>>, %arg1: memref<1xf32, #tpu.memory_space<smem>>, %arg2: memref<1x64xf32, #tpu.memory_space<vmem>>, %arg3: memref<1x64xf32, #tpu.memory_space<vmem>>, %arg4: memref<1x64xf32, #tpu.memory_space<vmem>>) attributes {dimension_semantics = [], scalar_prefetch = 0 : i64, scratch_operands = 0 : i64, tpu.core_type = #tpu.core_type<tc>} {
    %get3A = arith.constant 0 : index
    %get3A_0 = memref.load %arg0[%get3A] : memref<1xf32, #tpu.memory_space<smem>>
    %get3A_1 = arith.constant 0 : index
    %get3A_2 = memref.load %arg1[%get3A_1] : memref<1xf32, #tpu.memory_space<smem>>
    %iota3A = tpu.iota {dimensions = array<i32: 1>} : vector<1x64xi32>
    %jit3A = arith.constant 2 : i32
    %div3A = vector.broadcast %jit3A : i32 to vector<1x64xi32>
    %div3A_3 = arith.divsi %iota3A, %div3A : vector<1x64xi32>
    %sign3A = arith.constant 0 : i32
    %sign3A_4 = vector.broadcast %sign3A : i32 to vector<1x64xi32>
    %sign3A_5 = arith.cmpi sgt, %iota3A, %sign3A_4 : vector<1x64xi32>
    %sign3A_6 = arith.extui %sign3A_5 : vector<1x64xi1> to vector<1x64xi32>
    %sign3A_7 = arith.constant 0 : i32
    %sign3A_8 = vector.broadcast %sign3A_7 : i32 to vector<1x64xi32>
    %sign3A_9 = arith.cmpi slt, %iota3A, %sign3A_8 : vector<1x64xi32>
    %sign3A_10 = arith.extui %sign3A_9 : vector<1x64xi1> to vector<1x64xi32>
    %sign3A_11 = arith.subi %sign3A_6, %sign3A_10 : vector<1x64xi32>
    %sign3A_12 = arith.constant 0 : i32
    %sign3A_13 = arith.cmpi sgt, %jit3A, %sign3A_12 : i32
    %sign3A_14 = arith.extui %sign3A_13 : i1 to i32
    %sign3A_15 = arith.constant 0 : i32
    %sign3A_16 = arith.cmpi slt, %jit3A, %sign3A_15 : i32
    %sign3A_17 = arith.extui %sign3A_16 : i1 to i32
    %sign3A_18 = arith.subi %sign3A_14, %sign3A_17 : i32
    %ne3A = vector.broadcast %sign3A_18 : i32 to vector<1x64xi32>
    %ne3A_19 = arith.cmpi ne, %sign3A_11, %ne3A : vector<1x64xi32>
    %rem3A = vector.broadcast %jit3A : i32 to vector<1x64xi32>
    %rem3A_20 = arith.remsi %iota3A, %rem3A : vector<1x64xi32>
    %ne3A_21 = arith.constant 0 : i32
    %ne3A_22 = vector.broadcast %ne3A_21 : i32 to vector<1x64xi32>
    %ne3A_23 = arith.cmpi ne, %rem3A_20, %ne3A_22 : vector<1x64xi32>
    %and3A = arith.andi %ne3A_19, %ne3A_23 : vector<1x64xi1>
    %sub3A = arith.constant 1 : i32
    %sub3A_24 = vector.broadcast %sub3A : i32 to vector<1x64xi32>
    %sub3A_25 = arith.subi %div3A_3, %sub3A_24 : vector<1x64xi32>
    %select_n3A = arith.select %and3A, %sub3A_25, %div3A_3 : vector<1x64xi1>, vector<1x64xi32>
    %mul3A = arith.constant 2 : i32
    %mul3A_26 = vector.broadcast %mul3A : i32 to vector<1x64xi32>
    %mul3A_27 = arith.muli %select_n3A, %mul3A_26 : vector<1x64xi32>
    %convert_element_type3A = arith.sitofp %mul3A_27 : vector<1x64xi32> to vector<1x64xf32>
    %mul3A_28 = arith.constant -0.14391157 : f32
    %mul3A_29 = vector.broadcast %mul3A_28 : f32 to vector<1x64xf32>
    %mul3A_30 = arith.mulf %convert_element_type3A, %mul3A_29 : vector<1x64xf32>
    %exp3A = math.exp %mul3A_30 : vector<1x64xf32>
    %mul3A_31 = vector.broadcast %get3A_0 : f32 to vector<1x64xf32>
    %mul3A_32 = arith.mulf %mul3A_31, %exp3A : vector<1x64xf32>
    %jit3A_33 = arith.constant 2 : i32
    %eq3A = arith.constant 0 : i32
    %eq3A_34 = arith.cmpi eq, %jit3A_33, %eq3A : i32
    %jit3A_35 = arith.constant 1 : i32
    %select_n3A_36 = arith.select %eq3A_34, %jit3A_35, %jit3A_33 : i32
    %rem3A_37 = vector.broadcast %select_n3A_36 : i32 to vector<1x64xi32>
    %rem3A_38 = arith.remsi %iota3A, %rem3A_37 : vector<1x64xi32>
    %ne3A_39 = arith.constant 0 : i32
    %ne3A_40 = vector.broadcast %ne3A_39 : i32 to vector<1x64xi32>
    %ne3A_41 = arith.cmpi ne, %rem3A_38, %ne3A_40 : vector<1x64xi32>
    %lt3A = arith.constant 0 : i32
    %lt3A_42 = vector.broadcast %lt3A : i32 to vector<1x64xi32>
    %lt3A_43 = arith.cmpi slt, %rem3A_38, %lt3A_42 : vector<1x64xi32>
    %lt3A_44 = arith.constant 0 : i32
    %lt3A_45 = arith.cmpi slt, %select_n3A_36, %lt3A_44 : i32
    %ne3A_46 = vector.broadcast %lt3A_45 : i1 to vector<1x64xi1>
    %ne3A_47 = vector.broadcast %ne3A_46 : vector<1x64xi1> to vector<1x64xi1>
    %ne3A_48 = arith.xori %lt3A_43, %ne3A_47 : vector<1x64xi1>
    %and3A_49 = arith.andi %ne3A_48, %ne3A_41 : vector<1x64xi1>
    %add3A = vector.broadcast %select_n3A_36 : i32 to vector<1x64xi32>
    %add3A_50 = arith.addi %rem3A_38, %add3A : vector<1x64xi32>
    %select_n3A_51 = arith.select %and3A_49, %add3A_50, %rem3A_38 : vector<1x64xi1>, vector<1x64xi32>
    %eq3A_52 = arith.constant 0 : i32
    %eq3A_53 = vector.broadcast %eq3A_52 : i32 to vector<1x64xi32>
    %eq3A_54 = arith.cmpi eq, %select_n3A_51, %eq3A_53 : vector<1x64xi32>
    %sin3A = math.sin %mul3A_32 : vector<1x64xf32>
    %cos3A = math.cos %mul3A_32 : vector<1x64xf32>
    %select_n3A_55 = arith.select %eq3A_54, %sin3A, %cos3A : vector<1x64xi1>, vector<1x64xf32>
    %get3A_56 = arith.constant 0 : index
    %get3A_57 = arith.constant 0 : index
    %get3A_58 = vector.load %arg2[%get3A_56, %get3A_57] : memref<1x64xf32, #tpu.memory_space<vmem>>, vector<1x64xf32>
    %mul3A_59 = vector.broadcast %get3A_2 : f32 to vector<1x64xf32>
    %mul3A_60 = arith.mulf %mul3A_59, %get3A_58 : vector<1x64xf32>
    %add3A_61 = arith.addf %select_n3A_55, %mul3A_60 : vector<1x64xf32>
    %get3A_62 = arith.constant 0 : index
    %get3A_63 = arith.constant 0 : index
    %get3A_64 = vector.load %arg3[%get3A_62, %get3A_63] : memref<1x64xf32, #tpu.memory_space<vmem>>, vector<1x64xf32>
    %add3A_65 = arith.addf %add3A_61, %get3A_64 : vector<1x64xf32>
    %swap3A = arith.constant 0 : index
    %swap3A_66 = arith.constant 0 : index
    %swap3A_67 = vector.load %arg4[%swap3A, %swap3A_66] : memref<1x64xf32, #tpu.memory_space<vmem>>, vector<1x64xf32>
    tpu.vector_store %arg4[%swap3A, %swap3A_66], %add3A_65 {strides = array<i32>} : memref<1x64xf32, #tpu.memory_space<vmem>>, vector<1x64xf32>,
    return
  }
}

</mosaic_0001>

<sc_bundles>
// kernel: kernel.4.cloned.1.call-start
scs
__scs_entry_jumppad:
0x0: {  	(pc) =	sbr.rel $0x88, $3  }
0x1: {  	(tag) =	ssettag $0x0;
	lr =	simm.s32 $0x1  }
0x2: {  	[smem:$0x3F9B] =	sst lr;
	_ =	strace $0xD0000000  }
0x3: {  	_ = 	snop  }
0x4: {  	_ = 	snop  }
0x5: {  	_ = 	snop  }
0x6: {  	_ = 	snop  }
0x7: {  	_ = 	snop  }
__scs_overlays_trampoline_lowered:
0x8: {  	[smem:$0x3FAA] =	sst s0  }
0x9: {  	[smem:$0x3FAB] =	sst s1  }
0xa: {  	[smem:$0x3FAC] =	sst s2  }
0xb: {  	[smem:$0x3FAD] =	sst s3  }
0xc: {  	[smem:$0x3FAE] =	sst s4  }
0xd: {  	[smem:$0x3FAF] =	sst s5  }
0xe: {  	[smem:$0x3FB0] =	sst s6  }
0xf: {  	[smem:$0x3FB1] =	sst s7  }
0x10: {  	[smem:$0x3FB2] =	sst s8  }
0x11: {  	[smem:$0x3FB3] =	sst s9;
	s0 =	simm.s32 @!p0 $0x0  }
0x12: {  	s1 =	sld [smem:$0x3F99];
	s0 =	simm.s32 @p0 $0x1  }
0x13: {  	[smem:$0x3FB4] =	sst s0;
	s0 =	simm.s32 @!p1 $0x0  }
0x14: {  	s2 =	sld [smem:$0x3F98];
	s0 =	simm.s32 @p1 $0x1  }
0x15: {  	[smem:$0x3FB5] =	sst s0;
	s0 =	simm.s32 @!p2 $0x0  }
0x16: {  	s3 =	sld [smem:$0x3FDB];
	s0 =	simm.s32 @p2 $0x1  }
0x17: {  	s4 =	simm.s32 $0x1BF5;
	[smem:$0x3FB7] =	sst s0  }
0x18: {  	s0 =	sld [smem:$0x3F9A];
	_ =	swait.ge [sflag:s4], $0x0  }
0x19: {  	s7 =	sld [smem:$0x3F9B]  }
0x1a: {  	s8 =	sadd.s32 $0xFFFFE003, lr  }
0x1b: {  	s9 =	sadd.s32 $0xFFFFFEF7, lr;
	s5 =	simm.s32 $0xFFFFFFFF;
	p2 =	slt.u32 s8, $0xFFFFF086  }
0x1c: {  	p1 =	slt.u32 s9, $0xF7A;
	s5 =	simm.s32 @!p2 $0x0  }
0x1d: {  	s5 =	simm.s32 @p1 $0x1;
	p0 =	seq.s32 s7, s2  }
0x1e: {  	s7 =	smul.u32 @!p0 $0xF7A, s2;
	p2 =	seq.s32 @!p0 s5, $0x0  }
0x1f: {  	s9 =	smul.u32 $0xF7A, s1;
	s8 =	simm.s32 @!p0 $0x1BF5;
	p2 =	por !p2, p0  }
0x20: {  	[sflag:s8] =	ssyncset.s32 @!p0 $0xFFFFF086;
	s6 =	sadd.s32 @!p0 s3, s7;
	s7 =	simm.s32 @!p0 $0x108  }
0x21: {  	s3 =	sadd.s32 s3, s9;
	s6 =	sadd.s32 @!p0 $0x88, s6;
	s7 =	simm.s32 @p2 $0x1082  }
0x22: {  	[simem:s7], [sflag:s8] =	dma.local @!p0 [hbm:s6], $0xF7A  }
0x23: {  	s9 =	sor.u32 $0xD0000000, s2;
	s6 =	simm.s32 $0x108;
	_ =	swait.ge @!p0 [sflag:s8], $0x0  }
0x24: {  	s3 =	sadd.s32 $0x88, s3;
	s6 =	simm.s32 @!p1 $0x1082;
	[sflag:s4] =	ssyncset.s32 $0xFFFFF086  }
0x25: {  	[simem:s6], [sflag:s4] =	dma.local [hbm:s3], $0xF7A  }
0x26: {  	[smem:$0x3F9B] =	sst s1;
	(tag) =	ssettag s2;
	_ =	strace s9  }
0x27: {  	s1 =	sld [smem:$0x3FAB]  }
0x28: {  	s2 =	sld [smem:$0x3FAC]  }
0x29: {  	s4 =	sld [smem:$0x3FAE]  }
0x2a: {  	p0 =	seq.s32 s5, $0x0;
	s5 =	sld [smem:$0x3FAF]  }
0x2b: {  	s6 =	sld [smem:$0x3FB0]  }
0x2c: {  	s7 =	sld [smem:$0x3FB1]  }
0x2d: {  	s3 =	simm.s32 $0x108;
	s8 =	sld [smem:$0x3FB2]  }
0x2e: {  	s3 =	simm.s32 @!p0 $0x1082;
	s9 =	sld [smem:$0x3FB3]  }
0x2f: {  	lr =	sadd.s32 s0, s3;
	s0 =	sld [smem:$0x3FAA]  }
0x30: {  	s3 =	sld [smem:$0x3FAD]  }
0x31: {  	[smem:$0x3FB6] =	sst s10  }
0x32: {  	s10 =	sld [smem:$0x3FB4];
	_ =	sdelay $0x3  }
0x33: {  	p0 =	seq.s32 s10, $0x1;
	s10 =	sld [smem:$0x3FB6];
	_ =	sdelay $0x3  }
0x34: {  	[smem:$0x3FB6] =	sst s10  }
0x35: {  	s10 =	sld [smem:$0x3FB5];
	_ =	sdelay $0x3  }
0x36: {  	p1 =	seq.s32 s10, $0x1;
	s10 =	sld [smem:$0x3FB6];
	_ =	sdelay $0x3  }
0x37: {  	[smem:$0x3FB6] =	sst s10  }
0x38: {  	s10 =	sld [smem:$0x3FB7]  }
0x39: {  	_ = 	snop;
	(pc) =	sbr.ind lr, $3  }
0x3a: {  	_ = 	snop  }
0x3b: {  	_ = 	snop  }
0x3c: {  	p2 =	seq.s32 s10, $0x1;
	s10 =	sld [smem:$0x3FB6]  }
0x3d: {  	_ =	shalt  }
0x3e: {  	_ =	shalt  }
0x3f: {  	_ =	shalt  }
0x40: {  	_ =	shalt  }
0x41: {  	_ =	shalt  }
0x42: {  	_ =	shalt  }
0x43: {  	_ =	shalt  }
0x44: {  	_ =	shalt  }
0x45: {  	_ =	shalt  }
0x46: {  	_ =	shalt  }
0x47: {  	_ =	shalt  }
0x48: {  	_ =	shalt  }
0x49: {  	_ =	shalt  }
0x4a: {  	_ =	shalt  }
0x4b: {  	_ =	shalt  }
0x4c: {  	_ =	shalt  }
0x4d: {  	_ =	shalt  }
0x4e: {  	_ =	shalt  }
0x4f: {  	_ =	shalt  }
0x50: {  	_ =	shalt  }
0x51: {  	_ =	shalt  }
0x52: {  	_ =	shalt  }
0x53: {  	_ =	shalt  }
0x54: {  	_ =	shalt  }
0x55: {  	_ =	shalt  }
0x56: {  	_ =	shalt  }
0x57: {  	_ =	shalt  }
0x58: {  	_ =	shalt  }
0x59: {  	_ =	shalt  }
0x5a: {  	_ =	shalt  }
0x5b: {  	_ =	shalt  }
0x5c: {  	_ =	shalt  }
0x5d: {  	_ =	shalt  }
0x5e: {  	_ =	shalt  }
0x5f: {  	_ =	shalt  }
0x60: {  	_ =	shalt  }
0x61: {  	_ =	shalt  }
0x62: {  	_ =	shalt  }
0x63: {  	_ =	shalt  }
0x64: {  	_ =	shalt  }
0x65: {  	_ =	shalt  }
0x66: {  	_ =	shalt  }
0x67: {  	_ =	shalt  }
0x68: {  	_ =	shalt  }
0x69: {  	_ =	shalt  }
0x6a: {  	_ =	shalt  }
0x6b: {  	_ =	shalt  }
0x6c: {  	_ =	shalt  }
0x6d: {  	_ =	shalt  }
0x6e: {  	_ =	shalt  }
0x6f: {  	_ =	shalt  }
0x70: {  	_ =	shalt  }
0x71: {  	_ =	shalt  }
0x72: {  	_ =	shalt  }
0x73: {  	_ =	shalt  }
0x74: {  	_ =	shalt  }
0x75: {  	_ =	shalt  }
0x76: {  	_ =	shalt  }
0x77: {  	_ =	shalt  }
0x78: {  	_ =	shalt  }
0x79: {  	_ =	shalt  }
0x7a: {  	_ =	shalt  }
0x7b: {  	_ =	shalt  }
0x7c: {  	_ =	shalt  }
0x7d: {  	_ =	shalt  }
0x7e: {  	_ =	shalt  }
0x7f: {  	_ =	shalt  }
0x80: {  	_ =	shalt  }
0x81: {  	_ =	shalt  }
0x82: {  	_ =	shalt  }
0x83: {  	_ =	shalt  }
0x84: {  	_ =	shalt  }
0x85: {  	_ =	shalt  }
0x86: {  	_ =	shalt  }
0x87: {  	_ =	shalt  }
.Lfunc_end0:
.L_simem_size_0:
called_computation_lowered:
.L_overlay_start_0:
0x88: {  	s2 =	sld [smem:$0x3FD9]  }
0x89: {  	s3 =	sld [smem:$0x3FFE];
	_ =	sdelay $0x1  }
0x8a: {  	s1 =	srdreg.scid  }
0x8b: {  	s0 =	sand.u32 $0x1, s1  }
0x8c: {  	s17 =	sshll.u32 s0, $0xA;
	s2 =	sadd.s32 s3, s2  }
0x8d: {  	s2 =	sadd.s32 s2, s17  }
0x8e: {  	[smem:$0x3FC2] =	sst s2  }
0x8f: {  	_ = 	snop  }
0x90: {  	s2 =	sld [smem:$0x3FC9]  }
0x91: {  	s18 =	sld [smem:$0x3FD0];
	(tm) =	ssettm $0x1  }
0x92: {  	s4 =	sld [smem:$0x3FFB];
	_ =	sdelay $0x3  }
0x93: {  	_ =	strace s4  }
0x94: {  	s4 =	sld [smem:$0x3FFC];
	_ =	sdelay $0x3  }
0x95: {  	_ =	strace s4  }
0x96: {  	s4 =	sld [smem:$0x3FFD];
	_ =	sdelay $0x3  }
0x97: {  	_ =	strace s4  }
0x98: {  	_ =	strace $0x8FFFFFFF  }
0x99: {  	s19 =	sld [smem:$0x3FDB];
	_ =	sdelay $0x1  }
0x9a: {  	s5 =	simm.s32 $_scs_section_size  }
0x9b: {  	s6 =	simm.s32 $_size__tile_overlayer_lowered;
	s7 =	simm.s32 $_tile_overlayer_lowered  }
0x9c: {  	s22 =	simm.s32 $0x1BFF;
	s21 =	sshll.u32 s7, $0x1;
	s4 =	sadd.s32 s5, s19  }
0x9d: {  	s8 =	simm.s32 $0x0;
	s20 =	sshll.u32 s6, $0x1;
	s6 =	sadd.s32 s21, s4  }
0x9e: {  	[timem:s8], [sflag:s22] =	dma.local [hbm:s6], s20  }
0x9f: {  	_ =	swait.ge [sflag:s22], s20  }
0xa0: {  	s5 =	ssub.s32 $0x0, s20;
	[sflag:s22] =	ssyncset.done $0x0  }
0xa1: {  	[sflag:s22] =	ssyncadd.s32 s5;
	_ =	sdelay $0x1  }
0xa2: {  	s23 =	simm.s32 $0x1B8B  }
0xa3: {  	_ =	swait.ge [sflag:s23], $0x1  }
0xa4: {  	[sflag:s23] =	ssyncset.done $0x0  }
0xa5: {  	s25 =	simm.s32 $0x1B8E;
	s24 =	sld [smem:$0x3FFE];
	[sflag:s23] =	ssyncadd.s32 $0xFFFFFFFF  }
0xa6: {  	s26 =	simm.s32 $execute0_lowered;
	[smem:$0x3FD2] =	sst s25  }
0xa7: {  	s6 =	sshll.u32 s26, $0x1;
	_ =	strace $0x80000046;
	[dreg:$0x1] =	wrdreg $0xFFFFFFFF  }
0xa8: {  	s28 =	simm.s32 $_size_execute0_lowered;
	s4 =	sadd.s32 s4, s6;
	[dreg:$0x0] =	wrdreg $0x0  }
0xa9: {  	s6 =	sshll.u32 s28, $0x1;
	[dreg:$0x2] =	wrdreg s4  }
0xaa: {  	[dreg:$0x3] =	wrdreg s6  }
0xab: {  	[dreg:$0x4] =	wrdreg $0xC0  }
0xac: {  	_ =	task [dreg:s8], $0x5FFFF  }
0xad: {  	[dreg:$0x1] =	wrdreg $0xFFFFFFFF  }
0xae: {  	[dreg:$0x0] =	wrdreg $0x60  }
0xaf: {  	[dreg:$0x2] =	wrdreg s2  }
0xb0: {  	[dreg:$0x3] =	wrdreg s18  }
0xb1: {  	[dreg:$0x4] =	wrdreg s24  }
0xb2: {  	[dreg:$0x5] =	wrdreg $0x9  }
0xb3: {  	_ =	task.clear_ibuf [dreg:s8], $0x6FFFF;
	_ =	strace $0x90000046  }
0xb4: {  	s29 =	simm.s32 $0x9;
	_ =	strace $0x80000048  }
0xb5: {  	_ =	swait.ge [sflag:s29], $0x1  }
0xb6: {  	[sflag:s29] =	ssyncadd.s32 $0xFFFFFFFF  }
0xb7: {  	_ =	strace $0x90000048  }
0xb8: {  	_ =	sfence  }
0xb9: {  	s30 =	sld [smem:$0x0];
	_ =	sdelay $0x2  }
0xba: {  	s31 =	sshll.u32 s1, $0xD;
	s1 =	sshrl.u32 s1, $0x2  }
0xbb: {  	s3 =	sand.u32 $0x4000, s31;
	s1 =	sadd.s32 s1, s30  }
0xbc: {  	s0 =	sor.u32 s3, s0;
	s1 =	sshll.u32 s1, $0x11  }
0xbd: {  	s0 =	sor.u32 s1, s0  }
0xbe: {  	s0 =	sadd.s32 $0x8F2B, s0  }
0xbf: {  	[sflag:s0] =	ssyncadd.remote.s32 $0x1  }
0xc0: {  	_ =	sfence.sel $0xFFFF  }
0xc1: {  	[dreg:$0x0] =	wrdreg $0xFFFFFFFF;
	(pc) =	sbr.abs _section_cstart, $3  }
0xc2: {  	[dreg:$0x1] =	wrdreg $0xFFFFFFFF  }
0xc3: {  	_ =	task.clear_ibuf [dreg:s8], $0x2FFFF;
	_ =	strace $0x9FFFFFFF  }
0xc4: {  	(tm) =	ssettm $0x7FFFFFFF  }
0xc5: {  	_ =	shalt  }
tec
execute0_lowered:
.L_overlay_start_1:
0x0: {  	(tag) =	ssettag $0x1  }
0x1: {  	s0 =	rddreg [dreg:$0x0]  }
0x2: {  	s1 =	rddreg [dreg:$0x2];
	s2 =	srdreg.scid  }
0x3: {  	s3 =	simm.s32 $0x0;
	s4 =	stileid.u32;
	s11 =	simm.s32 $0x6  }
0x4: {  	s13 =	simm.s32 $0x1;
	s15 =	simm.s32 $0x2;
	s2 =	sand.u32 $0x1, s2  }
0x5: {  	s17 =	simm.s32 $0x3;
	s4 =	sshll.u32 s4, $0xA;
	s5 =	sshll.u32 s2, $0x9  }
0x6: {  	s19 =	simm.s32 $0x4;
	s21 =	simm.s32 $0x5;
	s5 =	sor.u32 s5, s4  }
0x7: {  	[smem:$0x7FF] =	sst s3;
	s6 =	sshll.u32 s5, $0x4;
	s5 =	sshrl.u32 s5, $0x3  }
0x8: {  	s4 =	sadd.s32 $0xC00, s1;
	s1 =	sadd.s32 s6, s1;
	s0 =	sadd.s32 s0, s5  }
0x9: {  	_ =	strace $0x80000047;
	[dreg:$0x4] =	wrdreg s0;
	s28 =	sadd.s32 $0xF43200, s1  }
0xa: {  	s2 =	ssub.s32 $0x2, s2;
	s29 =	sadd.s32 $0xF43A00, s1;
	[dreg:$0x5] =	wrdreg s28  }
0xb: {  	s7 =	sshrl.u32 s2, $0x1;
	s30 =	sadd.s32 $0xF44200, s1;
	[dreg:$0x6] =	wrdreg s29  }
0xc: {  	s2 =	ssub.s32 s2, s7;
	s31 =	sadd.s32 $0xF44A00, s1;
	[dreg:$0x7] =	wrdreg s30  }
0xd: {  	s22 =	simm.s32 $0x0;
	s10 =	smax.u32 s2, $0x1;
	[dreg:$0x8] =	wrdreg s31  }
.LBB2_1:
0xe: {  	s0 =	rddreg [dreg:$0x4]  }
0xf: {  	[tilespmem:s3], [sflag:$0x6] =	stream.linear.gather [hbm4b:s0+s3], $0x200, $0x38;
	[tilespmem:$0x10280] =	vst v63  }
0x10: {  	_ =	swait.ge [sflag:s11], $0x200  }
0x11: {  	[sflag:s11] =	ssyncset.done $0x0  }
0x12: {  	[sflag:s11] =	ssyncadd.s32 $0xFFFFFE00  }
0x13: {  	s1 =	simm.s32 $0x10200;
	s31 =	rddreg [dreg:$0x1]  }
0x14: {  	[tilespmem:s1], [sflag:$0x6] =	stream.linear.gather [hbm4b:s31+s3], $0x80, $0x38;
	[tilespmem:$0x10280] =	vst v63  }
0x15: {  	_ =	swait.ge [sflag:s11], $0x80  }
0x16: {  	[sflag:s11] =	ssyncset.done $0x0  }
0x17: {  	[sflag:s11] =	ssyncadd.s32 $0xFFFFFF80  }
0x18: {  	v0 =	vld [tilespmem:s3+$0x0];
	_ =	sdelay $0x4  }
0x19: {  	v0 =	vshll.u32 v0, $0x4  }
0x1a: {  	(v2sf) =	vpush v0, $0x0  }
0x1b: {  	(v2sf) =	vpush v0, $0x1  }
0x1c: {  	(v2sf) =	vpush v0, $0x2;
	_ =	sdelay $0x1  }
0x1d: {  	(v2sf) =	vpush v0, $0x4;
	_ =	sdelay $0x1  }
0x1e: {  	(v2sf) =	vpush v0, $0x3  }
0x1f: {  	(v2sf) =	vpush v0, $0x5  }
0x20: {  	s25 =	simm.s32 $0x2000;
	s24 =	simm.s32 $0x0;
	s26 =	simm.s32 $0x0;
	(v2sf) =	vpush v0, $0x6  }
.LBB2_2:
0x21: {  	p0 =	sne.s32 s25, $0xE000  }
0x22: {  	s16 =	sadd.s32 $0x280, s24;
	s31 =	sadd.s32 $0x780, s24;
	s28 =	smov.u32 s25  }
0x23: {  	s25 =	sadd.s32 $0x2000, s25;
	s1 =	sadd.s32 $0x580, s24;
	s29 =	sadd.s32 $0x800, s24;
	(v2sf) =	vpush v0, $0x7  }
0x24: {  	s14 =	sadd.s32 $0x480, s24;
	s0 =	sadd.s32 $0x600, s24;
	s30 =	sadd.s32 $0x880, s24  }
0x25: {  	s18 =	sadd.s32 $0x200, s24;
	s20 =	sadd.s32 $0x400, s24;
	(v2sf) =	vpush v0, $0x8  }
0x26: {  	s23 =	simm.s32 $0x0;
	s5 =	sadd.s32 $0x500, s24;
	s26 =	sadd.s32 $0x10, s26  }
0x27: {  	s6 =	sadd.s32 $0x300, s24;
	s2 =	sadd.s32 $0x700, s24;
	s12 =	spop (v2sf);
	(v2sf) =	vpush v0, $0x9  }
0x28: {  	s7 =	sand.u32 $0x1FFFFFF0, s12;
	s12 =	sadd.s32 $0x680, s24;
	s8 =	spop (v2sf)  }
0x29: {  	s7 =	sadd.s32 s4, s7;
	s8 =	sand.u32 $0x1FFFFFF0, s8;
	s9 =	spop (v2sf);
	(v2sf) =	vpush v0, $0xA  }
0x2a: {  	[tilespmem:s18], [sflag:$0x1] =	stream.linear.gather [hbm4b:s7+s23], $0x80, $0x38;
	[tilespmem:$0x10280] =	vst v63  }
0x2b: {  	s7 =	sadd.s32 s4, s8;
	s8 =	sadd.s32 $0x380, s24;
	s18 =	spop (v2sf);
	(v2sf) =	vpush v0, $0xB  }
0x2c: {  	[tilespmem:s16], [sflag:$0x1] =	stream.linear.gather [hbm4b:s7+s23], $0x80, $0x38;
	[tilespmem:$0x10280] =	vst v63  }
0x2d: {  	s7 =	sand.u32 $0x1FFFFFF0, s9;
	s9 =	sand.u32 $0x1FFFFFF0, s18;
	s16 =	spop (v2sf);
	(v2sf) =	vpush v0, $0xC  }
0x2e: {  	s7 =	sadd.s32 s4, s7;
	s16 =	sand.u32 $0x1FFFFFF0, s16;
	s18 =	spop (v2sf)  }
0x2f: {  	[tilespmem:s6], [sflag:$0x1] =	stream.linear.gather [hbm4b:s7+s23], $0x80, $0x38;
	(v2sf) =	vpush v0, $0xD;
	[tilespmem:$0x10280] =	vst v63  }
0x30: {  	s6 =	sadd.s32 s4, s16;
	s7 =	sand.u32 $0x1FFFFFF0, s18;
	s16 =	spop (v2sf)  }
0x31: {  	[tilespmem:s8], [sflag:$0x1] =	stream.linear.gather [hbm4b:s6+s23], $0x80, $0x38;
	(v2sf) =	vpush v0, $0xE;
	[tilespmem:$0x10280] =	vst v63  }
0x32: {  	s6 =	sadd.s32 s4, s9;
	s8 =	sand.u32 $0x1FFFFFF0, s16;
	s9 =	spop (v2sf)  }
0x33: {  	[tilespmem:s20], [sflag:$0x1] =	stream.linear.gather [hbm4b:s6+s23], $0x80, $0x38;
	(v2sf) =	vpush v0, $0xF;
	[tilespmem:$0x10280] =	vst v63  }
0x34: {  	s6 =	sadd.s32 s4, s7;
	s7 =	sand.u32 $0x1FFFFFF0, s9;
	s9 =	spop (v2sf)  }
0x35: {  	[tilespmem:s14], [sflag:$0x1] =	stream.linear.gather [hbm4b:s6+s23], $0x80, $0x38;
	[tilespmem:$0x10280] =	vst v63  }
0x36: {  	s6 =	sadd.s32 s4, s8;
	s8 =	sand.u32 $0x1FFFFFF0, s9;
	s9 =	spop (v2sf)  }
0x37: {  	[tilespmem:s5], [sflag:$0x1] =	stream.linear.gather [hbm4b:s6+s23], $0x80, $0x38;
	[tilespmem:$0x10280] =	vst v63  }
0x38: {  	s5 =	sadd.s32 s4, s7;
	s6 =	sand.u32 $0x1FFFFFF0, s9;
	s7 =	spop (v2sf)  }
0x39: {  	[tilespmem:s1], [sflag:$0x1] =	stream.linear.gather [hbm4b:s5+s23], $0x80, $0x38;
	[tilespmem:$0x10280] =	vst v63  }
0x3a: {  	s1 =	sadd.s32 s4, s8;
	s5 =	sand.u32 $0x1FFFFFF0, s7;
	s7 =	spop (v2sf)  }
0x3b: {  	[tilespmem:s0], [sflag:$0x1] =	stream.linear.gather [hbm4b:s1+s23], $0x80, $0x38;
	[tilespmem:$0x10280] =	vst v63  }
0x3c: {  	s0 =	sadd.s32 s4, s6;
	s1 =	sand.u32 $0x1FFFFFF0, s7;
	s6 =	spop (v2sf)  }
0x3d: {  	[tilespmem:s12], [sflag:$0x1] =	stream.linear.gather [hbm4b:s0+s23], $0x80, $0x38;
	[tilespmem:$0x10280] =	vst v63  }
0x3e: {  	s0 =	sadd.s32 s4, s5;
	s5 =	sand.u32 $0x1FFFFFF0, s6;
	s6 =	spop (v2sf)  }
0x3f: {  	[tilespmem:s2], [sflag:$0x1] =	stream.linear.gather [hbm4b:s0+s23], $0x80, $0x38;
	[tilespmem:$0x10280] =	vst v63  }
0x40: {  	s0 =	sadd.s32 s4, s1;
	s1 =	sand.u32 $0x1FFFFFF0, s6;
	s2 =	spop (v2sf)  }
0x41: {  	[tilespmem:s31], [sflag:$0x1] =	stream.linear.gather [hbm4b:s0+s23], $0x80, $0x38;
	[tilespmem:$0x10280] =	vst v63  }
0x42: {  	s0 =	sadd.s32 s4, s5;
	s2 =	sand.u32 $0x1FFFFFF0, s2;
	s5 =	spop (v2sf)  }
0x43: {  	[tilespmem:s29], [sflag:$0x1] =	stream.linear.gather [hbm4b:s0+s23], $0x80, $0x38;
	[tilespmem:$0x10280] =	vst v63  }
0x44: {  	s0 =	sadd.s32 s4, s1;
	s1 =	sand.u32 $0x1FFFFFF0, s5  }
0x45: {  	[tilespmem:s30], [sflag:$0x1] =	stream.linear.gather [hbm4b:s0+s23], $0x80, $0x38;
	[tilespmem:$0x10280] =	vst v63  }
0x46: {  	s2 =	sadd.s32 s4, s2;
	s0 =	sadd.s32 $0x900, s24  }
0x47: {  	[tilespmem:s0], [sflag:$0x1] =	stream.linear.gather [hbm4b:s2+s23], $0x80, $0x38;
	[tilespmem:$0x10280] =	vst v63  }
0x48: {  	s1 =	sadd.s32 s4, s1;
	s0 =	sadd.s32 $0x980, s24  }
0x49: {  	[tilespmem:s0], [sflag:$0x1] =	stream.linear.gather [hbm4b:s1+s23], $0x80, $0x38;
	[tilespmem:$0x10280] =	vst v63  }
0x4a: {  	v0 =	vld [tilespmem:s26+$0x0];
	_ =	sdelay $0x4  }
0x4b: {  	v0 =	vshll.u32 v0, $0x4  }
0x4c: {  	(v2sf) =	vpush v0, $0x0  }
0x4d: {  	(v2sf) =	vpush v0, $0x1  }
0x4e: {  	(v2sf) =	vpush v0, $0x2;
	_ =	sdelay $0x1  }
0x4f: {  	(v2sf) =	vpush v0, $0x4  }
.Ltmp0:
0x50: {  	(pc) =	sbr.rel @p0 .LBB2_2-.Ltmp0, $3  }
0x51: {  	(v2sf) =	vpush v0, $0x3  }
0x52: {  	(v2sf) =	vpush v0, $0x5;
	_ =	sdelay $0x1  }
0x53: {  	s24 =	sshra.s32 s28, $0x2;
	(v2sf) =	vpush v0, $0x6  }
0x54: {  	_ =	sdelay $0x1  }
0x55: {  	s5 =	sadd.s32 $0x280, s24;
	s2 =	sadd.s32 $0x780, s24  }
0x56: {  	s6 =	sadd.s32 $0x580, s24;
	s0 =	sadd.s32 $0x800, s24;
	(v2sf) =	vpush v0, $0x7;
	s7 =	sadd.s32 $0x480, s24  }
0x57: {  	s8 =	sadd.s32 $0x600, s24;
	s1 =	sadd.s32 $0x880, s24;
	s9 =	sadd.s32 $0x200, s24  }
0x58: {  	s12 =	sadd.s32 $0x400, s24;
	s14 =	sadd.s32 $0x500, s24;
	(v2sf) =	vpush v0, $0x8;
	s16 =	spop (v2sf)  }
0x59: {  	s18 =	sadd.s32 $0x300, s24;
	s16 =	sand.u32 $0x1FFFFFF0, s16;
	s20 =	spop (v2sf)  }
0x5a: {  	(v2sf) =	vpush v0, $0x9;
	s16 =	sadd.s32 s4, s16;
	s20 =	sand.u32 $0x1FFFFFF0, s20;
	s25 =	spop (v2sf)  }
0x5b: {  	[tilespmem:s9], [sflag:$0x1] =	stream.linear.gather [hbm4b:s16+s23], $0x80, $0x38;
	[tilespmem:$0x10280] =	vst v63  }
0x5c: {  	(v2sf) =	vpush v0, $0xA;
	s26 =	sadd.s32 s4, s20;
	s29 =	sand.u32 $0x1FFFFFF0, s25;
	s28 =	spop (v2sf)  }
0x5d: {  	[tilespmem:s5], [sflag:$0x1] =	stream.linear.gather [hbm4b:s26+s23], $0x80, $0x38;
	[tilespmem:$0x10280] =	vst v63  }
0x5e: {  	s9 =	sadd.s32 $0x700, s24;
	(v2sf) =	vpush v0, $0xB;
	s16 =	sadd.s32 s4, s29;
	s30 =	spop (v2sf)  }
0x5f: {  	s5 =	sadd.s32 $0x680, s24;
	s26 =	sadd.s32 $0x380, s24;
	s25 =	sand.u32 $0x1FFFFFF0, s30  }
0x60: {  	(v2sf) =	vpush v0, $0xC;
	[tilespmem:s18], [sflag:$0x1] =	stream.linear.gather [hbm4b:s16+s23], $0x80, $0x38;
	[tilespmem:$0x10280] =	vst v63  }
0x61: {  	s31 =	sand.u32 $0x1FFFFFF0, s28;
	s28 =	spop (v2sf);
	s29 =	sadd.s32 s4, s25  }
0x62: {  	(v2sf) =	vpush v0, $0xD;
	[tilespmem:s26], [sflag:$0x1] =	stream.linear.gather [hbm4b:s29+s23], $0x80, $0x38;
	[tilespmem:$0x10280] =	vst v63  }
0x63: {  	s16 =	sadd.s32 s4, s31;
	s18 =	sand.u32 $0x1FFFFFF0, s28;
	s30 =	spop (v2sf)  }
0x64: {  	(v2sf) =	vpush v0, $0xE;
	[tilespmem:s12], [sflag:$0x1] =	stream.linear.gather [hbm4b:s16+s23], $0x80, $0x38;
	[tilespmem:$0x10280] =	vst v63  }
0x65: {  	s18 =	sadd.s32 s4, s18;
	s31 =	sand.u32 $0x1FFFFFF0, s30;
	s20 =	spop (v2sf)  }
0x66: {  	(v2sf) =	vpush v0, $0xF;
	[tilespmem:s7], [sflag:$0x1] =	stream.linear.gather [hbm4b:s18+s23], $0x80, $0x38;
	[tilespmem:$0x10280] =	vst v63  }
0x67: {  	s25 =	sand.u32 $0x1FFFFFF0, s20;
	s26 =	spop (v2sf);
	s12 =	sadd.s32 s4, s31  }
0x68: {  	[tilespmem:s14], [sflag:$0x1] =	stream.linear.gather [hbm4b:s12+s23], $0x80, $0x38;
	[tilespmem:$0x10280] =	vst v63  }
0x69: {  	s28 =	sand.u32 $0x1FFFFFF0, s26;
	s7 =	sadd.s32 s4, s25;
	s29 =	spop (v2sf)  }
0x6a: {  	[tilespmem:s6], [sflag:$0x1] =	stream.linear.gather [hbm4b:s7+s23], $0x80, $0x38;
	[tilespmem:$0x10280] =	vst v63  }
0x6b: {  	s12 =	sadd.s32 s4, s28;
	s30 =	sand.u32 $0x1FFFFFF0, s29;
	s31 =	spop (v2sf)  }
0x6c: {  	[tilespmem:s8], [sflag:$0x1] =	stream.linear.gather [hbm4b:s12+s23], $0x80, $0x38;
	[tilespmem:$0x10280] =	vst v63  }
0x6d: {  	s7 =	sand.u32 $0x1FFFFFF0, s31;
	s6 =	sadd.s32 s4, s30;
	s12 =	spop (v2sf)  }
0x6e: {  	[tilespmem:s5], [sflag:$0x1] =	stream.linear.gather [hbm4b:s6+s23], $0x80, $0x38;
	[tilespmem:$0x10280] =	vst v63  }
0x6f: {  	s7 =	sadd.s32 s4, s7;
	s14 =	sand.u32 $0x1FFFFFF0, s12;
	s16 =	spop (v2sf)  }
0x70: {  	[tilespmem:s9], [sflag:$0x1] =	stream.linear.gather [hbm4b:s7+s23], $0x80, $0x38;
	[tilespmem:$0x10280] =	vst v63  }
0x71: {  	s5 =	sadd.s32 s4, s14;
	s6 =	sand.u32 $0x1FFFFFF0, s16;
	s18 =	spop (v2sf)  }
0x72: {  	[tilespmem:s2], [sflag:$0x1] =	stream.linear.gather [hbm4b:s5+s23], $0x80, $0x38;
	[tilespmem:$0x10280] =	vst v63  }
0x73: {  	s20 =	sand.u32 $0x1FFFFFF0, s18;
	s6 =	sadd.s32 s4, s6;
	s25 =	spop (v2sf)  }
0x74: {  	[tilespmem:s0], [sflag:$0x1] =	stream.linear.gather [hbm4b:s6+s23], $0x80, $0x38;
	[tilespmem:$0x10280] =	vst v63  }
0x75: {  	s26 =	sand.u32 $0x1FFFFFF0, s25;
	s28 =	spop (v2sf);
	s2 =	sadd.s32 s4, s20  }
0x76: {  	[tilespmem:s1], [sflag:$0x1] =	stream.linear.gather [hbm4b:s2+s23], $0x80, $0x38;
	[tilespmem:$0x10280] =	vst v63  }
0x77: {  	s30 =	sadd.s32 $0x900, s24;
	s29 =	sand.u32 $0x1FFFFFF0, s28;
	s0 =	sadd.s32 s4, s26  }
0x78: {  	[tilespmem:s30], [sflag:$0x1] =	stream.linear.gather [hbm4b:s0+s23], $0x80, $0x38;
	[tilespmem:$0x10280] =	vst v63  }
0x79: {  	s31 =	sadd.s32 $0x980, s24;
	s25 =	simm.s32 $0x80;
	s1 =	sadd.s32 s4, s29  }
0x7a: {  	[tilespmem:s31], [sflag:$0x1] =	stream.linear.gather [hbm4b:s1+s23], $0x80, $0x38;
	[tilespmem:$0x10280] =	vst v63  }
0x7b: {  	v0 =	vld [tilespmem:s25+$0x0];
	_ =	sdelay $0x4  }
0x7c: {  	v0 =	vshll.u32 v0, $0x4  }
0x7d: {  	(v2sf) =	vpush v0, $0x0  }
0x7e: {  	(v2sf) =	vpush v0, $0x1  }
0x7f: {  	(v2sf) =	vpush v0, $0x2;
	_ =	sdelay $0x1  }
0x80: {  	(v2sf) =	vpush v0, $0x4;
	_ =	sdelay $0x1  }
0x81: {  	(v2sf) =	vpush v0, $0x3  }
0x82: {  	(v2sf) =	vpush v0, $0x5  }
0x83: {  	s24 =	simm.s32 $0x0;
	s26 =	simm.s32 $0x2000;
	(v2sf) =	vpush v0, $0x6  }
.LBB2_4:
0x84: {  	p0 =	sne.s32 s26, $0xE000  }
0x85: {  	s5 =	sadd.s32 $0x4280, s24;
	s31 =	sadd.s32 $0x4780, s24;
	s28 =	smov.u32 s26  }
0x86: {  	s26 =	sadd.s32 $0x2000, s26;
	s2 =	sadd.s32 $0x4580, s24;
	s29 =	sadd.s32 $0x4800, s24;
	(v2sf) =	vpush v0, $0x7  }
0x87: {  	s14 =	sadd.s32 $0x4480, s24;
	s1 =	sadd.s32 $0x4600, s24;
	s30 =	sadd.s32 $0x4880, s24  }
0x88: {  	s6 =	sadd.s32 $0x4200, s24;
	s7 =	sadd.s32 $0x4400, s24;
	(v2sf) =	vpush v0, $0x8  }
0x89: {  	s8 =	sadd.s32 $0x4500, s24;
	s25 =	sadd.s32 $0x10, s25  }
0x8a: {  	s9 =	sadd.s32 $0x4300, s24;
	s0 =	sadd.s32 $0x4700, s24;
	s12 =	spop (v2sf);
	(v2sf) =	vpush v0, $0x9  }
0x8b: {  	s16 =	sand.u32 $0x1FFFFFF0, s12;
	s12 =	sadd.s32 $0x4680, s24;
	s18 =	spop (v2sf)  }
0x8c: {  	s16 =	sadd.s32 s4, s16;
	s18 =	sand.u32 $0x1FFFFFF0, s18;
	s20 =	spop (v2sf);
	(v2sf) =	vpush v0, $0xA  }
0x8d: {  	[tilespmem:s6], [sflag:$0x2] =	stream.linear.gather [hbm4b:s16+s23], $0x80, $0x38;
	[tilespmem:$0x10280] =	vst v63  }
0x8e: {  	s6 =	sadd.s32 s4, s18;
	s16 =	sadd.s32 $0x4380, s24;
	s18 =	spop (v2sf);
	(v2sf) =	vpush v0, $0xB  }
0x8f: {  	[tilespmem:s5], [sflag:$0x2] =	stream.linear.gather [hbm4b:s6+s23], $0x80, $0x38;
	[tilespmem:$0x10280] =	vst v63  }
0x90: {  	s5 =	sand.u32 $0x1FFFFFF0, s20;
	s6 =	sand.u32 $0x1FFFFFF0, s18;
	s18 =	spop (v2sf);
	(v2sf) =	vpush v0, $0xC  }
0x91: {  	s5 =	sadd.s32 s4, s5;
	s18 =	sand.u32 $0x1FFFFFF0, s18;
	s20 =	spop (v2sf)  }
0x92: {  	[tilespmem:s9], [sflag:$0x2] =	stream.linear.gather [hbm4b:s5+s23], $0x80, $0x38;
	(v2sf) =	vpush v0, $0xD;
	[tilespmem:$0x10280] =	vst v63  }
0x93: {  	s5 =	sadd.s32 s4, s18;
	s9 =	sand.u32 $0x1FFFFFF0, s20;
	s18 =	spop (v2sf)  }
0x94: {  	[tilespmem:s16], [sflag:$0x2] =	stream.linear.gather [hbm4b:s5+s23], $0x80, $0x38;
	(v2sf) =	vpush v0, $0xE;
	[tilespmem:$0x10280] =	vst v63  }
0x95: {  	s5 =	sadd.s32 s4, s6;
	s6 =	sand.u32 $0x1FFFFFF0, s18;
	s16 =	spop (v2sf)  }
0x96: {  	[tilespmem:s7], [sflag:$0x2] =	stream.linear.gather [hbm4b:s5+s23], $0x80, $0x38;
	(v2sf) =	vpush v0, $0xF;
	[tilespmem:$0x10280] =	vst v63  }
0x97: {  	s5 =	sadd.s32 s4, s9;
	s7 =	sand.u32 $0x1FFFFFF0, s16;
	s9 =	spop (v2sf)  }
0x98: {  	[tilespmem:s14], [sflag:$0x2] =	stream.linear.gather [hbm4b:s5+s23], $0x80, $0x38;
	[tilespmem:$0x10280] =	vst v63  }
0x99: {  	s5 =	sadd.s32 s4, s6;
	s6 =	sand.u32 $0x1FFFFFF0, s9;
	s9 =	spop (v2sf)  }
0x9a: {  	[tilespmem:s8], [sflag:$0x2] =	stream.linear.gather [hbm4b:s5+s23], $0x80, $0x38;
	[tilespmem:$0x10280] =	vst v63  }
0x9b: {  	s5 =	sadd.s32 s4, s7;
	s7 =	sand.u32 $0x1FFFFFF0, s9;
	s8 =	spop (v2sf)  }
0x9c: {  	[tilespmem:s2], [sflag:$0x2] =	stream.linear.gather [hbm4b:s5+s23], $0x80, $0x38;
	[tilespmem:$0x10280] =	vst v63  }
0x9d: {  	s2 =	sadd.s32 s4, s6;
	s5 =	sand.u32 $0x1FFFFFF0, s8;
	s6 =	spop (v2sf)  }
0x9e: {  	[tilespmem:s1], [sflag:$0x2] =	stream.linear.gather [hbm4b:s2+s23], $0x80, $0x38;
	[tilespmem:$0x10280] =	vst v63  }
0x9f: {  	s1 =	sadd.s32 s4, s7;
	s2 =	sand.u32 $0x1FFFFFF0, s6;
	s6 =	spop (v2sf)  }
0xa0: {  	[tilespmem:s12], [sflag:$0x2] =	stream.linear.gather [hbm4b:s1+s23], $0x80, $0x38;
	[tilespmem:$0x10280] =	vst v63  }
0xa1: {  	s1 =	sadd.s32 s4, s5;
	s5 =	sand.u32 $0x1FFFFFF0, s6;
	s6 =	spop (v2sf)  }
0xa2: {  	[tilespmem:s0], [sflag:$0x2] =	stream.linear.gather [hbm4b:s1+s23], $0x80, $0x38;
	[tilespmem:$0x10280] =	vst v63  }
0xa3: {  	s0 =	sadd.s32 s4, s2;
	s1 =	sand.u32 $0x1FFFFFF0, s6;
	s2 =	spop (v2sf)  }
0xa4: {  	[tilespmem:s31], [sflag:$0x2] =	stream.linear.gather [hbm4b:s0+s23], $0x80, $0x38;
	[tilespmem:$0x10280] =	vst v63  }
0xa5: {  	s0 =	sadd.s32 s4, s5;
	s2 =	sand.u32 $0x1FFFFFF0, s2;
	s5 =	spop (v2sf)  }
0xa6: {  	[tilespmem:s29], [sflag:$0x2] =	stream.linear.gather [hbm4b:s0+s23], $0x80, $0x38;
	[tilespmem:$0x10280] =	vst v63  }
0xa7: {  	s0 =	sadd.s32 s4, s1;
	s1 =	sand.u32 $0x1FFFFFF0, s5  }
0xa8: {  	[tilespmem:s30], [sflag:$0x2] =	stream.linear.gather [hbm4b:s0+s23], $0x80, $0x38;
	[tilespmem:$0x10280] =	vst v63  }
0xa9: {  	s2 =	sadd.s32 s4, s2;
	s0 =	sadd.s32 $0x4900, s24  }
0xaa: {  	[tilespmem:s0], [sflag:$0x2] =	stream.linear.gather [hbm4b:s2+s23], $0x80, $0x38;
	[tilespmem:$0x10280] =	vst v63  }
0xab: {  	s1 =	sadd.s32 s4, s1;
	s0 =	sadd.s32 $0x4980, s24  }
0xac: {  	[tilespmem:s0], [sflag:$0x2] =	stream.linear.gather [hbm4b:s1+s23], $0x80, $0x38;
	[tilespmem:$0x10280] =	vst v63  }
0xad: {  	v0 =	vld [tilespmem:s25+$0x0];
	_ =	sdelay $0x4  }
0xae: {  	v0 =	vshll.u32 v0, $0x4  }
0xaf: {  	(v2sf) =	vpush v0, $0x0  }
0xb0: {  	(v2sf) =	vpush v0, $0x1  }
0xb1: {  	(v2sf) =	vpush v0, $0x2;
	_ =	sdelay $0x1  }
0xb2: {  	(v2sf) =	vpush v0, $0x4  }
.Ltmp1:
0xb3: {  	(pc) =	sbr.rel @p0 .LBB2_4-.Ltmp1, $3  }
0xb4: {  	(v2sf) =	vpush v0, $0x3  }
0xb5: {  	(v2sf) =	vpush v0, $0x5;
	_ =	sdelay $0x1  }
0xb6: {  	s24 =	sshra.s32 s28, $0x2;
	(v2sf) =	vpush v0, $0x6  }
0xb7: {  	_ =	sdelay $0x1  }
0xb8: {  	s5 =	sadd.s32 $0x4280, s24;
	s2 =	sadd.s32 $0x4780, s24  }
0xb9: {  	s6 =	sadd.s32 $0x4580, s24;
	s0 =	sadd.s32 $0x4800, s24;
	(v2sf) =	vpush v0, $0x7;
	s7 =	sadd.s32 $0x4480, s24  }
0xba: {  	s8 =	sadd.s32 $0x4600, s24;
	s1 =	sadd.s32 $0x4880, s24;
	s9 =	sadd.s32 $0x4200, s24  }
0xbb: {  	s12 =	sadd.s32 $0x4400, s24;
	s14 =	sadd.s32 $0x4500, s24;
	(v2sf) =	vpush v0, $0x8;
	s16 =	spop (v2sf)  }
0xbc: {  	s18 =	sadd.s32 $0x4300, s24;
	s16 =	sand.u32 $0x1FFFFFF0, s16;
	s20 =	spop (v2sf)  }
0xbd: {  	(v2sf) =	vpush v0, $0x9;
	s16 =	sadd.s32 s4, s16;
	s20 =	sand.u32 $0x1FFFFFF0, s20;
	s25 =	spop (v2sf)  }
0xbe: {  	[tilespmem:s9], [sflag:$0x2] =	stream.linear.gather [hbm4b:s16+s23], $0x80, $0x38;
	[tilespmem:$0x10280] =	vst v63  }
0xbf: {  	(v2sf) =	vpush v0, $0xA;
	s26 =	sadd.s32 s4, s20;
	s29 =	sand.u32 $0x1FFFFFF0, s25;
	s28 =	spop (v2sf)  }
0xc0: {  	[tilespmem:s5], [sflag:$0x2] =	stream.linear.gather [hbm4b:s26+s23], $0x80, $0x38;
	[tilespmem:$0x10280] =	vst v63  }
0xc1: {  	s9 =	sadd.s32 $0x4700, s24;
	(v2sf) =	vpush v0, $0xB;
	s16 =	sadd.s32 s4, s29;
	s30 =	spop (v2sf)  }
0xc2: {  	s5 =	sadd.s32 $0x4680, s24;
	s26 =	sadd.s32 $0x4380, s24;
	s25 =	sand.u32 $0x1FFFFFF0, s30  }
0xc3: {  	(v2sf) =	vpush v0, $0xC;
	[tilespmem:s18], [sflag:$0x2] =	stream.linear.gather [hbm4b:s16+s23], $0x80, $0x38;
	[tilespmem:$0x10280] =	vst v63  }
0xc4: {  	s31 =	sand.u32 $0x1FFFFFF0, s28;
	s28 =	spop (v2sf);
	s29 =	sadd.s32 s4, s25  }
0xc5: {  	(v2sf) =	vpush v0, $0xD;
	[tilespmem:s26], [sflag:$0x2] =	stream.linear.gather [hbm4b:s29+s23], $0x80, $0x38;
	[tilespmem:$0x10280] =	vst v63  }
0xc6: {  	s16 =	sadd.s32 s4, s31;
	s18 =	sand.u32 $0x1FFFFFF0, s28;
	s30 =	spop (v2sf)  }
0xc7: {  	(v2sf) =	vpush v0, $0xE;
	[tilespmem:s12], [sflag:$0x2] =	stream.linear.gather [hbm4b:s16+s23], $0x80, $0x38;
	[tilespmem:$0x10280] =	vst v63  }
0xc8: {  	s18 =	sadd.s32 s4, s18;
	s31 =	sand.u32 $0x1FFFFFF0, s30;
	s20 =	spop (v2sf)  }
0xc9: {  	(v2sf) =	vpush v0, $0xF;
	[tilespmem:s7], [sflag:$0x2] =	stream.linear.gather [hbm4b:s18+s23], $0x80, $0x38;
	[tilespmem:$0x10280] =	vst v63  }
0xca: {  	s25 =	sand.u32 $0x1FFFFFF0, s20;
	s26 =	spop (v2sf);
	s12 =	sadd.s32 s4, s31  }
0xcb: {  	[tilespmem:s14], [sflag:$0x2] =	stream.linear.gather [hbm4b:s12+s23], $0x80, $0x38;
	[tilespmem:$0x10280] =	vst v63  }
0xcc: {  	s28 =	sand.u32 $0x1FFFFFF0, s26;
	s7 =	sadd.s32 s4, s25;
	s29 =	spop (v2sf)  }
0xcd: {  	[tilespmem:s6], [sflag:$0x2] =	stream.linear.gather [hbm4b:s7+s23], $0x80, $0x38;
	[tilespmem:$0x10280] =	vst v63  }
0xce: {  	s12 =	sadd.s32 s4, s28;
	s30 =	sand.u32 $0x1FFFFFF0, s29;
	s31 =	spop (v2sf)  }
0xcf: {  	[tilespmem:s8], [sflag:$0x2] =	stream.linear.gather [hbm4b:s12+s23], $0x80, $0x38;
	[tilespmem:$0x10280] =	vst v63  }
0xd0: {  	s7 =	sand.u32 $0x1FFFFFF0, s31;
	s6 =	sadd.s32 s4, s30;
	s12 =	spop (v2sf)  }
0xd1: {  	[tilespmem:s5], [sflag:$0x2] =	stream.linear.gather [hbm4b:s6+s23], $0x80, $0x38;
	[tilespmem:$0x10280] =	vst v63  }
0xd2: {  	s7 =	sadd.s32 s4, s7;
	s14 =	sand.u32 $0x1FFFFFF0, s12;
	s16 =	spop (v2sf)  }
0xd3: {  	[tilespmem:s9], [sflag:$0x2] =	stream.linear.gather [hbm4b:s7+s23], $0x80, $0x38;
	[tilespmem:$0x10280] =	vst v63  }
0xd4: {  	s5 =	sadd.s32 s4, s14;
	s6 =	sand.u32 $0x1FFFFFF0, s16;
	s18 =	spop (v2sf)  }
0xd5: {  	[tilespmem:s2], [sflag:$0x2] =	stream.linear.gather [hbm4b:s5+s23], $0x80, $0x38;
	[tilespmem:$0x10280] =	vst v63  }
0xd6: {  	s20 =	sand.u32 $0x1FFFFFF0, s18;
	s6 =	sadd.s32 s4, s6;
	s25 =	spop (v2sf)  }
0xd7: {  	[tilespmem:s0], [sflag:$0x2] =	stream.linear.gather [hbm4b:s6+s23], $0x80, $0x38;
	[tilespmem:$0x10280] =	vst v63  }
0xd8: {  	s26 =	sand.u32 $0x1FFFFFF0, s25;
	s28 =	spop (v2sf);
	s2 =	sadd.s32 s4, s20  }
0xd9: {  	[tilespmem:s1], [sflag:$0x2] =	stream.linear.gather [hbm4b:s2+s23], $0x80, $0x38;
	[tilespmem:$0x10280] =	vst v63  }
0xda: {  	s30 =	sadd.s32 $0x4900, s24;
	s29 =	sand.u32 $0x1FFFFFF0, s28;
	s0 =	sadd.s32 s4, s26  }
0xdb: {  	[tilespmem:s30], [sflag:$0x2] =	stream.linear.gather [hbm4b:s0+s23], $0x80, $0x38;
	[tilespmem:$0x10280] =	vst v63  }
0xdc: {  	s31 =	sadd.s32 $0x4980, s24;
	s25 =	simm.s32 $0x100;
	s1 =	sadd.s32 s4, s29  }
0xdd: {  	[tilespmem:s31], [sflag:$0x2] =	stream.linear.gather [hbm4b:s1+s23], $0x80, $0x38;
	[tilespmem:$0x10280] =	vst v63  }
0xde: {  	v0 =	vld [tilespmem:s25+$0x0];
	_ =	sdelay $0x4  }
0xdf: {  	v0 =	vshll.u32 v0, $0x4  }
0xe0: {  	(v2sf) =	vpush v0, $0x0  }
0xe1: {  	(v2sf) =	vpush v0, $0x1  }
0xe2: {  	(v2sf) =	vpush v0, $0x2;
	_ =	sdelay $0x1  }
0xe3: {  	(v2sf) =	vpush v0, $0x4;
	_ =	sdelay $0x1  }
0xe4: {  	(v2sf) =	vpush v0, $0x3  }
0xe5: {  	(v2sf) =	vpush v0, $0x5  }
0xe6: {  	s24 =	simm.s32 $0x0;
	s26 =	simm.s32 $0x2000;
	(v2sf) =	vpush v0, $0x6  }
.LBB2_6:
0xe7: {  	p0 =	sne.s32 s26, $0xE000  }
0xe8: {  	s5 =	sadd.s32 $0x8280, s24;
	s31 =	sadd.s32 $0x8780, s24;
	s28 =	smov.u32 s26  }
0xe9: {  	s26 =	sadd.s32 $0x2000, s26;
	s1 =	sadd.s32 $0x8580, s24;
	s29 =	sadd.s32 $0x8800, s24;
	(v2sf) =	vpush v0, $0x7  }
0xea: {  	s14 =	sadd.s32 $0x8480, s24;
	s0 =	sadd.s32 $0x8600, s24;
	s30 =	sadd.s32 $0x8880, s24  }
0xeb: {  	s6 =	sadd.s32 $0x8200, s24;
	s7 =	sadd.s32 $0x8400, s24;
	(v2sf) =	vpush v0, $0x8  }
0xec: {  	s23 =	simm.s32 $0x0;
	s8 =	sadd.s32 $0x8500, s24;
	s25 =	sadd.s32 $0x10, s25  }
0xed: {  	s9 =	sadd.s32 $0x8300, s24;
	s2 =	sadd.s32 $0x8700, s24;
	s12 =	spop (v2sf);
	(v2sf) =	vpush v0, $0x9  }
0xee: {  	s16 =	sand.u32 $0x1FFFFFF0, s12;
	s12 =	sadd.s32 $0x8680, s24;
	s18 =	spop (v2sf)  }
0xef: {  	s16 =	sadd.s32 s4, s16;
	s18 =	sand.u32 $0x1FFFFFF0, s18;
	s20 =	spop (v2sf);
	(v2sf) =	vpush v0, $0xA  }
0xf0: {  	[tilespmem:s6], [sflag:$0x3] =	stream.linear.gather [hbm4b:s16+s23], $0x80, $0x38;
	[tilespmem:$0x10280] =	vst v63  }
0xf1: {  	s6 =	sadd.s32 s4, s18;
	s16 =	sadd.s32 $0x8380, s24;
	s18 =	spop (v2sf);
	(v2sf) =	vpush v0, $0xB  }
0xf2: {  	[tilespmem:s5], [sflag:$0x3] =	stream.linear.gather [hbm4b:s6+s23], $0x80, $0x38;
	[tilespmem:$0x10280] =	vst v63  }
0xf3: {  	s5 =	sand.u32 $0x1FFFFFF0, s20;
	s6 =	sand.u32 $0x1FFFFFF0, s18;
	s18 =	spop (v2sf);
	(v2sf) =	vpush v0, $0xC  }
0xf4: {  	s5 =	sadd.s32 s4, s5;
	s18 =	sand.u32 $0x1FFFFFF0, s18;
	s20 =	spop (v2sf)  }
0xf5: {  	[tilespmem:s9], [sflag:$0x3] =	stream.linear.gather [hbm4b:s5+s23], $0x80, $0x38;
	(v2sf) =	vpush v0, $0xD;
	[tilespmem:$0x10280] =	vst v63  }
0xf6: {  	s5 =	sadd.s32 s4, s18;
	s9 =	sand.u32 $0x1FFFFFF0, s20;
	s18 =	spop (v2sf)  }
0xf7: {  	[tilespmem:s16], [sflag:$0x3] =	stream.linear.gather [hbm4b:s5+s23], $0x80, $0x38;
	(v2sf) =	vpush v0, $0xE;
	[tilespmem:$0x10280] =	vst v63  }
0xf8: {  	s5 =	sadd.s32 s4, s6;
	s6 =	sand.u32 $0x1FFFFFF0, s18;
	s16 =	spop (v2sf)  }
0xf9: {  	[tilespmem:s7], [sflag:$0x3] =	stream.linear.gather [hbm4b:s5+s23], $0x80, $0x38;
	(v2sf) =	vpush v0, $0xF;
	[tilespmem:$0x10280] =	vst v63  }
0xfa: {  	s5 =	sadd.s32 s4, s9;
	s7 =	sand.u32 $0x1FFFFFF0, s16;
	s9 =	spop (v2sf)  }
0xfb: {  	[tilespmem:s14], [sflag:$0x3] =	stream.linear.gather [hbm4b:s5+s23], $0x80, $0x38;
	[tilespmem:$0x10280] =	vst v63  }
0xfc: {  	s5 =	sadd.s32 s4, s6;
	s6 =	sand.u32 $0x1FFFFFF0, s9;
	s9 =	spop (v2sf)  }
0xfd: {  	[tilespmem:s8], [sflag:$0x3] =	stream.linear.gather [hbm4b:s5+s23], $0x80, $0x38;
	[tilespmem:$0x10280] =	vst v63  }
0xfe: {  	s5 =	sadd.s32 s4, s7;
	s7 =	sand.u32 $0x1FFFFFF0, s9;
	s8 =	spop (v2sf)  }
0xff: {  	[tilespmem:s1], [sflag:$0x3] =	stream.linear.gather [hbm4b:s5+s23], $0x80, $0x38;
	[tilespmem:$0x10280] =	vst v63  }
0x100: {  	s1 =	sadd.s32 s4, s6;
	s5 =	sand.u32 $0x1FFFFFF0, s8;
	s6 =	spop (v2sf)  }
0x101: {  	[tilespmem:s0], [sflag:$0x3] =	stream.linear.gather [hbm4b:s1+s23], $0x80, $0x38;
	[tilespmem:$0x10280] =	vst v63  }
0x102: {  	s0 =	sadd.s32 s4, s7;
	s1 =	sand.u32 $0x1FFFFFF0, s6;
	s6 =	spop (v2sf)  }
0x103: {  	[tilespmem:s12], [sflag:$0x3] =	stream.linear.gather [hbm4b:s0+s23], $0x80, $0x38;
	[tilespmem:$0x10280] =	vst v63  }
0x104: {  	s0 =	sadd.s32 s4, s5;
	s5 =	sand.u32 $0x1FFFFFF0, s6;
	s6 =	spop (v2sf)  }
0x105: {  	[tilespmem:s2], [sflag:$0x3] =	stream.linear.gather [hbm4b:s0+s23], $0x80, $0x38;
	[tilespmem:$0x10280] =	vst v63  }
0x106: {  	s0 =	sadd.s32 s4, s1;
	s1 =	sand.u32 $0x1FFFFFF0, s6;
	s2 =	spop (v2sf)  }
0x107: {  	[tilespmem:s31], [sflag:$0x3] =	stream.linear.gather [hbm4b:s0+s23], $0x80, $0x38;
	[tilespmem:$0x10280] =	vst v63  }
0x108: {  	s0 =	sadd.s32 s4, s5;
	s2 =	sand.u32 $0x1FFFFFF0, s2;
	s5 =	spop (v2sf)  }
0x109: {  	[tilespmem:s29], [sflag:$0x3] =	stream.linear.gather [hbm4b:s0+s23], $0x80, $0x38;
	[tilespmem:$0x10280] =	vst v63  }
0x10a: {  	s0 =	sadd.s32 s4, s1;
	s1 =	sand.u32 $0x1FFFFFF0, s5  }
0x10b: {  	[tilespmem:s30], [sflag:$0x3] =	stream.linear.gather [hbm4b:s0+s23], $0x80, $0x38;
	[tilespmem:$0x10280] =	vst v63  }
0x10c: {  	s2 =	sadd.s32 s4, s2;
	s0 =	sadd.s32 $0x8900, s24  }
0x10d: {  	[tilespmem:s0], [sflag:$0x3] =	stream.linear.gather [hbm4b:s2+s23], $0x80, $0x38;
	[tilespmem:$0x10280] =	vst v63  }
0x10e: {  	s1 =	sadd.s32 s4, s1;
	s0 =	sadd.s32 $0x8980, s24  }
0x10f: {  	[tilespmem:s0], [sflag:$0x3] =	stream.linear.gather [hbm4b:s1+s23], $0x80, $0x38;
	[tilespmem:$0x10280] =	vst v63  }
0x110: {  	v0 =	vld [tilespmem:s25+$0x0];
	_ =	sdelay $0x4  }
0x111: {  	v0 =	vshll.u32 v0, $0x4  }
0x112: {  	(v2sf) =	vpush v0, $0x0  }
0x113: {  	(v2sf) =	vpush v0, $0x1  }
0x114: {  	(v2sf) =	vpush v0, $0x2;
	_ =	sdelay $0x1  }
0x115: {  	(v2sf) =	vpush v0, $0x4  }
.Ltmp2:
0x116: {  	(pc) =	sbr.rel @p0 .LBB2_6-.Ltmp2, $3  }
0x117: {  	(v2sf) =	vpush v0, $0x3  }
0x118: {  	(v2sf) =	vpush v0, $0x5;
	_ =	sdelay $0x1  }
0x119: {  	s24 =	sshra.s32 s28, $0x2;
	(v2sf) =	vpush v0, $0x6  }
0x11a: {  	_ =	sdelay $0x1  }
0x11b: {  	s5 =	sadd.s32 $0x8280, s24;
	s2 =	sadd.s32 $0x8780, s24  }
0x11c: {  	s6 =	sadd.s32 $0x8580, s24;
	s0 =	sadd.s32 $0x8800, s24;
	(v2sf) =	vpush v0, $0x7;
	s7 =	sadd.s32 $0x8480, s24  }
0x11d: {  	s8 =	sadd.s32 $0x8600, s24;
	s1 =	sadd.s32 $0x8880, s24;
	s9 =	sadd.s32 $0x8200, s24  }
0x11e: {  	s12 =	sadd.s32 $0x8400, s24;
	s14 =	sadd.s32 $0x8500, s24;
	(v2sf) =	vpush v0, $0x8;
	s16 =	spop (v2sf)  }
0x11f: {  	s18 =	sadd.s32 $0x8300, s24;
	s16 =	sand.u32 $0x1FFFFFF0, s16;
	s20 =	spop (v2sf)  }
0x120: {  	(v2sf) =	vpush v0, $0x9;
	s16 =	sadd.s32 s4, s16;
	s20 =	sand.u32 $0x1FFFFFF0, s20;
	s25 =	spop (v2sf)  }
0x121: {  	[tilespmem:s9], [sflag:$0x3] =	stream.linear.gather [hbm4b:s16+s23], $0x80, $0x38;
	[tilespmem:$0x10280] =	vst v63  }
0x122: {  	(v2sf) =	vpush v0, $0xA;
	s26 =	sadd.s32 s4, s20;
	s29 =	sand.u32 $0x1FFFFFF0, s25;
	s28 =	spop (v2sf)  }
0x123: {  	[tilespmem:s5], [sflag:$0x3] =	stream.linear.gather [hbm4b:s26+s23], $0x80, $0x38;
	[tilespmem:$0x10280] =	vst v63  }
0x124: {  	s9 =	sadd.s32 $0x8700, s24;
	(v2sf) =	vpush v0, $0xB;
	s16 =	sadd.s32 s4, s29;
	s30 =	spop (v2sf)  }
0x125: {  	s5 =	sadd.s32 $0x8680, s24;
	s26 =	sadd.s32 $0x8380, s24;
	s25 =	sand.u32 $0x1FFFFFF0, s30  }
0x126: {  	(v2sf) =	vpush v0, $0xC;
	[tilespmem:s18], [sflag:$0x3] =	stream.linear.gather [hbm4b:s16+s23], $0x80, $0x38;
	[tilespmem:$0x10280] =	vst v63  }
0x127: {  	s31 =	sand.u32 $0x1FFFFFF0, s28;
	s28 =	spop (v2sf);
	s29 =	sadd.s32 s4, s25  }
0x128: {  	(v2sf) =	vpush v0, $0xD;
	[tilespmem:s26], [sflag:$0x3] =	stream.linear.gather [hbm4b:s29+s23], $0x80, $0x38;
	[tilespmem:$0x10280] =	vst v63  }
0x129: {  	s16 =	sadd.s32 s4, s31;
	s18 =	sand.u32 $0x1FFFFFF0, s28;
	s30 =	spop (v2sf)  }
0x12a: {  	(v2sf) =	vpush v0, $0xE;
	[tilespmem:s12], [sflag:$0x3] =	stream.linear.gather [hbm4b:s16+s23], $0x80, $0x38;
	[tilespmem:$0x10280] =	vst v63  }
0x12b: {  	s18 =	sadd.s32 s4, s18;
	s31 =	sand.u32 $0x1FFFFFF0, s30;
	s20 =	spop (v2sf)  }
0x12c: {  	(v2sf) =	vpush v0, $0xF;
	[tilespmem:s7], [sflag:$0x3] =	stream.linear.gather [hbm4b:s18+s23], $0x80, $0x38;
	[tilespmem:$0x10280] =	vst v63  }
0x12d: {  	s25 =	sand.u32 $0x1FFFFFF0, s20;
	s26 =	spop (v2sf);
	s12 =	sadd.s32 s4, s31  }
0x12e: {  	[tilespmem:s14], [sflag:$0x3] =	stream.linear.gather [hbm4b:s12+s23], $0x80, $0x38;
	[tilespmem:$0x10280] =	vst v63  }
0x12f: {  	s28 =	sand.u32 $0x1FFFFFF0, s26;
	s7 =	sadd.s32 s4, s25;
	s29 =	spop (v2sf)  }
0x130: {  	[tilespmem:s6], [sflag:$0x3] =	stream.linear.gather [hbm4b:s7+s23], $0x80, $0x38;
	[tilespmem:$0x10280] =	vst v63  }
0x131: {  	s12 =	sadd.s32 s4, s28;
	s30 =	sand.u32 $0x1FFFFFF0, s29;
	s31 =	spop (v2sf)  }
0x132: {  	[tilespmem:s8], [sflag:$0x3] =	stream.linear.gather [hbm4b:s12+s23], $0x80, $0x38;
	[tilespmem:$0x10280] =	vst v63  }
0x133: {  	s7 =	sand.u32 $0x1FFFFFF0, s31;
	s6 =	sadd.s32 s4, s30;
	s12 =	spop (v2sf)  }
0x134: {  	[tilespmem:s5], [sflag:$0x3] =	stream.linear.gather [hbm4b:s6+s23], $0x80, $0x38;
	[tilespmem:$0x10280] =	vst v63  }
0x135: {  	s7 =	sadd.s32 s4, s7;
	s14 =	sand.u32 $0x1FFFFFF0, s12;
	s16 =	spop (v2sf)  }
0x136: {  	[tilespmem:s9], [sflag:$0x3] =	stream.linear.gather [hbm4b:s7+s23], $0x80, $0x38;
	[tilespmem:$0x10280] =	vst v63  }
0x137: {  	s5 =	sadd.s32 s4, s14;
	s6 =	sand.u32 $0x1FFFFFF0, s16;
	s18 =	spop (v2sf)  }
0x138: {  	[tilespmem:s2], [sflag:$0x3] =	stream.linear.gather [hbm4b:s5+s23], $0x80, $0x38;
	[tilespmem:$0x10280] =	vst v63  }
0x139: {  	s20 =	sand.u32 $0x1FFFFFF0, s18;
	s6 =	sadd.s32 s4, s6;
	s25 =	spop (v2sf)  }
0x13a: {  	[tilespmem:s0], [sflag:$0x3] =	stream.linear.gather [hbm4b:s6+s23], $0x80, $0x38;
	[tilespmem:$0x10280] =	vst v63  }
0x13b: {  	s26 =	sand.u32 $0x1FFFFFF0, s25;
	s28 =	spop (v2sf);
	s2 =	sadd.s32 s4, s20  }
0x13c: {  	[tilespmem:s1], [sflag:$0x3] =	stream.linear.gather [hbm4b:s2+s23], $0x80, $0x38;
	[tilespmem:$0x10280] =	vst v63  }
0x13d: {  	s30 =	sadd.s32 $0x8900, s24;
	s29 =	sand.u32 $0x1FFFFFF0, s28;
	s0 =	sadd.s32 s4, s26  }
0x13e: {  	[tilespmem:s30], [sflag:$0x3] =	stream.linear.gather [hbm4b:s0+s23], $0x80, $0x38;
	[tilespmem:$0x10280] =	vst v63  }
0x13f: {  	s31 =	sadd.s32 $0x8980, s24;
	s24 =	simm.s32 $0x180;
	s1 =	sadd.s32 s4, s29  }
0x140: {  	[tilespmem:s31], [sflag:$0x3] =	stream.linear.gather [hbm4b:s1+s23], $0x80, $0x38;
	[tilespmem:$0x10280] =	vst v63  }
0x141: {  	v0 =	vld [tilespmem:s24+$0x0];
	_ =	sdelay $0x4  }
0x142: {  	v0 =	vshll.u32 v0, $0x4  }
0x143: {  	(v2sf) =	vpush v0, $0x0  }
0x144: {  	(v2sf) =	vpush v0, $0x1  }
0x145: {  	(v2sf) =	vpush v0, $0x2;
	_ =	sdelay $0x1  }
0x146: {  	(v2sf) =	vpush v0, $0x4;
	_ =	sdelay $0x1  }
0x147: {  	(v2sf) =	vpush v0, $0x3  }
0x148: {  	(v2sf) =	vpush v0, $0x5  }
0x149: {  	s25 =	simm.s32 $0x2000;
	s23 =	simm.s32 $0x0;
	(v2sf) =	vpush v0, $0x6  }
.LBB2_8:
0x14a: {  	p0 =	sne.s32 s25, $0xE000  }
0x14b: {  	s5 =	sadd.s32 $0xC280, s23;
	s30 =	sadd.s32 $0xC780, s23;
	s26 =	smov.u32 s25  }
0x14c: {  	s25 =	sadd.s32 $0x2000, s25;
	s2 =	sadd.s32 $0xC580, s23;
	s28 =	sadd.s32 $0xC800, s23;
	(v2sf) =	vpush v0, $0x7  }
0x14d: {  	s14 =	sadd.s32 $0xC480, s23;
	s1 =	sadd.s32 $0xC600, s23;
	s29 =	sadd.s32 $0xC880, s23  }
0x14e: {  	s6 =	sadd.s32 $0xC200, s23;
	s7 =	sadd.s32 $0xC400, s23;
	(v2sf) =	vpush v0, $0x8  }
0x14f: {  	s8 =	sadd.s32 $0xC500, s23;
	s24 =	sadd.s32 $0x10, s24  }
0x150: {  	s9 =	sadd.s32 $0xC300, s23;
	s0 =	sadd.s32 $0xC700, s23;
	s12 =	spop (v2sf);
	(v2sf) =	vpush v0, $0x9  }
0x151: {  	s16 =	sand.u32 $0x1FFFFFF0, s12;
	s12 =	sadd.s32 $0xC680, s23;
	s18 =	spop (v2sf)  }
0x152: {  	s16 =	sadd.s32 s4, s16;
	s18 =	sand.u32 $0x1FFFFFF0, s18;
	s20 =	spop (v2sf);
	(v2sf) =	vpush v0, $0xA  }
0x153: {  	[tilespmem:s6], [sflag:$0x4] =	stream.linear.gather [hbm4b:s16+s3], $0x80, $0x38;
	[tilespmem:$0x10280] =	vst v63  }
0x154: {  	s6 =	sadd.s32 s4, s18;
	s16 =	sadd.s32 $0xC380, s23;
	s18 =	spop (v2sf);
	(v2sf) =	vpush v0, $0xB  }
0x155: {  	[tilespmem:s5], [sflag:$0x4] =	stream.linear.gather [hbm4b:s6+s3], $0x80, $0x38;
	[tilespmem:$0x10280] =	vst v63  }
0x156: {  	s5 =	sand.u32 $0x1FFFFFF0, s20;
	s6 =	sand.u32 $0x1FFFFFF0, s18;
	s18 =	spop (v2sf);
	(v2sf) =	vpush v0, $0xC  }
0x157: {  	s5 =	sadd.s32 s4, s5;
	s18 =	sand.u32 $0x1FFFFFF0, s18;
	s20 =	spop (v2sf)  }
0x158: {  	[tilespmem:s9], [sflag:$0x4] =	stream.linear.gather [hbm4b:s5+s3], $0x80, $0x38;
	(v2sf) =	vpush v0, $0xD;
	[tilespmem:$0x10280] =	vst v63  }
0x159: {  	s5 =	sadd.s32 s4, s18;
	s9 =	sand.u32 $0x1FFFFFF0, s20;
	s18 =	spop (v2sf)  }
0x15a: {  	[tilespmem:s16], [sflag:$0x4] =	stream.linear.gather [hbm4b:s5+s3], $0x80, $0x38;
	(v2sf) =	vpush v0, $0xE;
	[tilespmem:$0x10280] =	vst v63  }
0x15b: {  	s5 =	sadd.s32 s4, s6;
	s6 =	sand.u32 $0x1FFFFFF0, s18;
	s16 =	spop (v2sf)  }
0x15c: {  	[tilespmem:s7], [sflag:$0x4] =	stream.linear.gather [hbm4b:s5+s3], $0x80, $0x38;
	(v2sf) =	vpush v0, $0xF;
	[tilespmem:$0x10280] =	vst v63  }
0x15d: {  	s5 =	sadd.s32 s4, s9;
	s7 =	sand.u32 $0x1FFFFFF0, s16;
	s9 =	spop (v2sf)  }
0x15e: {  	[tilespmem:s14], [sflag:$0x4] =	stream.linear.gather [hbm4b:s5+s3], $0x80, $0x38;
	[tilespmem:$0x10280] =	vst v63  }
0x15f: {  	s5 =	sadd.s32 s4, s6;
	s6 =	sand.u32 $0x1FFFFFF0, s9;
	s9 =	spop (v2sf)  }
0x160: {  	[tilespmem:s8], [sflag:$0x4] =	stream.linear.gather [hbm4b:s5+s3], $0x80, $0x38;
	[tilespmem:$0x10280] =	vst v63  }
0x161: {  	s5 =	sadd.s32 s4, s7;
	s7 =	sand.u32 $0x1FFFFFF0, s9;
	s8 =	spop (v2sf)  }
0x162: {  	[tilespmem:s2], [sflag:$0x4] =	stream.linear.gather [hbm4b:s5+s3], $0x80, $0x38;
	[tilespmem:$0x10280] =	vst v63  }
0x163: {  	s2 =	sadd.s32 s4, s6;
	s5 =	sand.u32 $0x1FFFFFF0, s8;
	s6 =	spop (v2sf)  }
0x164: {  	[tilespmem:s1], [sflag:$0x4] =	stream.linear.gather [hbm4b:s2+s3], $0x80, $0x38;
	[tilespmem:$0x10280] =	vst v63  }
0x165: {  	s1 =	sadd.s32 s4, s7;
	s2 =	sand.u32 $0x1FFFFFF0, s6;
	s6 =	spop (v2sf)  }
0x166: {  	[tilespmem:s12], [sflag:$0x4] =	stream.linear.gather [hbm4b:s1+s3], $0x80, $0x38;
	[tilespmem:$0x10280] =	vst v63  }
0x167: {  	s1 =	sadd.s32 s4, s5;
	s5 =	sand.u32 $0x1FFFFFF0, s6;
	s6 =	spop (v2sf)  }
0x168: {  	[tilespmem:s0], [sflag:$0x4] =	stream.linear.gather [hbm4b:s1+s3], $0x80, $0x38;
	[tilespmem:$0x10280] =	vst v63  }
0x169: {  	s0 =	sadd.s32 s4, s2;
	s1 =	sand.u32 $0x1FFFFFF0, s6;
	s2 =	spop (v2sf)  }
0x16a: {  	[tilespmem:s30], [sflag:$0x4] =	stream.linear.gather [hbm4b:s0+s3], $0x80, $0x38;
	[tilespmem:$0x10280] =	vst v63  }
0x16b: {  	s0 =	sadd.s32 s4, s5;
	s2 =	sand.u32 $0x1FFFFFF0, s2;
	s5 =	spop (v2sf)  }
0x16c: {  	[tilespmem:s28], [sflag:$0x4] =	stream.linear.gather [hbm4b:s0+s3], $0x80, $0x38;
	[tilespmem:$0x10280] =	vst v63  }
0x16d: {  	s0 =	sadd.s32 s4, s1;
	s1 =	sand.u32 $0x1FFFFFF0, s5  }
0x16e: {  	[tilespmem:s29], [sflag:$0x4] =	stream.linear.gather [hbm4b:s0+s3], $0x80, $0x38;
	[tilespmem:$0x10280] =	vst v63  }
0x16f: {  	s2 =	sadd.s32 s4, s2;
	s0 =	sadd.s32 $0xC900, s23  }
0x170: {  	[tilespmem:s0], [sflag:$0x4] =	stream.linear.gather [hbm4b:s2+s3], $0x80, $0x38;
	[tilespmem:$0x10280] =	vst v63  }
0x171: {  	s1 =	sadd.s32 s4, s1;
	s0 =	sadd.s32 $0xC980, s23  }
0x172: {  	[tilespmem:s0], [sflag:$0x4] =	stream.linear.gather [hbm4b:s1+s3], $0x80, $0x38;
	[tilespmem:$0x10280] =	vst v63  }
0x173: {  	v0 =	vld [tilespmem:s24+$0x0];
	_ =	sdelay $0x4  }
0x174: {  	v0 =	vshll.u32 v0, $0x4  }
0x175: {  	(v2sf) =	vpush v0, $0x0  }
0x176: {  	(v2sf) =	vpush v0, $0x1  }
0x177: {  	(v2sf) =	vpush v0, $0x2;
	_ =	sdelay $0x1  }
0x178: {  	(v2sf) =	vpush v0, $0x4  }
.Ltmp3:
0x179: {  	(pc) =	sbr.rel @p0 .LBB2_8-.Ltmp3, $3  }
0x17a: {  	(v2sf) =	vpush v0, $0x3  }
0x17b: {  	(v2sf) =	vpush v0, $0x5;
	_ =	sdelay $0x1  }
0x17c: {  	s23 =	sshra.s32 s26, $0x2;
	(v2sf) =	vpush v0, $0x6  }
0x17d: {  	_ =	sdelay $0x1  }
0x17e: {  	s5 =	sadd.s32 $0xC280, s23;
	s2 =	sadd.s32 $0xC780, s23  }
0x17f: {  	s6 =	sadd.s32 $0xC580, s23;
	s0 =	sadd.s32 $0xC800, s23;
	(v2sf) =	vpush v0, $0x7;
	s7 =	sadd.s32 $0xC480, s23  }
0x180: {  	s8 =	sadd.s32 $0xC600, s23;
	s1 =	sadd.s32 $0xC880, s23;
	s9 =	sadd.s32 $0xC200, s23  }
0x181: {  	s12 =	sadd.s32 $0xC400, s23;
	s14 =	sadd.s32 $0xC500, s23;
	(v2sf) =	vpush v0, $0x8;
	s16 =	spop (v2sf)  }
0x182: {  	s18 =	sadd.s32 $0xC300, s23;
	s16 =	sand.u32 $0x1FFFFFF0, s16;
	s20 =	spop (v2sf)  }
0x183: {  	(v2sf) =	vpush v0, $0x9;
	s16 =	sadd.s32 s4, s16;
	s20 =	sand.u32 $0x1FFFFFF0, s20;
	s24 =	spop (v2sf)  }
0x184: {  	[tilespmem:s9], [sflag:$0x4] =	stream.linear.gather [hbm4b:s16+s3], $0x80, $0x38;
	[tilespmem:$0x10280] =	vst v63  }
0x185: {  	s25 =	sadd.s32 $0xC380, s23;
	(v2sf) =	vpush v0, $0xA;
	s30 =	sadd.s32 s4, s20;
	s31 =	spop (v2sf)  }
0x186: {  	[tilespmem:s5], [sflag:$0x4] =	stream.linear.gather [hbm4b:s30+s3], $0x80, $0x38;
	[tilespmem:$0x10280] =	vst v63  }
0x187: {  	s9 =	sadd.s32 $0xC700, s23;
	s24 =	sand.u32 $0x1FFFFFF0, s24;
	(v2sf) =	vpush v0, $0xB;
	s26 =	spop (v2sf)  }
0x188: {  	s16 =	sadd.s32 s4, s24;
	s5 =	sadd.s32 $0xC680, s23;
	s24 =	sand.u32 $0x1FFFFFF0, s26  }
0x189: {  	(v2sf) =	vpush v0, $0xC;
	[tilespmem:s18], [sflag:$0x4] =	stream.linear.gather [hbm4b:s16+s3], $0x80, $0x38;
	[tilespmem:$0x10280] =	vst v63  }
0x18a: {  	s28 =	sand.u32 $0x1FFFFFF0, s31;
	s29 =	spop (v2sf);
	s30 =	sadd.s32 s4, s24  }
0x18b: {  	(v2sf) =	vpush v0, $0xD;
	[tilespmem:s25], [sflag:$0x4] =	stream.linear.gather [hbm4b:s30+s3], $0x80, $0x38;
	[tilespmem:$0x10280] =	vst v63  }
0x18c: {  	s16 =	sadd.s32 s4, s28;
	s18 =	sand.u32 $0x1FFFFFF0, s29;
	s31 =	spop (v2sf)  }
0x18d: {  	(v2sf) =	vpush v0, $0xE;
	[tilespmem:s12], [sflag:$0x4] =	stream.linear.gather [hbm4b:s16+s3], $0x80, $0x38;
	[tilespmem:$0x10280] =	vst v63  }
0x18e: {  	s18 =	sadd.s32 s4, s18;
	s20 =	sand.u32 $0x1FFFFFF0, s31;
	s24 =	spop (v2sf)  }
0x18f: {  	(v2sf) =	vpush v0, $0xF;
	[tilespmem:s7], [sflag:$0x4] =	stream.linear.gather [hbm4b:s18+s3], $0x80, $0x38;
	[tilespmem:$0x10280] =	vst v63  }
0x190: {  	s25 =	sand.u32 $0x1FFFFFF0, s24;
	s26 =	spop (v2sf);
	s12 =	sadd.s32 s4, s20  }
0x191: {  	[tilespmem:s14], [sflag:$0x4] =	stream.linear.gather [hbm4b:s12+s3], $0x80, $0x38;
	[tilespmem:$0x10280] =	vst v63  }
0x192: {  	s28 =	sand.u32 $0x1FFFFFF0, s26;
	s7 =	sadd.s32 s4, s25;
	s29 =	spop (v2sf)  }
0x193: {  	[tilespmem:s6], [sflag:$0x4] =	stream.linear.gather [hbm4b:s7+s3], $0x80, $0x38;
	[tilespmem:$0x10280] =	vst v63  }
0x194: {  	s12 =	sadd.s32 s4, s28;
	s30 =	sand.u32 $0x1FFFFFF0, s29;
	s31 =	spop (v2sf)  }
0x195: {  	[tilespmem:s8], [sflag:$0x4] =	stream.linear.gather [hbm4b:s12+s3], $0x80, $0x38;
	[tilespmem:$0x10280] =	vst v63  }
0x196: {  	s7 =	sand.u32 $0x1FFFFFF0, s31;
	s6 =	sadd.s32 s4, s30;
	s14 =	spop (v2sf)  }
0x197: {  	[tilespmem:s5], [sflag:$0x4] =	stream.linear.gather [hbm4b:s6+s3], $0x80, $0x38;
	[tilespmem:$0x10280] =	vst v63  }
0x198: {  	s7 =	sadd.s32 s4, s7;
	s16 =	sand.u32 $0x1FFFFFF0, s14;
	s18 =	spop (v2sf)  }
0x199: {  	[tilespmem:s9], [sflag:$0x4] =	stream.linear.gather [hbm4b:s7+s3], $0x80, $0x38;
	[tilespmem:$0x10280] =	vst v63  }
0x19a: {  	s5 =	sadd.s32 s4, s16;
	s6 =	sand.u32 $0x1FFFFFF0, s18;
	s20 =	spop (v2sf)  }
0x19b: {  	[tilespmem:s2], [sflag:$0x4] =	stream.linear.gather [hbm4b:s5+s3], $0x80, $0x38;
	[tilespmem:$0x10280] =	vst v63  }
0x19c: {  	s24 =	sand.u32 $0x1FFFFFF0, s20;
	s6 =	sadd.s32 s4, s6;
	s25 =	spop (v2sf)  }
0x19d: {  	[tilespmem:s0], [sflag:$0x4] =	stream.linear.gather [hbm4b:s6+s3], $0x80, $0x38;
	[tilespmem:$0x10280] =	vst v63  }
0x19e: {  	s26 =	sand.u32 $0x1FFFFFF0, s25;
	s28 =	spop (v2sf);
	s2 =	sadd.s32 s4, s24  }
0x19f: {  	[tilespmem:s1], [sflag:$0x4] =	stream.linear.gather [hbm4b:s2+s3], $0x80, $0x38;
	[tilespmem:$0x10280] =	vst v63  }
0x1a0: {  	s30 =	sadd.s32 $0xC900, s23;
	s29 =	sand.u32 $0x1FFFFFF0, s28;
	s0 =	sadd.s32 s4, s26  }
0x1a1: {  	[tilespmem:s30], [sflag:$0x4] =	stream.linear.gather [hbm4b:s0+s3], $0x80, $0x38;
	[tilespmem:$0x10280] =	vst v63  }
0x1a2: {  	s31 =	sadd.s32 $0xC980, s23;
	s1 =	sadd.s32 s4, s29  }
0x1a3: {  	[tilespmem:s31], [sflag:$0x4] =	stream.linear.gather [hbm4b:s1+s3], $0x80, $0x38;
	[tilespmem:$0x10280] =	vst v63  }
0x1a4: {  	v2 =	vld [tilespmem:$0x10200]  }
0x1a5: {  	v3 =	vld [tilespmem:$0x10210]  }
0x1a6: {  	v1 =	vld [tilespmem:$0x10220]  }
0x1a7: {  	v0 =	vld [tilespmem:$0x10230];
	_ =	swait.ge [sflag:s13], $0x4000  }
0x1a8: {  	[sflag:s13] =	ssyncset.done $0x0  }
0x1a9: {  	s0 =	simm.s32 $0x0;
	[sflag:s13] =	ssyncadd.s32 $0xFFFFC000  }
0x1aa: {  	v4 =	vld [tilespmem:s0+$0x200]  }
0x1ab: {  	v6 =	vld [tilespmem:s0+$0x210]  }
0x1ac: {  	s1 =	simm.s32 $0x200;
	v5 =	vld [tilespmem:s0+$0x220]  }
.LBB2_10:
0x1ad: {  	p0 =	sne.s32 s1, $0xFE00;
	v7 =	vld [tilespmem:s0+$0x230];
	_ =	sdelay $0x1  }
0x1ae: {  	v4 =	vadd.f32 v4, v2  }
.Ltmp4:
0x1af: {  	v6 =	vadd.f32 v6, v3;
	(pc) =	sbr.rel @p0 .LBB2_10-.Ltmp4, $4  }
0x1b0: {  	s2 =	sshra.s32 s1, $0x2;
	[tilespmem:s0+$0x200] =	vst v4;
	v5 =	vadd.f32 v5, v1  }
0x1b1: {  	v4 =	vld [tilespmem:s2+$0x200];
	[tilespmem:s0+$0x210] =	vst v6;
	v7 =	vadd.f32 v7, v0  }
0x1b2: {  	v6 =	vld [tilespmem:s2+$0x210];
	[tilespmem:s0+$0x220] =	vst v5  }
0x1b3: {  	s1 =	sadd.s32 $0x200, s1;
	v5 =	vld [tilespmem:s2+$0x220];
	[tilespmem:s0+$0x230] =	vst v7;
	s0 =	smov.u32 s2  }
0x1b4: {  	v7 =	vld [tilespmem:s0+$0x230];
	_ =	sdelay $0x1  }
0x1b5: {  	v4 =	vadd.f32 v4, v2  }
0x1b6: {  	v6 =	vadd.f32 v6, v3  }
0x1b7: {  	[tilespmem:s0+$0x200] =	vst v4;
	v4 =	vadd.f32 v5, v1  }
0x1b8: {  	[tilespmem:s0+$0x210] =	vst v6;
	v5 =	vadd.f32 v7, v0  }
0x1b9: {  	[tilespmem:s0+$0x220] =	vst v4  }
0x1ba: {  	s31 =	rddreg [dreg:$0x5];
	s1 =	simm.s32 $0x200;
	[tilespmem:s0+$0x230] =	vst v5  }
0x1bb: {  	[hbm4b:s31+s3] =	stream.linear.scatter [tilespmem:s1], [sflag:$0x5], $0x4000, $0x38;
	[tilespmem:$0x10280] =	vst v63  }
0x1bc: {  	_ =	swait.ge [sflag:s15], $0x4000  }
0x1bd: {  	[sflag:s15] =	ssyncset.done $0x0  }
0x1be: {  	s0 =	simm.s32 $0xFFFFC000;
	[sflag:s15] =	ssyncadd.s32 $0xFFFFC000  }
0x1bf: {  	v4 =	vld [tilespmem:s0+$0x8200]  }
0x1c0: {  	v6 =	vld [tilespmem:s0+$0x8210]  }
0x1c1: {  	s1 =	simm.s32 $0xFFFF0200;
	v5 =	vld [tilespmem:s0+$0x8220]  }
.LBB2_12:
0x1c2: {  	p0 =	sne.s32 s1, $0xFFFFFE00;
	v7 =	vld [tilespmem:s0+$0x8230];
	_ =	sdelay $0x1  }
0x1c3: {  	v4 =	vadd.f32 v4, v2  }
.Ltmp5:
0x1c4: {  	v6 =	vadd.f32 v6, v3;
	(pc) =	sbr.rel @p0 .LBB2_12-.Ltmp5, $4  }
0x1c5: {  	s2 =	sshra.s32 s1, $0x2;
	[tilespmem:s0+$0x8200] =	vst v4;
	v5 =	vadd.f32 v5, v1  }
0x1c6: {  	v4 =	vld [tilespmem:s2+$0x8200];
	[tilespmem:s0+$0x8210] =	vst v6;
	v7 =	vadd.f32 v7, v0  }
0x1c7: {  	v6 =	vld [tilespmem:s2+$0x8210];
	[tilespmem:s0+$0x8220] =	vst v5  }
0x1c8: {  	s1 =	sadd.s32 $0x200, s1;
	v5 =	vld [tilespmem:s2+$0x8220];
	[tilespmem:s0+$0x8230] =	vst v7;
	s0 =	smov.u32 s2  }
0x1c9: {  	v7 =	vld [tilespmem:s0+$0x8230];
	_ =	sdelay $0x1  }
0x1ca: {  	v4 =	vadd.f32 v4, v2  }
0x1cb: {  	v6 =	vadd.f32 v6, v3  }
0x1cc: {  	[tilespmem:s0+$0x8200] =	vst v4;
	v4 =	vadd.f32 v5, v1  }
0x1cd: {  	[tilespmem:s0+$0x8210] =	vst v6;
	v5 =	vadd.f32 v7, v0  }
0x1ce: {  	[tilespmem:s0+$0x8220] =	vst v4  }
0x1cf: {  	s31 =	rddreg [dreg:$0x6];
	s1 =	simm.s32 $0x4200;
	[tilespmem:s0+$0x8230] =	vst v5  }
0x1d0: {  	[hbm4b:s31+s3] =	stream.linear.scatter [tilespmem:s1], [sflag:$0x5], $0x4000, $0x38;
	[tilespmem:$0x10280] =	vst v63  }
0x1d1: {  	_ =	swait.ge [sflag:s17], $0x4000  }
0x1d2: {  	[sflag:s17] =	ssyncset.done $0x0  }
0x1d3: {  	s0 =	simm.s32 $0xFFFFC000;
	[sflag:s17] =	ssyncadd.s32 $0xFFFFC000  }
0x1d4: {  	v4 =	vld [tilespmem:s0+$0xC200]  }
0x1d5: {  	v6 =	vld [tilespmem:s0+$0xC210]  }
0x1d6: {  	s1 =	simm.s32 $0xFFFF0200;
	v5 =	vld [tilespmem:s0+$0xC220]  }
.LBB2_14:
0x1d7: {  	p0 =	sne.s32 s1, $0xFFFFFE00;
	v7 =	vld [tilespmem:s0+$0xC230];
	_ =	sdelay $0x1  }
0x1d8: {  	v4 =	vadd.f32 v4, v2  }
.Ltmp6:
0x1d9: {  	v6 =	vadd.f32 v6, v3;
	(pc) =	sbr.rel @p0 .LBB2_14-.Ltmp6, $4  }
0x1da: {  	s2 =	sshra.s32 s1, $0x2;
	[tilespmem:s0+$0xC200] =	vst v4;
	v5 =	vadd.f32 v5, v1  }
0x1db: {  	v4 =	vld [tilespmem:s2+$0xC200];
	[tilespmem:s0+$0xC210] =	vst v6;
	v7 =	vadd.f32 v7, v0  }
0x1dc: {  	v6 =	vld [tilespmem:s2+$0xC210];
	[tilespmem:s0+$0xC220] =	vst v5  }
0x1dd: {  	s1 =	sadd.s32 $0x200, s1;
	v5 =	vld [tilespmem:s2+$0xC220];
	[tilespmem:s0+$0xC230] =	vst v7;
	s0 =	smov.u32 s2  }
0x1de: {  	v7 =	vld [tilespmem:s0+$0xC230];
	_ =	sdelay $0x1  }
0x1df: {  	v4 =	vadd.f32 v4, v2  }
0x1e0: {  	v6 =	vadd.f32 v6, v3  }
0x1e1: {  	[tilespmem:s0+$0xC200] =	vst v4;
	v4 =	vadd.f32 v5, v1  }
0x1e2: {  	[tilespmem:s0+$0xC210] =	vst v6;
	v5 =	vadd.f32 v7, v0  }
0x1e3: {  	[tilespmem:s0+$0xC220] =	vst v4  }
0x1e4: {  	s31 =	rddreg [dreg:$0x7];
	s1 =	simm.s32 $0x8200;
	[tilespmem:s0+$0xC230] =	vst v5  }
0x1e5: {  	[hbm4b:s31+s3] =	stream.linear.scatter [tilespmem:s1], [sflag:$0x5], $0x4000, $0x38;
	[tilespmem:$0x10280] =	vst v63  }
0x1e6: {  	_ =	swait.ge [sflag:s19], $0x4000  }
0x1e7: {  	[sflag:s19] =	ssyncset.done $0x0  }
0x1e8: {  	s0 =	simm.s32 $0xFFFFC000;
	[sflag:s19] =	ssyncadd.s32 $0xFFFFC000  }
0x1e9: {  	v4 =	vld [tilespmem:s0+$0x10200]  }
0x1ea: {  	v6 =	vld [tilespmem:s0+$0x10210]  }
0x1eb: {  	s1 =	simm.s32 $0xFFFF0200;
	v5 =	vld [tilespmem:s0+$0x10220]  }
.LBB2_16:
0x1ec: {  	p0 =	sne.s32 s1, $0xFFFFFE00;
	v7 =	vld [tilespmem:s0+$0x10230];
	_ =	sdelay $0x1  }
0x1ed: {  	v4 =	vadd.f32 v4, v2  }
.Ltmp7:
0x1ee: {  	v6 =	vadd.f32 v6, v3;
	(pc) =	sbr.rel @p0 .LBB2_16-.Ltmp7, $4  }
0x1ef: {  	s2 =	sshra.s32 s1, $0x2;
	[tilespmem:s0+$0x10200] =	vst v4;
	v5 =	vadd.f32 v5, v1  }
0x1f0: {  	v4 =	vld [tilespmem:s2+$0x10200];
	[tilespmem:s0+$0x10210] =	vst v6;
	v7 =	vadd.f32 v7, v0  }
0x1f1: {  	v6 =	vld [tilespmem:s2+$0x10210];
	[tilespmem:s0+$0x10220] =	vst v5  }
0x1f2: {  	s1 =	sadd.s32 $0x200, s1;
	v5 =	vld [tilespmem:s2+$0x10220];
	[tilespmem:s0+$0x10230] =	vst v7;
	s0 =	smov.u32 s2  }
0x1f3: {  	v7 =	vld [tilespmem:s0+$0x10230];
	_ =	sdelay $0x1  }
0x1f4: {  	v2 =	vadd.f32 v4, v2  }
0x1f5: {  	v3 =	vadd.f32 v6, v3  }
0x1f6: {  	[tilespmem:s0+$0x10200] =	vst v2;
	v1 =	vadd.f32 v5, v1  }
0x1f7: {  	[tilespmem:s0+$0x10210] =	vst v3;
	v0 =	vadd.f32 v7, v0  }
0x1f8: {  	[tilespmem:s0+$0x10220] =	vst v1  }
0x1f9: {  	s31 =	rddreg [dreg:$0x8];
	s1 =	simm.s32 $0xC200;
	[tilespmem:s0+$0x10230] =	vst v0  }
0x1fa: {  	[hbm4b:s31+s3] =	stream.linear.scatter [tilespmem:s1], [sflag:$0x5], $0x4000, $0x38;
	[tilespmem:$0x10280] =	vst v63  }
0x1fb: {  	_ =	swait.ge [sflag:s21], $0x4000  }
0x1fc: {  	[sflag:s21] =	ssyncset.done $0x0  }
0x1fd: {  	[sflag:s21] =	ssyncadd.s32 $0xFFFFC000  }
0x1fe: {  	_ =	swait.ge [sflag:s21], $0x4000  }
0x1ff: {  	[sflag:s21] =	ssyncset.done $0x0  }
0x200: {  	s22 =	sadd.s32 $0x1, s22;
	[sflag:s21] =	ssyncadd.s32 $0xFFFFC000  }
0x201: {  	p0 =	sne.s32 s22, s10;
	_ =	swait.ge [sflag:s21], $0x4000  }
.Ltmp8:
0x202: {  	[sflag:s21] =	ssyncset.done $0x0;
	(pc) =	sbr.rel @p0 .LBB2_1-.Ltmp8, $4  }
0x203: {  	[sflag:s21] =	ssyncadd.s32 $0xFFFFC000  }
0x204: {  	_ =	swait.ge [sflag:s21], $0x4000  }
0x205: {  	[sflag:s21] =	ssyncset.done $0x0  }
0x206: {  	[sflag:s21] =	ssyncadd.s32 $0xFFFFC000  }
0x207: {  	_ =	sfence.sel $0x180000  }
0x208: {  	[bflag:$0x0] =	sbarrier.arrive $0xFFFF  }
0x209: {  	_ =	strace $0x90000047  }
0x20a: {  	s0 =	stileid.u32;
	[bflag:$0x2] =	sbarrier.arrive $0xFFFF  }
0x20b: {  	p0 =	sne.s32 s0, $0x0;
	s0 =	rddreg [dreg:$0x3]  }
0x20c: {  	s0 =	sadd.s32 @!p0 $0x100000, s0  }
0x20d: {  	[sflag:s0] =	ssyncadd.tile.s32 @!p0 $0x1;
	_ =	shalt  }
.Lfunc_end2:
_tile_overlayer_lowered:
.L_overlay_start_2:
0x20e: {  	(tag) =	ssettag $0x2  }
0x20f: {  	s0 =	rddreg [dreg:$0x0];
	s2 =	stileid.u32  }
0x210: {  	s1 =	rddreg [dreg:$0x1];
	p0 =	sne.s32 s2, $0x0  }
0x211: {  	s3 =	rddreg [dreg:$0x2];
	[bflag:$0x3] =	sbarrier.arrive $0xFFFF;
	s2 =	simm.s32 @!p0 $0x1C06  }
0x212: {  	[timem:s3], [sflag:s2] =	dma.local @!p0 [hbm:s0], s1  }
0x213: {  	s0 =	simm.s32 @!p0 $0x6  }
0x214: {  	_ =	swait.ge @!p0 [sflag:s0], s1  }
0x215: {  	s1 =	ssub.s32 @!p0 $0x0, s1;
	[sflag:s0] =	ssyncset.done @!p0 $0x0  }
0x216: {  	[sflag:s0] =	ssyncadd.s32 @!p0 s1  }
0x217: {  	[bflag:$0x3] =	sbarrier.arrive $0xFFFF  }
0x218: {  	_ =	shalt  }

</sc_bundles>
